<compile_context>
chip_gen: v7x
topology: tpu7x:2x2x1
jax: 0.10.2.dev20260603
libtpu: 0.0.44.dev20260713+nightly
codegen_flags: <defaults>
</compile_context>

<pallas_src>
import functools

import jax
import jax.numpy as jnp
import numpy as np
from jax import lax
from jax.experimental import pallas as pl
from jax.experimental.pallas import tpu as pltpu
from jax.experimental.pallas import tpu_sc as plsc

L = 16


def _interleave_perm_half():
    lo = [32 * (p // 16) + p % 16 for p in range(64)]
    hi = [32 * (p // 16) + 16 + p % 16 for p in range(64)]
    return lo + hi


def _w_perms(d):
    half = _interleave_perm_half()
    full = list(range(2 * d))
    for t in (2, 3):
        for c in (0, 1):
            base = 256 * t + 128 * c
            full += [base + p for p in half]
    eperm = []
    for c in (0, 1):
        eperm += [128 * c + p for p in half]
    return np.array(full, np.int32), np.array(eperm, np.int32)


def _pack_bf16_u32(xf):
    u = lax.bitcast_convert_type(xf, jnp.uint32) + jnp.uint32(0x8000)
    return (u[:, 0:64] >> 16) | (u[:, 64:128] & jnp.uint32(0xFFFF0000))


def _node_proj_body(nf_ref, w_ref, b_ref, hq_ref, kvb_ref):
    x = jnp.dot(nf_ref[...], w_ref[...], preferred_element_type=jnp.float32)
    x = x + b_ref[...][None, :]
    for t in range(2):
        for c in range(2):
            hq_ref[2 * t + c] = x[:, 256 * t + 128 * c : 256 * t + 128 * c + 128]
    for c in range(2):
        kvb_ref[c, :, 0:64] = _pack_bf16_u32(x[:, 512 + 128 * c : 512 + 128 * c + 128])
        kvb_ref[c, :, 64:128] = _pack_bf16_u32(x[:, 768 + 128 * c : 768 + 128 * c + 128])


def _node_proj(nf, w, b, bn=1024):
    n, d = nf.shape
    grid = (n // bn,)
    return pl.pallas_call(
        _node_proj_body,
        grid=grid,
        in_specs=[
            pl.BlockSpec((bn, d), lambda i: (i, 0)),
            pl.BlockSpec((d, 4 * d), lambda i: (0, 0)),
            pl.BlockSpec((4 * d,), lambda i: (0,)),
        ],
        out_specs=[
            pl.BlockSpec((4, bn, 128), lambda i: (0, i, 0)),
            pl.BlockSpec((2, bn, 128), lambda i: (0, i, 0)),
        ],
        out_shape=[
            jax.ShapeDtypeStruct((4, n, 128), jnp.float32),
            jax.ShapeDtypeStruct((2, n, 128), jnp.uint32),
        ],
    )(nf, w, b)


def _edge_proj_body(ef_ref, we_ref, be_ref, out_ref):
    y = jnp.dot(ef_ref[...], we_ref[...], preferred_element_type=jnp.float32)
    y = y + be_ref[...][None, :]
    out_ref[0] = _pack_bf16_u32(y[:, 0:128])
    out_ref[1] = _pack_bf16_u32(y[:, 128:256])


def _edge_proj(ef, we, be, be_blk=8000):
    e, de = ef.shape
    d = we.shape[1]
    grid = (e // be_blk,)
    return pl.pallas_call(
        _edge_proj_body,
        grid=grid,
        in_specs=[
            pl.BlockSpec((be_blk, de), lambda i: (i, 0)),
            pl.BlockSpec((de, d), lambda i: (0, 0)),
            pl.BlockSpec((d,), lambda i: (0,)),
        ],
        out_specs=pl.BlockSpec((2, be_blk, 64), lambda i: (0, i, 0)),
        out_shape=jax.ShapeDtypeStruct((2, e, 64), jnp.uint32),
    )(ef, we, be)


def _make_sc_kernel(npad, e, h):
    info = plsc.get_sparse_core_info()
    nc, ns = info.num_cores, info.num_subcores
    epw = e // ns
    B = 40
    IG = 10
    G = IG * B
    ngrp = epw // G
    nch = epw // B
    npw = npad // ns

    mesh = plsc.VectorSubcoreMesh(core_axis_name="c", subcore_axis_name="s")

    @functools.partial(
        pl.kernel,
        out_type=(
            jax.ShapeDtypeStruct((e, 2 * h), jnp.float32),
            jax.ShapeDtypeStruct((npad, 2 * h), jnp.float32),
        ),
        mesh=mesh,
        scratch_types=[
            pltpu.VMEM_SHARED((npad, h), jnp.float32),
            pltpu.VMEM((2, G), jnp.int32),
            pltpu.VMEM((G,), jnp.int32),
            pltpu.VMEM((G,), jnp.int32),
            [pltpu.VMEM((B,), jnp.int32) for _ in range(2)],
            [pltpu.VMEM((B, h), jnp.float32) for _ in range(2)],
            [pltpu.VMEM((B, h), jnp.uint32) for _ in range(2)],
            [pltpu.VMEM((B, h // 2), jnp.uint32) for _ in range(2)],
            [pltpu.VMEM((B, h), jnp.float32) for _ in range(2)],
            pltpu.SemaphoreType.DMA,
            [pltpu.SemaphoreType.DMA for _ in range(2)],
            [pltpu.SemaphoreType.DMA for _ in range(2)],
            [pltpu.SemaphoreType.DMA for _ in range(2)],
            [pltpu.SemaphoreType.DMA for _ in range(2)],
            [pltpu.SemaphoreType.DMA for _ in range(2)],
        ],
    )
    def sc_kernel(hq, kvt, efb, idx2, edges_out, nodes_out,
                  acc, stage, qig, kvig, rsc, qrows, kvrows, efrows,
                  mrows, sem_idx, sem_q, sem_kv, sem_ef, sem_we,
                  sem_ws):
        c = lax.axis_index("c")
        s = lax.axis_index("s")
        nvr = h // L

        pltpu.sync_copy(hq.at[pl.ds(c * npad + s * npw, npw)],
                        acc.at[pl.ds(s * npw, npw)])
        plsc.subcore_barrier()

        qbase = (2 + c) * npad
        kvbase = c * npad

        def adjust_group():
            def adj_body(i, _):
                sl = pl.ds(i * L, L)
                qig[sl] = stage[0, sl] + qbase
                kvig[sl] = stage[1, sl] + kvbase
                return 0
            lax.fori_loop(0, G // L, adj_body, 0)

        def prefetch_group(g):
            @pl.when(g < ngrp)
            def _():
                pltpu.make_async_copy(idx2.at[s, g], stage, sem_idx).start()

        def wait_stage():
            pltpu.make_async_copy(idx2.at[s, 0], stage, sem_idx).wait()

        def copy_rsc(b, k):
            o = k * B
            for st in (0, 16, B - L):
                rsc[b][pl.ds(st, L)] = qig[pl.ds(o + st, L)] - qbase

        def gather_descs(b, j):
            k = lax.rem(j, IG)
            e0 = s * epw + j * B
            return (
                pltpu.make_async_copy(hq.at[qig.at[pl.ds(k * B, B)]],
                                      qrows[b], sem_q[b]),
                pltpu.make_async_copy(kvt.at[kvig.at[pl.ds(k * B, B)]],
                                      kvrows[b], sem_kv[b]),
                pltpu.make_async_copy(efb.at[c, pl.ds(e0, B)],
                                      efrows[b], sem_ef[b]),
            )

        def issue_wb(b, j):
            e0 = s * epw + j * B
            pltpu.make_async_copy(
                qrows[b], edges_out.at[pl.ds(e0, B), pl.ds(c * h, h)],
                sem_we[b]).start()
            pltpu.async_copy(mrows[b], acc.at[rsc[b]], sem_ws[b], add=True)

        def wait_wb(b, j):
            e0 = s * epw + j * B
            pltpu.make_async_copy(
                qrows[b], edges_out.at[pl.ds(e0, B), pl.ds(c * h, h)],
                sem_we[b]).wait()
            pltpu.make_async_copy(mrows[b], acc.at[rsc[b]],
                                  sem_ws[b]).wait()

        def issue_gathers(b, j):
            for d in gather_descs(b, j):
                d.start()

        def wait_gathers(b, j):
            for d in gather_descs(b, j):
                d.wait()

        def compute(b):
            def row_body(r, _):
                ngl = nvr // 2

                def ld(ref, g0):
                    w = ref[r, pl.ds(g0 * L, L)]
                    lo = lax.bitcast_convert_type(w << 16, jnp.float32)
                    hi = lax.bitcast_convert_type(
                        w & jnp.uint32(0xFFFF0000), jnp.float32)
                    return (lo, hi)

                qs = [qrows[b][r, pl.ds(cv * L, L)] for cv in range(nvr)]
                ks = [ld(kvrows[b], g) for g in range(ngl)]
                vs = [ld(kvrows[b], ngl + g) for g in range(ngl)]
                es = [ld(efrows[b], g) for g in range(ngl)]
                evs = []
                for g in range(ngl):
                    for u in range(2):
                        evs.append(qs[2 * g + u] + ks[g][u] + es[g][u])
                etas = [1.0 / (1.0 + jnp.exp(-ev)) for ev in evs]
                for g in range(ngl):
                    for u in range(2):
                        qrows[b][r, pl.ds((2 * g + u) * L, L)] = evs[2 * g + u]
                for g in range(ngl):
                    for u in range(2):
                        mrows[b][r, pl.ds((2 * g + u) * L, L)] = (
                            etas[2 * g + u] * vs[g][u])
                return 0
            lax.fori_loop(0, B, row_body, 0)

        pltpu.sync_copy(idx2.at[s, 0], stage)
        adjust_group()
        prefetch_group(1)

        def pair_body(jj, _):
            for b in (0, 1):
                j = 2 * jj + b

                @pl.when(jj >= 1)
                def _():
                    wait_wb(b, j - 2)

                boundary = jnp.logical_and(jj > 0, lax.rem(jj, IG // 2) == 0)
                if b == 0:
                    @pl.when(boundary)
                    def _():
                        wait_gathers(1, j - 1)
                        wait_stage()
                        adjust_group()
                        prefetch_group(lax.div(j, IG) + 1)

                copy_rsc(b, lax.rem(j, IG))
                issue_gathers(b, j)

                if b == 0:
                    @pl.when(jnp.logical_and(j >= 1,
                                             jnp.logical_not(boundary)))
                    def _():
                        wait_gathers(1, j - 1)
                else:
                    wait_gathers(0, j - 1)

                @pl.when(j >= 1)
                def _():
                    compute(1 - b)
                    issue_wb(1 - b, j - 1)
            return 0
        lax.fori_loop(0, nch // 2, pair_body, 0)

        wait_gathers(1, nch - 1)
        compute(1)
        issue_wb(1, nch - 1)
        wait_wb(0, nch - 2)
        wait_wb(1, nch - 1)

        plsc.subcore_barrier()

        pltpu.sync_copy(
            acc.at[pl.ds(s * npw, npw)],
            nodes_out.at[pl.ds(s * npw, npw), pl.ds(c * h, h)])

    return sc_kernel


def kernel(node_features, senders, receivers, edge_features,
           W_kernel, W_bias, We_kernel, We_bias):
    n, d = node_features.shape
    e = senders.shape[0]
    h = d // 2
    npad = ((n + 16 * 80 - 1) // (16 * 80)) * (16 * 80)

    nf = node_features
    if npad != n:
        nf = jnp.pad(node_features, ((0, npad - n), (0, 0)))

    wperm, eperm = _w_perms(d)
    hq, kvb = _node_proj(nf, W_kernel[:, wperm], W_bias[wperm])
    efb = _edge_proj(edge_features, We_kernel[:, eperm], We_bias[eperm])

    hq_flat = hq.reshape(4 * npad, h)
    kvb_flat = kvb.reshape(2 * npad, h)

    ns, ig, bb = 16, 10, 40
    g = ig * bb
    ngrp = e // (ns * g)
    idx2 = jnp.stack(
        [receivers.astype(jnp.int32).reshape(ns, ngrp, g),
         senders.astype(jnp.int32).reshape(ns, ngrp, g)], axis=2)
    sc = _make_sc_kernel(npad, e, h)
    edges, nodes = sc(hq_flat, kvb_flat, efb, idx2)
    return (nodes[:n], edges)

# --- scband reference (transcript-rebuilt; emitter-appended) ---
"""Pipeline reference for scband-residual-gated-gcn-19748259627401 (READ-ONLY COPY).

The authoritative reference and input builder live on the scoring server;
editing this copy changes nothing except your own understanding.
"""

import jax, jax.numpy as jnp
import numpy as np


def setup_inputs(seed: int = 0) -> dict:
    key = jax.random.key(seed)
    k1, k2, k3, k4, k5, k6 = jax.random.split(key, 6)
    N, E, D, DE = 10000, 160000, 256, 16
    node_features = jax.random.normal(k1, (N, D), dtype=jnp.float32)
    senders = jax.random.randint(k2, (E,), 0, N)
    receivers = jax.random.randint(k3, (E,), 0, N)
    edge_features = jax.random.normal(k4, (E, DE), dtype=jnp.float32)
    # xavier_normal init for Dense kernels, zero biases (flax default bias init)
    W_kernel = jax.random.normal(k5, (D, 4 * D), dtype=jnp.float32) * (2.0 / (D + 4 * D)) ** 0.5
    W_bias = jnp.zeros((4 * D,), dtype=jnp.float32)
    We_kernel = jax.random.normal(k6, (DE, D), dtype=jnp.float32) * (2.0 / (DE + D)) ** 0.5
    We_bias = jnp.zeros((D,), dtype=jnp.float32)
    return {
        "node_features": node_features,
        "senders": senders,
        "receivers": receivers,
        "edge_features": edge_features,
        "W_kernel": W_kernel,
        "W_bias": W_bias,
        "We_kernel": We_kernel,
        "We_bias": We_bias,
    }


def reference(node_features, senders, receivers, edge_features, W_kernel, W_bias, We_kernel, We_bias):
    num_nodes = node_features.shape[-2]
    # W = nn.Dense(4 * embed_dim)
    x = node_features @ W_kernel + W_bias
    h, Q, K, V = jnp.split(x, 4, axis=-1)
    key_edges = jnp.take_along_axis(K, senders[..., None], axis=-2)
    value_edges = jnp.take_along_axis(V, senders[..., None], axis=-2)
    query_edges = jnp.take_along_axis(Q, receivers[..., None], axis=-2)
    edges = query_edges + key_edges
    # W_e = nn.Dense(embed_dim) applied to edge_features
    edges = edges + (edge_features @ We_kernel + We_bias)
    eta = jax.nn.sigmoid(edges)
    nodes = h + jax.ops.segment_sum(eta * value_edges, receivers, num_segments=num_nodes)
    # original module returns a dict; we return the array outputs (node_features, edge_features)
    return (nodes, edges)

if __name__ == "__main__":
    import jax
    _d = setup_inputs()
    print(jax.jit(kernel)(*tuple(_d.values())))

</pallas_src>

<mosaic_0001>
#map = affine_map<(d0, d1) -> (0, 0)>
#map1 = affine_map<(d0, d1) -> (0, 0, 0)>
#map2 = affine_map<(d0, d1) -> (0, 0, 0, 0)>
module attributes {stable_mosaic.version = 14 : i64} {
  func.func @sc_kernel(%arg0: i32, %arg1: i32, %arg2: memref<40960x128xf32, #tpu.memory_space<hbm>>, %arg3: memref<20480x128xi32, #tpu.memory_space<hbm>>, %arg4: memref<2x160000x64xi32, #tpu.memory_space<hbm>>, %arg5: memref<16x25x2x400xi32, #tpu.memory_space<hbm>>, %arg6: memref<160000x256xf32, #tpu.memory_space<hbm>>, %arg7: memref<10240x256xf32, #tpu.memory_space<hbm>>, %arg8: memref<10240x128xf32, #tpu.memory_space<vmem_shared>>, %arg9: memref<2x400xi32, #tpu.memory_space<vmem>>, %arg10: memref<400xi32, #tpu.memory_space<vmem>>, %arg11: memref<400xi32, #tpu.memory_space<vmem>>, %arg12: memref<40xi32, #tpu.memory_space<vmem>>, %arg13: memref<40xi32, #tpu.memory_space<vmem>>, %arg14: memref<40x128xf32, #tpu.memory_space<vmem>>, %arg15: memref<40x128xf32, #tpu.memory_space<vmem>>, %arg16: memref<40x128xi32, #tpu.memory_space<vmem>>, %arg17: memref<40x128xi32, #tpu.memory_space<vmem>>, %arg18: memref<40x64xi32, #tpu.memory_space<vmem>>, %arg19: memref<40x64xi32, #tpu.memory_space<vmem>>, %arg20: memref<40x128xf32, #tpu.memory_space<vmem>>, %arg21: memref<40x128xf32, #tpu.memory_space<vmem>>, %arg22: memref<!tpu.dma_semaphore, #tpu.memory_space<semaphore_mem>>, %arg23: memref<!tpu.dma_semaphore, #tpu.memory_space<semaphore_mem>>, %arg24: memref<!tpu.dma_semaphore, #tpu.memory_space<semaphore_mem>>, %arg25: memref<!tpu.dma_semaphore, #tpu.memory_space<semaphore_mem>>, %arg26: memref<!tpu.dma_semaphore, #tpu.memory_space<semaphore_mem>>, %arg27: memref<!tpu.dma_semaphore, #tpu.memory_space<semaphore_mem>>, %arg28: memref<!tpu.dma_semaphore, #tpu.memory_space<semaphore_mem>>, %arg29: memref<!tpu.dma_semaphore, #tpu.memory_space<semaphore_mem>>, %arg30: memref<!tpu.dma_semaphore, #tpu.memory_space<semaphore_mem>>, %arg31: memref<!tpu.dma_semaphore, #tpu.memory_space<semaphore_mem>>, %arg32: memref<!tpu.dma_semaphore, #tpu.memory_space<semaphore_mem>>) attributes {dimension_semantics = [#tpu.dimension_semantics<core_parallel>, #tpu.dimension_semantics<subcore_parallel>], iteration_bounds = array<i64: 2, 16>, scalar_prefetch = 0 : i64, scratch_operands = 25 : i64, tpu.core_type = #tpu.core_type<sc_vector_subcore>, window_params = [{transform_indices = #map}, {transform_indices = #map}, {transform_indices = #map1}, {transform_indices = #map2}, {transform_indices = #map}, {transform_indices = #map}]} {
    %mul3A = arith.constant 10240 : i32
    %mul3A_0 = arith.muli %arg0, %mul3A : i32
    %mul3A_1 = arith.constant 640 : i32
    %mul3A_2 = arith.muli %arg1, %mul3A_1 : i32
    %add3A = arith.addi %mul3A_0, %mul3A_2 : i32
    %mul3A_3 = arith.constant 640 : i32
    %mul3A_4 = arith.muli %arg1, %mul3A_3 : i32
    "tpu.region"() ({
      %run_scoped3A_102 = tpu.sem_alloc : memref<!tpu.dma_semaphore, #tpu.memory_space<semaphore_mem>>
      %dma_start3A_103 = arith.constant 0 : i32
      %dma_start3A_104 = tpu.memref_slice %arg8[%mul3A_4, %dma_start3A_103] : memref<10240x128xf32, #tpu.memory_space<vmem_shared>> -> memref<640x128xf32, #tpu.memory_space<vmem_shared>>
      %dma_start3A_105 = arith.constant 0 : i32
      %dma_start3A_106 = tpu.memref_slice %arg2[%add3A, %dma_start3A_105] : memref<40960x128xf32, #tpu.memory_space<hbm>> -> memref<640x128xf32, #tpu.memory_space<hbm>>
      tpu.enqueue_dma source(%dma_start3A_106 : memref<640x128xf32, #tpu.memory_space<hbm>>) target(%dma_start3A_104 : memref<640x128xf32, #tpu.memory_space<vmem_shared>>) target_semaphore(%run_scoped3A_102 : memref<!tpu.dma_semaphore, #tpu.memory_space<semaphore_mem>>)
      %dma_wait3A_107 = arith.constant 0 : i32
      %dma_wait3A_108 = tpu.memref_slice %arg8[%mul3A_4, %dma_wait3A_107] : memref<10240x128xf32, #tpu.memory_space<vmem_shared>> -> memref<640x128xf32, #tpu.memory_space<vmem_shared>>
      %dma_wait3A_109 = arith.constant 0 : i32
      %dma_wait3A_110 = tpu.memref_slice %arg2[%add3A, %dma_wait3A_109] : memref<40960x128xf32, #tpu.memory_space<hbm>> -> memref<640x128xf32, #tpu.memory_space<hbm>>
      tpu.wait_dma2 semaphore(%run_scoped3A_102 : memref<!tpu.dma_semaphore, #tpu.memory_space<semaphore_mem>>) src(%dma_wait3A_110 : memref<640x128xf32, #tpu.memory_space<hbm>>) dst(%dma_wait3A_108 : memref<640x128xf32, #tpu.memory_space<vmem_shared>>)
      tpu.yield
    }) : () -> ()
    %barrier3A = arith.constant 0 : index
    tpu.barrier barrier_id(%barrier3A)
    %add3A_5 = arith.constant 2 : i32
    %add3A_6 = arith.addi %add3A_5, %arg0 : i32
    %mul3A_7 = arith.constant 10240 : i32
    %mul3A_8 = arith.muli %add3A_6, %mul3A_7 : i32
    %mul3A_9 = arith.constant 10240 : i32
    %mul3A_10 = arith.muli %arg0, %mul3A_9 : i32
    %run_scoped3A = arith.constant 0 : i32
    "tpu.region"() ({
      %run_scoped3A_102 = tpu.sem_alloc : memref<!tpu.dma_semaphore, #tpu.memory_space<semaphore_mem>>
      %dma_start3A_103 = arith.constant 0 : i32
      %dma_start3A_104 = arith.constant 0 : i32
      %dma_start3A_105 = tpu.memref_slice %arg5[%arg1, %run_scoped3A, %dma_start3A_103, %dma_start3A_104] : memref<16x25x2x400xi32, #tpu.memory_space<hbm>> -> memref<1x1x2x400xi32, #tpu.memory_space<hbm>>
      %dma_start3A_106 = tpu.memref_squeeze %dma_start3A_105 : memref<1x1x2x400xi32, #tpu.memory_space<hbm>> -> memref<2x400xi32, #tpu.memory_space<hbm>>
      %dma_start3A_107 = arith.constant 0 : i32
      %dma_start3A_108 = arith.constant 0 : i32
      %dma_start3A_109 = tpu.memref_slice %arg5[%arg1, %run_scoped3A, %dma_start3A_107, %dma_start3A_108] : memref<16x25x2x400xi32, #tpu.memory_space<hbm>> -> memref<1x1x2x400xi32, #tpu.memory_space<hbm>>
      %dma_start3A_110 = tpu.memref_squeeze %dma_start3A_109 : memref<1x1x2x400xi32, #tpu.memory_space<hbm>> -> memref<2x400xi32, #tpu.memory_space<hbm>>
      tpu.enqueue_dma source(%dma_start3A_110 : memref<2x400xi32, #tpu.memory_space<hbm>>) target(%arg9 : memref<2x400xi32, #tpu.memory_space<vmem>>) target_semaphore(%run_scoped3A_102 : memref<!tpu.dma_semaphore, #tpu.memory_space<semaphore_mem>>)
      %dma_wait3A_111 = arith.constant 0 : i32
      %dma_wait3A_112 = arith.constant 0 : i32
      %dma_wait3A_113 = tpu.memref_slice %arg5[%arg1, %run_scoped3A, %dma_wait3A_111, %dma_wait3A_112] : memref<16x25x2x400xi32, #tpu.memory_space<hbm>> -> memref<1x1x2x400xi32, #tpu.memory_space<hbm>>
      %dma_wait3A_114 = tpu.memref_squeeze %dma_wait3A_113 : memref<1x1x2x400xi32, #tpu.memory_space<hbm>> -> memref<2x400xi32, #tpu.memory_space<hbm>>
      %dma_wait3A_115 = arith.constant 0 : i32
      %dma_wait3A_116 = arith.constant 0 : i32
      %dma_wait3A_117 = tpu.memref_slice %arg5[%arg1, %run_scoped3A, %dma_wait3A_115, %dma_wait3A_116] : memref<16x25x2x400xi32, #tpu.memory_space<hbm>> -> memref<1x1x2x400xi32, #tpu.memory_space<hbm>>
      %dma_wait3A_118 = tpu.memref_squeeze %dma_wait3A_117 : memref<1x1x2x400xi32, #tpu.memory_space<hbm>> -> memref<2x400xi32, #tpu.memory_space<hbm>>
      tpu.wait_dma2 semaphore(%run_scoped3A_102 : memref<!tpu.dma_semaphore, #tpu.memory_space<semaphore_mem>>) src(%dma_wait3A_118 : memref<2x400xi32, #tpu.memory_space<hbm>>) dst(%arg9 : memref<2x400xi32, #tpu.memory_space<vmem>>)
      tpu.yield
    }) : () -> ()
    %scan3A = arith.constant 0 : i32
    %scan3A_11 = arith.constant 0 : i32
    %scan3A_12 = arith.constant 25 : i32
    %scan3A_13 = arith.addi %scan3A_11, %scan3A_12 : i32
    %scan3A_14 = arith.constant 1 : i32
    %scan3A_15 = scf.for %scan3A_102 = %scan3A_11 to %scan3A_13 step %scan3A_14 iter_args(%scan3A_103 = %scan3A) -> (i32)  : i32 {
      %mul3A_104 = arith.constant 16 : i32
      %mul3A_105 = arith.muli %scan3A_102, %mul3A_104 : i32
      %get3A = arith.constant 0 : i32
      %get3A_106 = arith.index_cast %get3A : i32 to index
      %get3A_107 = arith.index_cast %mul3A_105 : i32 to index
      %get3A_108 = tpu.vector_load %arg9[%get3A_106, %get3A_107] {strides = array<i32>} : memref<2x400xi32, #tpu.memory_space<vmem>>, vector<1x16xi32>,
      %get3A_109 = vector.shape_cast %get3A_108 : vector<1x16xi32> to vector<16xi32>
      %add3A_110 = vector.broadcast %mul3A_8 : i32 to vector<16xi32>
      %add3A_111 = arith.addi %get3A_109, %add3A_110 : vector<16xi32>
      %swap3A = arith.index_cast %mul3A_105 : i32 to index
      %swap3A_112 = tpu.vector_load %arg10[%swap3A] {strides = array<i32>} : memref<400xi32, #tpu.memory_space<vmem>>, vector<16xi32>,
      %swap3A_113 = vector.shape_cast %swap3A_112 : vector<16xi32> to vector<16xi32>
      %swap3A_114 = vector.shape_cast %add3A_111 : vector<16xi32> to vector<16xi32>
      tpu.vector_store %arg10[%swap3A], %swap3A_114 {strides = array<i32>} : memref<400xi32, #tpu.memory_space<vmem>>, vector<16xi32>,
      %get3A_115 = arith.constant 1 : i32
      %get3A_116 = arith.index_cast %get3A_115 : i32 to index
      %get3A_117 = arith.index_cast %mul3A_105 : i32 to index
      %get3A_118 = tpu.vector_load %arg9[%get3A_116, %get3A_117] {strides = array<i32>} : memref<2x400xi32, #tpu.memory_space<vmem>>, vector<1x16xi32>,
      %get3A_119 = vector.shape_cast %get3A_118 : vector<1x16xi32> to vector<16xi32>
      %add3A_120 = vector.broadcast %mul3A_10 : i32 to vector<16xi32>
      %add3A_121 = arith.addi %get3A_119, %add3A_120 : vector<16xi32>
      %swap3A_122 = arith.index_cast %mul3A_105 : i32 to index
      %swap3A_123 = tpu.vector_load %arg11[%swap3A_122] {strides = array<i32>} : memref<400xi32, #tpu.memory_space<vmem>>, vector<16xi32>,
      %swap3A_124 = vector.shape_cast %swap3A_123 : vector<16xi32> to vector<16xi32>
      %swap3A_125 = vector.shape_cast %add3A_121 : vector<16xi32> to vector<16xi32>
      tpu.vector_store %arg11[%swap3A_122], %swap3A_125 {strides = array<i32>} : memref<400xi32, #tpu.memory_space<vmem>>, vector<16xi32>,
      %scan3A_126 = arith.constant 0 : i32
      scf.yield %scan3A_126 : i32
    }
    %scan3A_16 = arith.constant 25 : i32
    %dma_start3A = arith.constant 1 : i32
    %dma_start3A_17 = arith.constant 0 : i32
    %dma_start3A_18 = arith.constant 0 : i32
    %dma_start3A_19 = tpu.memref_slice %arg5[%arg1, %dma_start3A, %dma_start3A_17, %dma_start3A_18] : memref<16x25x2x400xi32, #tpu.memory_space<hbm>> -> memref<1x1x2x400xi32, #tpu.memory_space<hbm>>
    %dma_start3A_20 = tpu.memref_squeeze %dma_start3A_19 : memref<1x1x2x400xi32, #tpu.memory_space<hbm>> -> memref<2x400xi32, #tpu.memory_space<hbm>>
    %dma_start3A_21 = arith.constant 0 : i32
    %dma_start3A_22 = arith.constant 0 : i32
    %dma_start3A_23 = tpu.memref_slice %arg5[%arg1, %dma_start3A, %dma_start3A_21, %dma_start3A_22] : memref<16x25x2x400xi32, #tpu.memory_space<hbm>> -> memref<1x1x2x400xi32, #tpu.memory_space<hbm>>
    %dma_start3A_24 = tpu.memref_squeeze %dma_start3A_23 : memref<1x1x2x400xi32, #tpu.memory_space<hbm>> -> memref<2x400xi32, #tpu.memory_space<hbm>>
    tpu.enqueue_dma source(%dma_start3A_24 : memref<2x400xi32, #tpu.memory_space<hbm>>) target(%arg9 : memref<2x400xi32, #tpu.memory_space<vmem>>) target_semaphore(%arg22 : memref<!tpu.dma_semaphore, #tpu.memory_space<semaphore_mem>>)
    %scan3A_25 = arith.constant 0 : i32
    %scan3A_26 = arith.constant 0 : i32
    %scan3A_27 = arith.constant 125 : i32
    %scan3A_28 = arith.addi %scan3A_26, %scan3A_27 : i32
    %scan3A_29 = arith.constant 1 : i32
    %scan3A_30 = scf.for %scan3A_102 = %scan3A_26 to %scan3A_28 step %scan3A_29 iter_args(%scan3A_103 = %scan3A_25) -> (i32)  : i32 {
      %mul3A_104 = arith.constant 2 : i32
      %mul3A_105 = arith.muli %mul3A_104, %scan3A_102 : i32
      %add3A_106 = arith.constant 0 : i32
      %add3A_107 = arith.addi %mul3A_105, %add3A_106 : i32
      %ge3A = arith.constant 1 : i32
      %ge3A_108 = arith.cmpi sge, %scan3A_102, %ge3A : i32
      %convert_element_type3A = arith.extui %ge3A_108 : i1 to i32
      %cond3A = arith.constant 0 : i32
      %cond3A_109 = arith.cmpi ne, %convert_element_type3A, %cond3A : i32
      scf.if %cond3A_109 {
        %sub3A_299 = arith.constant 2 : i32
        %sub3A_300 = arith.subi %add3A_107, %sub3A_299 : i32
        %mul3A_301 = arith.constant 10000 : i32
        %mul3A_302 = arith.muli %arg1, %mul3A_301 : i32
        %mul3A_303 = arith.constant 40 : i32
        %mul3A_304 = arith.muli %sub3A_300, %mul3A_303 : i32
        %add3A_305 = arith.addi %mul3A_302, %mul3A_304 : i32
        %mul3A_306 = arith.constant 128 : i32
        %mul3A_307 = arith.muli %arg0, %mul3A_306 : i32
        %dma_wait3A_308 = tpu.memref_slice %arg6[%add3A_305, %mul3A_307] : memref<160000x256xf32, #tpu.memory_space<hbm>> -> memref<40x128xf32, #tpu.memory_space<hbm>>
        %dma_wait3A_309 = tpu.memref_slice %arg6[%add3A_305, %mul3A_307] : memref<160000x256xf32, #tpu.memory_space<hbm>> -> memref<40x128xf32, #tpu.memory_space<hbm>>
        tpu.wait_dma2 semaphore(%arg29 : memref<!tpu.dma_semaphore, #tpu.memory_space<semaphore_mem>>) src(%arg14 : memref<40x128xf32, #tpu.memory_space<vmem>>) dst(%dma_wait3A_309 : memref<40x128xf32, #tpu.memory_space<hbm>>)
        %dma_wait3A_310 = arith.constant 0 : i32
        %dma_wait3A_311 = arith.constant 0 : i32
        %dma_wait3A_312 = tpu.memref_slice %arg8[%dma_wait3A_310, %dma_wait3A_311] : memref<10240x128xf32, #tpu.memory_space<vmem_shared>> -> memref<10240x128xf32, #tpu.memory_space<vmem_shared>>
        tpu.wait_indirect_dma semaphore(%arg31 : memref<!tpu.dma_semaphore, #tpu.memory_space<semaphore_mem>>) src(%arg20 : memref<40x128xf32, #tpu.memory_space<vmem>>) dst(%dma_wait3A_312 : memref<10240x128xf32, #tpu.memory_space<vmem_shared>>)
      } else {
      }
      %gt3A = arith.constant 0 : i32
      %gt3A_110 = arith.cmpi sgt, %scan3A_102, %gt3A : i32
      %rem3A_111 = arith.constant 5 : i32
      %rem3A_112 = arith.remsi %scan3A_102, %rem3A_111 : i32
      %eq3A = arith.constant 0 : i32
      %eq3A_113 = arith.cmpi eq, %rem3A_112, %eq3A : i32
      %and3A = arith.andi %gt3A_110, %eq3A_113 : i1
      %convert_element_type3A_114 = arith.extui %and3A : i1 to i32
      %cond3A_115 = arith.constant 0 : i32
      %cond3A_116 = arith.cmpi ne, %convert_element_type3A_114, %cond3A_115 : i32
      scf.if %cond3A_116 {
        %sub3A_299 = arith.constant 1 : i32
        %sub3A_300 = arith.subi %add3A_107, %sub3A_299 : i32
        %rem3A_301 = arith.constant 10 : i32
        %rem3A_302 = arith.remsi %sub3A_300, %rem3A_301 : i32
        %mul3A_303 = arith.constant 10000 : i32
        %mul3A_304 = arith.muli %arg1, %mul3A_303 : i32
        %mul3A_305 = arith.constant 40 : i32
        %mul3A_306 = arith.muli %sub3A_300, %mul3A_305 : i32
        %add3A_307 = arith.addi %mul3A_304, %mul3A_306 : i32
        %mul3A_308 = arith.constant 40 : i32
        %mul3A_309 = arith.muli %rem3A_302, %mul3A_308 : i32
        %mul3A_310 = arith.constant 40 : i32
        %mul3A_311 = arith.muli %rem3A_302, %mul3A_310 : i32
        %dma_wait3A_312 = tpu.memref_slice %arg10[%mul3A_309] : memref<400xi32, #tpu.memory_space<vmem>> -> memref<40xi32, #tpu.memory_space<vmem>>
        %dma_wait3A_313 = arith.constant 0 : i32
        %dma_wait3A_314 = arith.constant 0 : i32
        %dma_wait3A_315 = tpu.memref_slice %arg2[%dma_wait3A_313, %dma_wait3A_314] : memref<40960x128xf32, #tpu.memory_space<hbm>> -> memref<40960x128xf32, #tpu.memory_space<hbm>>
        tpu.wait_indirect_dma semaphore(%arg24 : memref<!tpu.dma_semaphore, #tpu.memory_space<semaphore_mem>>) src(%dma_wait3A_315 : memref<40960x128xf32, #tpu.memory_space<hbm>>) dst(%arg15 : memref<40x128xf32, #tpu.memory_space<vmem>>)
        %dma_wait3A_316 = tpu.memref_slice %arg11[%mul3A_311] : memref<400xi32, #tpu.memory_space<vmem>> -> memref<40xi32, #tpu.memory_space<vmem>>
        %dma_wait3A_317 = arith.constant 0 : i32
        %dma_wait3A_318 = arith.constant 0 : i32
        %dma_wait3A_319 = tpu.memref_slice %arg3[%dma_wait3A_317, %dma_wait3A_318] : memref<20480x128xi32, #tpu.memory_space<hbm>> -> memref<20480x128xi32, #tpu.memory_space<hbm>>
        tpu.wait_indirect_dma semaphore(%arg26 : memref<!tpu.dma_semaphore, #tpu.memory_space<semaphore_mem>>) src(%dma_wait3A_319 : memref<20480x128xi32, #tpu.memory_space<hbm>>) dst(%arg17 : memref<40x128xi32, #tpu.memory_space<vmem>>)
        %dma_wait3A_320 = arith.constant 0 : i32
        %dma_wait3A_321 = tpu.memref_slice %arg4[%arg0, %add3A_307, %dma_wait3A_320] : memref<2x160000x64xi32, #tpu.memory_space<hbm>> -> memref<1x40x64xi32, #tpu.memory_space<hbm>>
        %dma_wait3A_322 = tpu.memref_squeeze %dma_wait3A_321 : memref<1x40x64xi32, #tpu.memory_space<hbm>> -> memref<40x64xi32, #tpu.memory_space<hbm>>
        %dma_wait3A_323 = arith.constant 0 : i32
        %dma_wait3A_324 = tpu.memref_slice %arg4[%arg0, %add3A_307, %dma_wait3A_323] : memref<2x160000x64xi32, #tpu.memory_space<hbm>> -> memref<1x40x64xi32, #tpu.memory_space<hbm>>
        %dma_wait3A_325 = tpu.memref_squeeze %dma_wait3A_324 : memref<1x40x64xi32, #tpu.memory_space<hbm>> -> memref<40x64xi32, #tpu.memory_space<hbm>>
        tpu.wait_dma2 semaphore(%arg28 : memref<!tpu.dma_semaphore, #tpu.memory_space<semaphore_mem>>) src(%dma_wait3A_325 : memref<40x64xi32, #tpu.memory_space<hbm>>) dst(%arg19 : memref<40x64xi32, #tpu.memory_space<vmem>>)
        %dma_wait3A_326 = arith.constant 0 : i32
        %dma_wait3A_327 = arith.constant 0 : i32
        %dma_wait3A_328 = arith.constant 0 : i32
        %dma_wait3A_329 = tpu.memref_slice %arg5[%arg1, %dma_wait3A_326, %dma_wait3A_327, %dma_wait3A_328] : memref<16x25x2x400xi32, #tpu.memory_space<hbm>> -> memref<1x1x2x400xi32, #tpu.memory_space<hbm>>
        %dma_wait3A_330 = tpu.memref_squeeze %dma_wait3A_329 : memref<1x1x2x400xi32, #tpu.memory_space<hbm>> -> memref<2x400xi32, #tpu.memory_space<hbm>>
        %dma_wait3A_331 = arith.constant 0 : i32
        %dma_wait3A_332 = arith.constant 0 : i32
        %dma_wait3A_333 = tpu.memref_slice %arg5[%arg1, %dma_wait3A_326, %dma_wait3A_331, %dma_wait3A_332] : memref<16x25x2x400xi32, #tpu.memory_space<hbm>> -> memref<1x1x2x400xi32, #tpu.memory_space<hbm>>
        %dma_wait3A_334 = tpu.memref_squeeze %dma_wait3A_333 : memref<1x1x2x400xi32, #tpu.memory_space<hbm>> -> memref<2x400xi32, #tpu.memory_space<hbm>>
        tpu.wait_dma2 semaphore(%arg22 : memref<!tpu.dma_semaphore, #tpu.memory_space<semaphore_mem>>) src(%dma_wait3A_334 : memref<2x400xi32, #tpu.memory_space<hbm>>) dst(%arg9 : memref<2x400xi32, #tpu.memory_space<vmem>>)
        %scan3A_335 = arith.constant 0 : i32
        %scan3A_336 = arith.constant 0 : i32
        %scan3A_337 = arith.constant 25 : i32
        %scan3A_338 = arith.addi %scan3A_336, %scan3A_337 : i32
        %scan3A_339 = arith.constant 1 : i32
        %scan3A_340 = scf.for %scan3A_349 = %scan3A_336 to %scan3A_338 step %scan3A_339 iter_args(%scan3A_350 = %scan3A_335) -> (i32)  : i32 {
          %mul3A_351 = arith.constant 16 : i32
          %mul3A_352 = arith.muli %scan3A_349, %mul3A_351 : i32
          %get3A_353 = arith.constant 0 : i32
          %get3A_354 = arith.index_cast %get3A_353 : i32 to index
          %get3A_355 = arith.index_cast %mul3A_352 : i32 to index
          %get3A_356 = tpu.vector_load %arg9[%get3A_354, %get3A_355] {strides = array<i32>} : memref<2x400xi32, #tpu.memory_space<vmem>>, vector<1x16xi32>,
          %get3A_357 = vector.shape_cast %get3A_356 : vector<1x16xi32> to vector<16xi32>
          %add3A_358 = vector.broadcast %mul3A_8 : i32 to vector<16xi32>
          %add3A_359 = arith.addi %get3A_357, %add3A_358 : vector<16xi32>
          %swap3A_360 = arith.index_cast %mul3A_352 : i32 to index
          %swap3A_361 = tpu.vector_load %arg10[%swap3A_360] {strides = array<i32>} : memref<400xi32, #tpu.memory_space<vmem>>, vector<16xi32>,
          %swap3A_362 = vector.shape_cast %swap3A_361 : vector<16xi32> to vector<16xi32>
          %swap3A_363 = vector.shape_cast %add3A_359 : vector<16xi32> to vector<16xi32>
          tpu.vector_store %arg10[%swap3A_360], %swap3A_363 {strides = array<i32>} : memref<400xi32, #tpu.memory_space<vmem>>, vector<16xi32>,
          %get3A_364 = arith.constant 1 : i32
          %get3A_365 = arith.index_cast %get3A_364 : i32 to index
          %get3A_366 = arith.index_cast %mul3A_352 : i32 to index
          %get3A_367 = tpu.vector_load %arg9[%get3A_365, %get3A_366] {strides = array<i32>} : memref<2x400xi32, #tpu.memory_space<vmem>>, vector<1x16xi32>,
          %get3A_368 = vector.shape_cast %get3A_367 : vector<1x16xi32> to vector<16xi32>
          %add3A_369 = vector.broadcast %mul3A_10 : i32 to vector<16xi32>
          %add3A_370 = arith.addi %get3A_368, %add3A_369 : vector<16xi32>
          %swap3A_371 = arith.index_cast %mul3A_352 : i32 to index
          %swap3A_372 = tpu.vector_load %arg11[%swap3A_371] {strides = array<i32>} : memref<400xi32, #tpu.memory_space<vmem>>, vector<16xi32>,
          %swap3A_373 = vector.shape_cast %swap3A_372 : vector<16xi32> to vector<16xi32>
          %swap3A_374 = vector.shape_cast %add3A_370 : vector<16xi32> to vector<16xi32>
          tpu.vector_store %arg11[%swap3A_371], %swap3A_374 {strides = array<i32>} : memref<400xi32, #tpu.memory_space<vmem>>, vector<16xi32>,
          %scan3A_375 = arith.constant 0 : i32
          scf.yield %scan3A_375 : i32
        }
        %scan3A_341 = arith.constant 25 : i32
        %div3A = arith.constant 10 : i32
        %div3A_342 = arith.divsi %add3A_107, %div3A : i32
        %add3A_343 = arith.constant 1 : i32
        %add3A_344 = arith.addi %div3A_342, %add3A_343 : i32
        %lt3A = arith.constant 25 : i32
        %lt3A_345 = arith.cmpi slt, %add3A_344, %lt3A : i32
        %convert_element_type3A_346 = arith.extui %lt3A_345 : i1 to i32
        %cond3A_347 = arith.constant 0 : i32
        %cond3A_348 = arith.cmpi ne, %convert_element_type3A_346, %cond3A_347 : i32
        scf.if %cond3A_348 {
          %dma_start3A_349 = arith.constant 0 : i32
          %dma_start3A_350 = arith.constant 0 : i32
          %dma_start3A_351 = tpu.memref_slice %arg5[%arg1, %add3A_344, %dma_start3A_349, %dma_start3A_350] : memref<16x25x2x400xi32, #tpu.memory_space<hbm>> -> memref<1x1x2x400xi32, #tpu.memory_space<hbm>>
          %dma_start3A_352 = tpu.memref_squeeze %dma_start3A_351 : memref<1x1x2x400xi32, #tpu.memory_space<hbm>> -> memref<2x400xi32, #tpu.memory_space<hbm>>
          %dma_start3A_353 = arith.constant 0 : i32
          %dma_start3A_354 = arith.constant 0 : i32
          %dma_start3A_355 = tpu.memref_slice %arg5[%arg1, %add3A_344, %dma_start3A_353, %dma_start3A_354] : memref<16x25x2x400xi32, #tpu.memory_space<hbm>> -> memref<1x1x2x400xi32, #tpu.memory_space<hbm>>
          %dma_start3A_356 = tpu.memref_squeeze %dma_start3A_355 : memref<1x1x2x400xi32, #tpu.memory_space<hbm>> -> memref<2x400xi32, #tpu.memory_space<hbm>>
          tpu.enqueue_dma source(%dma_start3A_356 : memref<2x400xi32, #tpu.memory_space<hbm>>) target(%arg9 : memref<2x400xi32, #tpu.memory_space<vmem>>) target_semaphore(%arg22 : memref<!tpu.dma_semaphore, #tpu.memory_space<semaphore_mem>>)
        } else {
        }
      } else {
      }
      %rem3A_117 = arith.constant 10 : i32
      %rem3A_118 = arith.remsi %add3A_107, %rem3A_117 : i32
      %mul3A_119 = arith.constant 40 : i32
      %mul3A_120 = arith.muli %rem3A_118, %mul3A_119 : i32
      %add3A_121 = arith.constant 0 : i32
      %add3A_122 = arith.addi %mul3A_120, %add3A_121 : i32
      %get3A = arith.index_cast %add3A_122 : i32 to index
      %get3A_123 = tpu.vector_load %arg10[%get3A] {strides = array<i32>} : memref<400xi32, #tpu.memory_space<vmem>>, vector<16xi32>,
      %get3A_124 = vector.shape_cast %get3A_123 : vector<16xi32> to vector<16xi32>
      %sub3A = vector.broadcast %mul3A_8 : i32 to vector<16xi32>
      %sub3A_125 = arith.subi %get3A_124, %sub3A : vector<16xi32>
      %swap3A = arith.constant 0 : index
      %swap3A_126 = tpu.vector_load %arg12[%swap3A] {strides = array<i32>} : memref<40xi32, #tpu.memory_space<vmem>>, vector<16xi32>,
      %swap3A_127 = vector.shape_cast %swap3A_126 : vector<16xi32> to vector<16xi32>
      %swap3A_128 = vector.shape_cast %sub3A_125 : vector<16xi32> to vector<16xi32>
      tpu.vector_store %arg12[%swap3A], %swap3A_128 {strides = array<i32>} : memref<40xi32, #tpu.memory_space<vmem>>, vector<16xi32>,
      %add3A_129 = arith.constant 16 : i32
      %add3A_130 = arith.addi %mul3A_120, %add3A_129 : i32
      %get3A_131 = arith.index_cast %add3A_130 : i32 to index
      %get3A_132 = tpu.vector_load %arg10[%get3A_131] {strides = array<i32>} : memref<400xi32, #tpu.memory_space<vmem>>, vector<16xi32>,
      %get3A_133 = vector.shape_cast %get3A_132 : vector<16xi32> to vector<16xi32>
      %sub3A_134 = vector.broadcast %mul3A_8 : i32 to vector<16xi32>
      %sub3A_135 = arith.subi %get3A_133, %sub3A_134 : vector<16xi32>
      %swap3A_136 = arith.constant 16 : index
      %swap3A_137 = tpu.vector_load %arg12[%swap3A_136] {strides = array<i32>} : memref<40xi32, #tpu.memory_space<vmem>>, vector<16xi32>,
      %swap3A_138 = vector.shape_cast %swap3A_137 : vector<16xi32> to vector<16xi32>
      %swap3A_139 = vector.shape_cast %sub3A_135 : vector<16xi32> to vector<16xi32>
      tpu.vector_store %arg12[%swap3A_136], %swap3A_139 {strides = array<i32>} : memref<40xi32, #tpu.memory_space<vmem>>, vector<16xi32>,
      %add3A_140 = arith.constant 24 : i32
      %add3A_141 = arith.addi %mul3A_120, %add3A_140 : i32
      %get3A_142 = arith.index_cast %add3A_141 : i32 to index
      %get3A_143 = tpu.vector_load %arg10[%get3A_142] {strides = array<i32>} : memref<400xi32, #tpu.memory_space<vmem>>, vector<16xi32>,
      %get3A_144 = vector.shape_cast %get3A_143 : vector<16xi32> to vector<16xi32>
      %sub3A_145 = vector.broadcast %mul3A_8 : i32 to vector<16xi32>
      %sub3A_146 = arith.subi %get3A_144, %sub3A_145 : vector<16xi32>
      %swap3A_147 = arith.constant 24 : index
      %swap3A_148 = tpu.vector_load %arg12[%swap3A_147] {strides = array<i32>} : memref<40xi32, #tpu.memory_space<vmem>>, vector<16xi32>,
      %swap3A_149 = vector.shape_cast %swap3A_148 : vector<16xi32> to vector<16xi32>
      %swap3A_150 = vector.shape_cast %sub3A_146 : vector<16xi32> to vector<16xi32>
      tpu.vector_store %arg12[%swap3A_147], %swap3A_150 {strides = array<i32>} : memref<40xi32, #tpu.memory_space<vmem>>, vector<16xi32>,
      %rem3A_151 = arith.constant 10 : i32
      %rem3A_152 = arith.remsi %add3A_107, %rem3A_151 : i32
      %mul3A_153 = arith.constant 10000 : i32
      %mul3A_154 = arith.muli %arg1, %mul3A_153 : i32
      %mul3A_155 = arith.constant 40 : i32
      %mul3A_156 = arith.muli %add3A_107, %mul3A_155 : i32
      %add3A_157 = arith.addi %mul3A_154, %mul3A_156 : i32
      %mul3A_158 = arith.constant 40 : i32
      %mul3A_159 = arith.muli %rem3A_152, %mul3A_158 : i32
      %mul3A_160 = arith.constant 40 : i32
      %mul3A_161 = arith.muli %rem3A_152, %mul3A_160 : i32
      %dma_start3A_162 = tpu.memref_slice %arg10[%mul3A_159] : memref<400xi32, #tpu.memory_space<vmem>> -> memref<40xi32, #tpu.memory_space<vmem>>
      %dma_start3A_163 = arith.constant 0 : i32
      %dma_start3A_164 = arith.constant 0 : i32
      %dma_start3A_165 = tpu.memref_slice %arg2[%dma_start3A_163, %dma_start3A_164] : memref<40960x128xf32, #tpu.memory_space<hbm>> -> memref<40960x128xf32, #tpu.memory_space<hbm>>
      tpu.enqueue_indirect_dma source(%dma_start3A_165 : memref<40960x128xf32, #tpu.memory_space<hbm>>) target(%arg14 : memref<40x128xf32, #tpu.memory_space<vmem>>) offsets(%dma_start3A_162 : memref<40xi32, #tpu.memory_space<vmem>>) semaphore(%arg23 : memref<!tpu.dma_semaphore, #tpu.memory_space<semaphore_mem>>)
      %dma_start3A_166 = tpu.memref_slice %arg11[%mul3A_161] : memref<400xi32, #tpu.memory_space<vmem>> -> memref<40xi32, #tpu.memory_space<vmem>>
      %dma_start3A_167 = arith.constant 0 : i32
      %dma_start3A_168 = arith.constant 0 : i32
      %dma_start3A_169 = tpu.memref_slice %arg3[%dma_start3A_167, %dma_start3A_168] : memref<20480x128xi32, #tpu.memory_space<hbm>> -> memref<20480x128xi32, #tpu.memory_space<hbm>>
      tpu.enqueue_indirect_dma source(%dma_start3A_169 : memref<20480x128xi32, #tpu.memory_space<hbm>>) target(%arg16 : memref<40x128xi32, #tpu.memory_space<vmem>>) offsets(%dma_start3A_166 : memref<40xi32, #tpu.memory_space<vmem>>) semaphore(%arg25 : memref<!tpu.dma_semaphore, #tpu.memory_space<semaphore_mem>>)
      %dma_start3A_170 = arith.constant 0 : i32
      %dma_start3A_171 = tpu.memref_slice %arg4[%arg0, %add3A_157, %dma_start3A_170] : memref<2x160000x64xi32, #tpu.memory_space<hbm>> -> memref<1x40x64xi32, #tpu.memory_space<hbm>>
      %dma_start3A_172 = tpu.memref_squeeze %dma_start3A_171 : memref<1x40x64xi32, #tpu.memory_space<hbm>> -> memref<40x64xi32, #tpu.memory_space<hbm>>
      %dma_start3A_173 = arith.constant 0 : i32
      %dma_start3A_174 = tpu.memref_slice %arg4[%arg0, %add3A_157, %dma_start3A_173] : memref<2x160000x64xi32, #tpu.memory_space<hbm>> -> memref<1x40x64xi32, #tpu.memory_space<hbm>>
      %dma_start3A_175 = tpu.memref_squeeze %dma_start3A_174 : memref<1x40x64xi32, #tpu.memory_space<hbm>> -> memref<40x64xi32, #tpu.memory_space<hbm>>
      tpu.enqueue_dma source(%dma_start3A_175 : memref<40x64xi32, #tpu.memory_space<hbm>>) target(%arg18 : memref<40x64xi32, #tpu.memory_space<vmem>>) target_semaphore(%arg27 : memref<!tpu.dma_semaphore, #tpu.memory_space<semaphore_mem>>)
      %ge3A_176 = arith.constant 1 : i32
      %ge3A_177 = arith.cmpi sge, %add3A_107, %ge3A_176 : i32
      %not3A = arith.constant true
      %not3A_178 = arith.xori %and3A, %not3A : i1
      %and3A_179 = arith.andi %ge3A_177, %not3A_178 : i1
      %convert_element_type3A_180 = arith.extui %and3A_179 : i1 to i32
      %cond3A_181 = arith.constant 0 : i32
      %cond3A_182 = arith.cmpi ne, %convert_element_type3A_180, %cond3A_181 : i32
      scf.if %cond3A_182 {
        %sub3A_299 = arith.constant 1 : i32
        %sub3A_300 = arith.subi %add3A_107, %sub3A_299 : i32
        %rem3A_301 = arith.constant 10 : i32
        %rem3A_302 = arith.remsi %sub3A_300, %rem3A_301 : i32
        %mul3A_303 = arith.constant 10000 : i32
        %mul3A_304 = arith.muli %arg1, %mul3A_303 : i32
        %mul3A_305 = arith.constant 40 : i32
        %mul3A_306 = arith.muli %sub3A_300, %mul3A_305 : i32
        %add3A_307 = arith.addi %mul3A_304, %mul3A_306 : i32
        %mul3A_308 = arith.constant 40 : i32
        %mul3A_309 = arith.muli %rem3A_302, %mul3A_308 : i32
        %mul3A_310 = arith.constant 40 : i32
        %mul3A_311 = arith.muli %rem3A_302, %mul3A_310 : i32
        %dma_wait3A_312 = tpu.memref_slice %arg10[%mul3A_309] : memref<400xi32, #tpu.memory_space<vmem>> -> memref<40xi32, #tpu.memory_space<vmem>>
        %dma_wait3A_313 = arith.constant 0 : i32
        %dma_wait3A_314 = arith.constant 0 : i32
        %dma_wait3A_315 = tpu.memref_slice %arg2[%dma_wait3A_313, %dma_wait3A_314] : memref<40960x128xf32, #tpu.memory_space<hbm>> -> memref<40960x128xf32, #tpu.memory_space<hbm>>
        tpu.wait_indirect_dma semaphore(%arg24 : memref<!tpu.dma_semaphore, #tpu.memory_space<semaphore_mem>>) src(%dma_wait3A_315 : memref<40960x128xf32, #tpu.memory_space<hbm>>) dst(%arg15 : memref<40x128xf32, #tpu.memory_space<vmem>>)
        %dma_wait3A_316 = tpu.memref_slice %arg11[%mul3A_311] : memref<400xi32, #tpu.memory_space<vmem>> -> memref<40xi32, #tpu.memory_space<vmem>>
        %dma_wait3A_317 = arith.constant 0 : i32
        %dma_wait3A_318 = arith.constant 0 : i32
        %dma_wait3A_319 = tpu.memref_slice %arg3[%dma_wait3A_317, %dma_wait3A_318] : memref<20480x128xi32, #tpu.memory_space<hbm>> -> memref<20480x128xi32, #tpu.memory_space<hbm>>
        tpu.wait_indirect_dma semaphore(%arg26 : memref<!tpu.dma_semaphore, #tpu.memory_space<semaphore_mem>>) src(%dma_wait3A_319 : memref<20480x128xi32, #tpu.memory_space<hbm>>) dst(%arg17 : memref<40x128xi32, #tpu.memory_space<vmem>>)
        %dma_wait3A_320 = arith.constant 0 : i32
        %dma_wait3A_321 = tpu.memref_slice %arg4[%arg0, %add3A_307, %dma_wait3A_320] : memref<2x160000x64xi32, #tpu.memory_space<hbm>> -> memref<1x40x64xi32, #tpu.memory_space<hbm>>
        %dma_wait3A_322 = tpu.memref_squeeze %dma_wait3A_321 : memref<1x40x64xi32, #tpu.memory_space<hbm>> -> memref<40x64xi32, #tpu.memory_space<hbm>>
        %dma_wait3A_323 = arith.constant 0 : i32
        %dma_wait3A_324 = tpu.memref_slice %arg4[%arg0, %add3A_307, %dma_wait3A_323] : memref<2x160000x64xi32, #tpu.memory_space<hbm>> -> memref<1x40x64xi32, #tpu.memory_space<hbm>>
        %dma_wait3A_325 = tpu.memref_squeeze %dma_wait3A_324 : memref<1x40x64xi32, #tpu.memory_space<hbm>> -> memref<40x64xi32, #tpu.memory_space<hbm>>
        tpu.wait_dma2 semaphore(%arg28 : memref<!tpu.dma_semaphore, #tpu.memory_space<semaphore_mem>>) src(%dma_wait3A_325 : memref<40x64xi32, #tpu.memory_space<hbm>>) dst(%arg19 : memref<40x64xi32, #tpu.memory_space<vmem>>)
      } else {
      }
      %ge3A_183 = arith.constant 1 : i32
      %ge3A_184 = arith.cmpi sge, %add3A_107, %ge3A_183 : i32
      %convert_element_type3A_185 = arith.extui %ge3A_184 : i1 to i32
      %cond3A_186 = arith.constant 0 : i32
      %cond3A_187 = arith.cmpi ne, %convert_element_type3A_185, %cond3A_186 : i32
      scf.if %cond3A_187 {
        %scan3A_299 = arith.constant 0 : i32
        %scan3A_300 = arith.constant 0 : i32
        %scan3A_301 = arith.constant 40 : i32
        %scan3A_302 = arith.addi %scan3A_300, %scan3A_301 : i32
        %scan3A_303 = arith.constant 1 : i32
        %scan3A_304 = scf.for %scan3A_320 = %scan3A_300 to %scan3A_302 step %scan3A_303 iter_args(%scan3A_321 = %scan3A_299) -> (i32)  : i32 {
          %get3A_322 = arith.index_cast %scan3A_320 : i32 to index
          %get3A_323 = arith.constant 0 : index
          %get3A_324 = tpu.vector_load %arg15[%get3A_322, %get3A_323] {strides = array<i32>} : memref<40x128xf32, #tpu.memory_space<vmem>>, vector<1x16xf32>,
          %get3A_325 = vector.shape_cast %get3A_324 : vector<1x16xf32> to vector<16xf32>
          %get3A_326 = arith.index_cast %scan3A_320 : i32 to index
          %get3A_327 = arith.constant 16 : index
          %get3A_328 = tpu.vector_load %arg15[%get3A_326, %get3A_327] {strides = array<i32>} : memref<40x128xf32, #tpu.memory_space<vmem>>, vector<1x16xf32>,
          %get3A_329 = vector.shape_cast %get3A_328 : vector<1x16xf32> to vector<16xf32>
          %get3A_330 = arith.index_cast %scan3A_320 : i32 to index
          %get3A_331 = arith.constant 32 : index
          %get3A_332 = tpu.vector_load %arg15[%get3A_330, %get3A_331] {strides = array<i32>} : memref<40x128xf32, #tpu.memory_space<vmem>>, vector<1x16xf32>,
          %get3A_333 = vector.shape_cast %get3A_332 : vector<1x16xf32> to vector<16xf32>
          %get3A_334 = arith.index_cast %scan3A_320 : i32 to index
          %get3A_335 = arith.constant 48 : index
          %get3A_336 = tpu.vector_load %arg15[%get3A_334, %get3A_335] {strides = array<i32>} : memref<40x128xf32, #tpu.memory_space<vmem>>, vector<1x16xf32>,
          %get3A_337 = vector.shape_cast %get3A_336 : vector<1x16xf32> to vector<16xf32>
          %get3A_338 = arith.index_cast %scan3A_320 : i32 to index
          %get3A_339 = arith.constant 64 : index
          %get3A_340 = tpu.vector_load %arg15[%get3A_338, %get3A_339] {strides = array<i32>} : memref<40x128xf32, #tpu.memory_space<vmem>>, vector<1x16xf32>,
          %get3A_341 = vector.shape_cast %get3A_340 : vector<1x16xf32> to vector<16xf32>
          %get3A_342 = arith.index_cast %scan3A_320 : i32 to index
          %get3A_343 = arith.constant 80 : index
          %get3A_344 = tpu.vector_load %arg15[%get3A_342, %get3A_343] {strides = array<i32>} : memref<40x128xf32, #tpu.memory_space<vmem>>, vector<1x16xf32>,
          %get3A_345 = vector.shape_cast %get3A_344 : vector<1x16xf32> to vector<16xf32>
          %get3A_346 = arith.index_cast %scan3A_320 : i32 to index
          %get3A_347 = arith.constant 96 : index
          %get3A_348 = tpu.vector_load %arg15[%get3A_346, %get3A_347] {strides = array<i32>} : memref<40x128xf32, #tpu.memory_space<vmem>>, vector<1x16xf32>,
          %get3A_349 = vector.shape_cast %get3A_348 : vector<1x16xf32> to vector<16xf32>
          %get3A_350 = arith.index_cast %scan3A_320 : i32 to index
          %get3A_351 = arith.constant 112 : index
          %get3A_352 = tpu.vector_load %arg15[%get3A_350, %get3A_351] {strides = array<i32>} : memref<40x128xf32, #tpu.memory_space<vmem>>, vector<1x16xf32>,
          %get3A_353 = vector.shape_cast %get3A_352 : vector<1x16xf32> to vector<16xf32>
          %get3A_354 = arith.index_cast %scan3A_320 : i32 to index
          %get3A_355 = arith.constant 0 : index
          %get3A_356 = tpu.vector_load %arg17[%get3A_354, %get3A_355] {strides = array<i32>} : memref<40x128xi32, #tpu.memory_space<vmem>>, vector<1x16xi32>,
          %get3A_357 = vector.shape_cast %get3A_356 : vector<1x16xi32> to vector<16xi32>
          %shift_left3A = arith.constant 16 : i32
          %shift_left3A_358 = vector.broadcast %shift_left3A : i32 to vector<16xi32>
          %shift_left3A_359 = arith.shli %get3A_357, %shift_left3A_358 : vector<16xi32>
          %bitcast_convert_type3A = tpu.bitcast %shift_left3A_359 : vector<16xi32> -> vector<16xf32>
          %and3A_360 = arith.constant -65536 : i32
          %and3A_361 = vector.broadcast %and3A_360 : i32 to vector<16xi32>
          %and3A_362 = arith.andi %get3A_357, %and3A_361 : vector<16xi32>
          %bitcast_convert_type3A_363 = tpu.bitcast %and3A_362 : vector<16xi32> -> vector<16xf32>
          %get3A_364 = arith.index_cast %scan3A_320 : i32 to index
          %get3A_365 = arith.constant 16 : index
          %get3A_366 = tpu.vector_load %arg17[%get3A_364, %get3A_365] {strides = array<i32>} : memref<40x128xi32, #tpu.memory_space<vmem>>, vector<1x16xi32>,
          %get3A_367 = vector.shape_cast %get3A_366 : vector<1x16xi32> to vector<16xi32>
          %shift_left3A_368 = arith.constant 16 : i32
          %shift_left3A_369 = vector.broadcast %shift_left3A_368 : i32 to vector<16xi32>
          %shift_left3A_370 = arith.shli %get3A_367, %shift_left3A_369 : vector<16xi32>
          %bitcast_convert_type3A_371 = tpu.bitcast %shift_left3A_370 : vector<16xi32> -> vector<16xf32>
          %and3A_372 = arith.constant -65536 : i32
          %and3A_373 = vector.broadcast %and3A_372 : i32 to vector<16xi32>
          %and3A_374 = arith.andi %get3A_367, %and3A_373 : vector<16xi32>
          %bitcast_convert_type3A_375 = tpu.bitcast %and3A_374 : vector<16xi32> -> vector<16xf32>
          %get3A_376 = arith.index_cast %scan3A_320 : i32 to index
          %get3A_377 = arith.constant 32 : index
          %get3A_378 = tpu.vector_load %arg17[%get3A_376, %get3A_377] {strides = array<i32>} : memref<40x128xi32, #tpu.memory_space<vmem>>, vector<1x16xi32>,
          %get3A_379 = vector.shape_cast %get3A_378 : vector<1x16xi32> to vector<16xi32>
          %shift_left3A_380 = arith.constant 16 : i32
          %shift_left3A_381 = vector.broadcast %shift_left3A_380 : i32 to vector<16xi32>
          %shift_left3A_382 = arith.shli %get3A_379, %shift_left3A_381 : vector<16xi32>
          %bitcast_convert_type3A_383 = tpu.bitcast %shift_left3A_382 : vector<16xi32> -> vector<16xf32>
          %and3A_384 = arith.constant -65536 : i32
          %and3A_385 = vector.broadcast %and3A_384 : i32 to vector<16xi32>
          %and3A_386 = arith.andi %get3A_379, %and3A_385 : vector<16xi32>
          %bitcast_convert_type3A_387 = tpu.bitcast %and3A_386 : vector<16xi32> -> vector<16xf32>
          %get3A_388 = arith.index_cast %scan3A_320 : i32 to index
          %get3A_389 = arith.constant 48 : index
          %get3A_390 = tpu.vector_load %arg17[%get3A_388, %get3A_389] {strides = array<i32>} : memref<40x128xi32, #tpu.memory_space<vmem>>, vector<1x16xi32>,
          %get3A_391 = vector.shape_cast %get3A_390 : vector<1x16xi32> to vector<16xi32>
          %shift_left3A_392 = arith.constant 16 : i32
          %shift_left3A_393 = vector.broadcast %shift_left3A_392 : i32 to vector<16xi32>
          %shift_left3A_394 = arith.shli %get3A_391, %shift_left3A_393 : vector<16xi32>
          %bitcast_convert_type3A_395 = tpu.bitcast %shift_left3A_394 : vector<16xi32> -> vector<16xf32>
          %and3A_396 = arith.constant -65536 : i32
          %and3A_397 = vector.broadcast %and3A_396 : i32 to vector<16xi32>
          %and3A_398 = arith.andi %get3A_391, %and3A_397 : vector<16xi32>
          %bitcast_convert_type3A_399 = tpu.bitcast %and3A_398 : vector<16xi32> -> vector<16xf32>
          %get3A_400 = arith.index_cast %scan3A_320 : i32 to index
          %get3A_401 = arith.constant 64 : index
          %get3A_402 = tpu.vector_load %arg17[%get3A_400, %get3A_401] {strides = array<i32>} : memref<40x128xi32, #tpu.memory_space<vmem>>, vector<1x16xi32>,
          %get3A_403 = vector.shape_cast %get3A_402 : vector<1x16xi32> to vector<16xi32>
          %shift_left3A_404 = arith.constant 16 : i32
          %shift_left3A_405 = vector.broadcast %shift_left3A_404 : i32 to vector<16xi32>
          %shift_left3A_406 = arith.shli %get3A_403, %shift_left3A_405 : vector<16xi32>
          %bitcast_convert_type3A_407 = tpu.bitcast %shift_left3A_406 : vector<16xi32> -> vector<16xf32>
          %and3A_408 = arith.constant -65536 : i32
          %and3A_409 = vector.broadcast %and3A_408 : i32 to vector<16xi32>
          %and3A_410 = arith.andi %get3A_403, %and3A_409 : vector<16xi32>
          %bitcast_convert_type3A_411 = tpu.bitcast %and3A_410 : vector<16xi32> -> vector<16xf32>
          %get3A_412 = arith.index_cast %scan3A_320 : i32 to index
          %get3A_413 = arith.constant 80 : index
          %get3A_414 = tpu.vector_load %arg17[%get3A_412, %get3A_413] {strides = array<i32>} : memref<40x128xi32, #tpu.memory_space<vmem>>, vector<1x16xi32>,
          %get3A_415 = vector.shape_cast %get3A_414 : vector<1x16xi32> to vector<16xi32>
          %shift_left3A_416 = arith.constant 16 : i32
          %shift_left3A_417 = vector.broadcast %shift_left3A_416 : i32 to vector<16xi32>
          %shift_left3A_418 = arith.shli %get3A_415, %shift_left3A_417 : vector<16xi32>
          %bitcast_convert_type3A_419 = tpu.bitcast %shift_left3A_418 : vector<16xi32> -> vector<16xf32>
          %and3A_420 = arith.constant -65536 : i32
          %and3A_421 = vector.broadcast %and3A_420 : i32 to vector<16xi32>
          %and3A_422 = arith.andi %get3A_415, %and3A_421 : vector<16xi32>
          %bitcast_convert_type3A_423 = tpu.bitcast %and3A_422 : vector<16xi32> -> vector<16xf32>
          %get3A_424 = arith.index_cast %scan3A_320 : i32 to index
          %get3A_425 = arith.constant 96 : index
          %get3A_426 = tpu.vector_load %arg17[%get3A_424, %get3A_425] {strides = array<i32>} : memref<40x128xi32, #tpu.memory_space<vmem>>, vector<1x16xi32>,
          %get3A_427 = vector.shape_cast %get3A_426 : vector<1x16xi32> to vector<16xi32>
          %shift_left3A_428 = arith.constant 16 : i32
          %shift_left3A_429 = vector.broadcast %shift_left3A_428 : i32 to vector<16xi32>
          %shift_left3A_430 = arith.shli %get3A_427, %shift_left3A_429 : vector<16xi32>
          %bitcast_convert_type3A_431 = tpu.bitcast %shift_left3A_430 : vector<16xi32> -> vector<16xf32>
          %and3A_432 = arith.constant -65536 : i32
          %and3A_433 = vector.broadcast %and3A_432 : i32 to vector<16xi32>
          %and3A_434 = arith.andi %get3A_427, %and3A_433 : vector<16xi32>
          %bitcast_convert_type3A_435 = tpu.bitcast %and3A_434 : vector<16xi32> -> vector<16xf32>
          %get3A_436 = arith.index_cast %scan3A_320 : i32 to index
          %get3A_437 = arith.constant 112 : index
          %get3A_438 = tpu.vector_load %arg17[%get3A_436, %get3A_437] {strides = array<i32>} : memref<40x128xi32, #tpu.memory_space<vmem>>, vector<1x16xi32>,
          %get3A_439 = vector.shape_cast %get3A_438 : vector<1x16xi32> to vector<16xi32>
          %shift_left3A_440 = arith.constant 16 : i32
          %shift_left3A_441 = vector.broadcast %shift_left3A_440 : i32 to vector<16xi32>
          %shift_left3A_442 = arith.shli %get3A_439, %shift_left3A_441 : vector<16xi32>
          %bitcast_convert_type3A_443 = tpu.bitcast %shift_left3A_442 : vector<16xi32> -> vector<16xf32>
          %and3A_444 = arith.constant -65536 : i32
          %and3A_445 = vector.broadcast %and3A_444 : i32 to vector<16xi32>
          %and3A_446 = arith.andi %get3A_439, %and3A_445 : vector<16xi32>
          %bitcast_convert_type3A_447 = tpu.bitcast %and3A_446 : vector<16xi32> -> vector<16xf32>
          %get3A_448 = arith.index_cast %scan3A_320 : i32 to index
          %get3A_449 = arith.constant 0 : index
          %get3A_450 = tpu.vector_load %arg19[%get3A_448, %get3A_449] {strides = array<i32>} : memref<40x64xi32, #tpu.memory_space<vmem>>, vector<1x16xi32>,
          %get3A_451 = vector.shape_cast %get3A_450 : vector<1x16xi32> to vector<16xi32>
          %shift_left3A_452 = arith.constant 16 : i32
          %shift_left3A_453 = vector.broadcast %shift_left3A_452 : i32 to vector<16xi32>
          %shift_left3A_454 = arith.shli %get3A_451, %shift_left3A_453 : vector<16xi32>
          %bitcast_convert_type3A_455 = tpu.bitcast %shift_left3A_454 : vector<16xi32> -> vector<16xf32>
          %and3A_456 = arith.constant -65536 : i32
          %and3A_457 = vector.broadcast %and3A_456 : i32 to vector<16xi32>
          %and3A_458 = arith.andi %get3A_451, %and3A_457 : vector<16xi32>
          %bitcast_convert_type3A_459 = tpu.bitcast %and3A_458 : vector<16xi32> -> vector<16xf32>
          %get3A_460 = arith.index_cast %scan3A_320 : i32 to index
          %get3A_461 = arith.constant 16 : index
          %get3A_462 = tpu.vector_load %arg19[%get3A_460, %get3A_461] {strides = array<i32>} : memref<40x64xi32, #tpu.memory_space<vmem>>, vector<1x16xi32>,
          %get3A_463 = vector.shape_cast %get3A_462 : vector<1x16xi32> to vector<16xi32>
          %shift_left3A_464 = arith.constant 16 : i32
          %shift_left3A_465 = vector.broadcast %shift_left3A_464 : i32 to vector<16xi32>
          %shift_left3A_466 = arith.shli %get3A_463, %shift_left3A_465 : vector<16xi32>
          %bitcast_convert_type3A_467 = tpu.bitcast %shift_left3A_466 : vector<16xi32> -> vector<16xf32>
          %and3A_468 = arith.constant -65536 : i32
          %and3A_469 = vector.broadcast %and3A_468 : i32 to vector<16xi32>
          %and3A_470 = arith.andi %get3A_463, %and3A_469 : vector<16xi32>
          %bitcast_convert_type3A_471 = tpu.bitcast %and3A_470 : vector<16xi32> -> vector<16xf32>
          %get3A_472 = arith.index_cast %scan3A_320 : i32 to index
          %get3A_473 = arith.constant 32 : index
          %get3A_474 = tpu.vector_load %arg19[%get3A_472, %get3A_473] {strides = array<i32>} : memref<40x64xi32, #tpu.memory_space<vmem>>, vector<1x16xi32>,
          %get3A_475 = vector.shape_cast %get3A_474 : vector<1x16xi32> to vector<16xi32>
          %shift_left3A_476 = arith.constant 16 : i32
          %shift_left3A_477 = vector.broadcast %shift_left3A_476 : i32 to vector<16xi32>
          %shift_left3A_478 = arith.shli %get3A_475, %shift_left3A_477 : vector<16xi32>
          %bitcast_convert_type3A_479 = tpu.bitcast %shift_left3A_478 : vector<16xi32> -> vector<16xf32>
          %and3A_480 = arith.constant -65536 : i32
          %and3A_481 = vector.broadcast %and3A_480 : i32 to vector<16xi32>
          %and3A_482 = arith.andi %get3A_475, %and3A_481 : vector<16xi32>
          %bitcast_convert_type3A_483 = tpu.bitcast %and3A_482 : vector<16xi32> -> vector<16xf32>
          %get3A_484 = arith.index_cast %scan3A_320 : i32 to index
          %get3A_485 = arith.constant 48 : index
          %get3A_486 = tpu.vector_load %arg19[%get3A_484, %get3A_485] {strides = array<i32>} : memref<40x64xi32, #tpu.memory_space<vmem>>, vector<1x16xi32>,
          %get3A_487 = vector.shape_cast %get3A_486 : vector<1x16xi32> to vector<16xi32>
          %shift_left3A_488 = arith.constant 16 : i32
          %shift_left3A_489 = vector.broadcast %shift_left3A_488 : i32 to vector<16xi32>
          %shift_left3A_490 = arith.shli %get3A_487, %shift_left3A_489 : vector<16xi32>
          %bitcast_convert_type3A_491 = tpu.bitcast %shift_left3A_490 : vector<16xi32> -> vector<16xf32>
          %and3A_492 = arith.constant -65536 : i32
          %and3A_493 = vector.broadcast %and3A_492 : i32 to vector<16xi32>
          %and3A_494 = arith.andi %get3A_487, %and3A_493 : vector<16xi32>
          %bitcast_convert_type3A_495 = tpu.bitcast %and3A_494 : vector<16xi32> -> vector<16xf32>
          %add3A_496 = arith.addf %get3A_325, %bitcast_convert_type3A : vector<16xf32>
          %add3A_497 = arith.addf %add3A_496, %bitcast_convert_type3A_455 : vector<16xf32>
          %add3A_498 = arith.addf %get3A_329, %bitcast_convert_type3A_363 : vector<16xf32>
          %add3A_499 = arith.addf %add3A_498, %bitcast_convert_type3A_459 : vector<16xf32>
          %add3A_500 = arith.addf %get3A_333, %bitcast_convert_type3A_371 : vector<16xf32>
          %add3A_501 = arith.addf %add3A_500, %bitcast_convert_type3A_467 : vector<16xf32>
          %add3A_502 = arith.addf %get3A_337, %bitcast_convert_type3A_375 : vector<16xf32>
          %add3A_503 = arith.addf %add3A_502, %bitcast_convert_type3A_471 : vector<16xf32>
          %add3A_504 = arith.addf %get3A_341, %bitcast_convert_type3A_383 : vector<16xf32>
          %add3A_505 = arith.addf %add3A_504, %bitcast_convert_type3A_479 : vector<16xf32>
          %add3A_506 = arith.addf %get3A_345, %bitcast_convert_type3A_387 : vector<16xf32>
          %add3A_507 = arith.addf %add3A_506, %bitcast_convert_type3A_483 : vector<16xf32>
          %add3A_508 = arith.addf %get3A_349, %bitcast_convert_type3A_395 : vector<16xf32>
          %add3A_509 = arith.addf %add3A_508, %bitcast_convert_type3A_491 : vector<16xf32>
          %add3A_510 = arith.addf %get3A_353, %bitcast_convert_type3A_399 : vector<16xf32>
          %add3A_511 = arith.addf %add3A_510, %bitcast_convert_type3A_495 : vector<16xf32>
          %neg3A = arith.constant 0.000000e+00 : f32
          %neg3A_512 = vector.broadcast %neg3A : f32 to vector<16xf32>
          %neg3A_513 = arith.subf %neg3A_512, %add3A_497 : vector<16xf32>
          %exp3A = math.exp %neg3A_513 : vector<16xf32>
          %add3A_514 = arith.constant 1.000000e+00 : f32
          %add3A_515 = vector.broadcast %add3A_514 : f32 to vector<16xf32>
          %add3A_516 = arith.addf %add3A_515, %exp3A : vector<16xf32>
          %div3A = arith.constant 1.000000e+00 : f32
          %div3A_517 = vector.broadcast %div3A : f32 to vector<16xf32>
          %div3A_518 = arith.divf %div3A_517, %add3A_516 : vector<16xf32>
          %neg3A_519 = arith.constant 0.000000e+00 : f32
          %neg3A_520 = vector.broadcast %neg3A_519 : f32 to vector<16xf32>
          %neg3A_521 = arith.subf %neg3A_520, %add3A_499 : vector<16xf32>
          %exp3A_522 = math.exp %neg3A_521 : vector<16xf32>
          %add3A_523 = arith.constant 1.000000e+00 : f32
          %add3A_524 = vector.broadcast %add3A_523 : f32 to vector<16xf32>
          %add3A_525 = arith.addf %add3A_524, %exp3A_522 : vector<16xf32>
          %div3A_526 = arith.constant 1.000000e+00 : f32
          %div3A_527 = vector.broadcast %div3A_526 : f32 to vector<16xf32>
          %div3A_528 = arith.divf %div3A_527, %add3A_525 : vector<16xf32>
          %neg3A_529 = arith.constant 0.000000e+00 : f32
          %neg3A_530 = vector.broadcast %neg3A_529 : f32 to vector<16xf32>
          %neg3A_531 = arith.subf %neg3A_530, %add3A_501 : vector<16xf32>
          %exp3A_532 = math.exp %neg3A_531 : vector<16xf32>
          %add3A_533 = arith.constant 1.000000e+00 : f32
          %add3A_534 = vector.broadcast %add3A_533 : f32 to vector<16xf32>
          %add3A_535 = arith.addf %add3A_534, %exp3A_532 : vector<16xf32>
          %div3A_536 = arith.constant 1.000000e+00 : f32
          %div3A_537 = vector.broadcast %div3A_536 : f32 to vector<16xf32>
          %div3A_538 = arith.divf %div3A_537, %add3A_535 : vector<16xf32>
          %neg3A_539 = arith.constant 0.000000e+00 : f32
          %neg3A_540 = vector.broadcast %neg3A_539 : f32 to vector<16xf32>
          %neg3A_541 = arith.subf %neg3A_540, %add3A_503 : vector<16xf32>
          %exp3A_542 = math.exp %neg3A_541 : vector<16xf32>
          %add3A_543 = arith.constant 1.000000e+00 : f32
          %add3A_544 = vector.broadcast %add3A_543 : f32 to vector<16xf32>
          %add3A_545 = arith.addf %add3A_544, %exp3A_542 : vector<16xf32>
          %div3A_546 = arith.constant 1.000000e+00 : f32
          %div3A_547 = vector.broadcast %div3A_546 : f32 to vector<16xf32>
          %div3A_548 = arith.divf %div3A_547, %add3A_545 : vector<16xf32>
          %neg3A_549 = arith.constant 0.000000e+00 : f32
          %neg3A_550 = vector.broadcast %neg3A_549 : f32 to vector<16xf32>
          %neg3A_551 = arith.subf %neg3A_550, %add3A_505 : vector<16xf32>
          %exp3A_552 = math.exp %neg3A_551 : vector<16xf32>
          %add3A_553 = arith.constant 1.000000e+00 : f32
          %add3A_554 = vector.broadcast %add3A_553 : f32 to vector<16xf32>
          %add3A_555 = arith.addf %add3A_554, %exp3A_552 : vector<16xf32>
          %div3A_556 = arith.constant 1.000000e+00 : f32
          %div3A_557 = vector.broadcast %div3A_556 : f32 to vector<16xf32>
          %div3A_558 = arith.divf %div3A_557, %add3A_555 : vector<16xf32>
          %neg3A_559 = arith.constant 0.000000e+00 : f32
          %neg3A_560 = vector.broadcast %neg3A_559 : f32 to vector<16xf32>
          %neg3A_561 = arith.subf %neg3A_560, %add3A_507 : vector<16xf32>
          %exp3A_562 = math.exp %neg3A_561 : vector<16xf32>
          %add3A_563 = arith.constant 1.000000e+00 : f32
          %add3A_564 = vector.broadcast %add3A_563 : f32 to vector<16xf32>
          %add3A_565 = arith.addf %add3A_564, %exp3A_562 : vector<16xf32>
          %div3A_566 = arith.constant 1.000000e+00 : f32
          %div3A_567 = vector.broadcast %div3A_566 : f32 to vector<16xf32>
          %div3A_568 = arith.divf %div3A_567, %add3A_565 : vector<16xf32>
          %neg3A_569 = arith.constant 0.000000e+00 : f32
          %neg3A_570 = vector.broadcast %neg3A_569 : f32 to vector<16xf32>
          %neg3A_571 = arith.subf %neg3A_570, %add3A_509 : vector<16xf32>
          %exp3A_572 = math.exp %neg3A_571 : vector<16xf32>
          %add3A_573 = arith.constant 1.000000e+00 : f32
          %add3A_574 = vector.broadcast %add3A_573 : f32 to vector<16xf32>
          %add3A_575 = arith.addf %add3A_574, %exp3A_572 : vector<16xf32>
          %div3A_576 = arith.constant 1.000000e+00 : f32
          %div3A_577 = vector.broadcast %div3A_576 : f32 to vector<16xf32>
          %div3A_578 = arith.divf %div3A_577, %add3A_575 : vector<16xf32>
          %neg3A_579 = arith.constant 0.000000e+00 : f32
          %neg3A_580 = vector.broadcast %neg3A_579 : f32 to vector<16xf32>
          %neg3A_581 = arith.subf %neg3A_580, %add3A_511 : vector<16xf32>
          %exp3A_582 = math.exp %neg3A_581 : vector<16xf32>
          %add3A_583 = arith.constant 1.000000e+00 : f32
          %add3A_584 = vector.broadcast %add3A_583 : f32 to vector<16xf32>
          %add3A_585 = arith.addf %add3A_584, %exp3A_582 : vector<16xf32>
          %div3A_586 = arith.constant 1.000000e+00 : f32
          %div3A_587 = vector.broadcast %div3A_586 : f32 to vector<16xf32>
          %div3A_588 = arith.divf %div3A_587, %add3A_585 : vector<16xf32>
          %swap3A_589 = arith.index_cast %scan3A_320 : i32 to index
          %swap3A_590 = arith.constant 0 : index
          %swap3A_591 = tpu.vector_load %arg15[%swap3A_589, %swap3A_590] {strides = array<i32>} : memref<40x128xf32, #tpu.memory_space<vmem>>, vector<1x16xf32>,
          %swap3A_592 = vector.shape_cast %swap3A_591 : vector<1x16xf32> to vector<16xf32>
          %swap3A_593 = vector.shape_cast %add3A_497 : vector<16xf32> to vector<1x16xf32>
          tpu.vector_store %arg15[%swap3A_589, %swap3A_590], %swap3A_593 {strides = array<i32>} : memref<40x128xf32, #tpu.memory_space<vmem>>, vector<1x16xf32>,
          %swap3A_594 = arith.index_cast %scan3A_320 : i32 to index
          %swap3A_595 = arith.constant 16 : index
          %swap3A_596 = tpu.vector_load %arg15[%swap3A_594, %swap3A_595] {strides = array<i32>} : memref<40x128xf32, #tpu.memory_space<vmem>>, vector<1x16xf32>,
          %swap3A_597 = vector.shape_cast %swap3A_596 : vector<1x16xf32> to vector<16xf32>
          %swap3A_598 = vector.shape_cast %add3A_499 : vector<16xf32> to vector<1x16xf32>
          tpu.vector_store %arg15[%swap3A_594, %swap3A_595], %swap3A_598 {strides = array<i32>} : memref<40x128xf32, #tpu.memory_space<vmem>>, vector<1x16xf32>,
          %swap3A_599 = arith.index_cast %scan3A_320 : i32 to index
          %swap3A_600 = arith.constant 32 : index
          %swap3A_601 = tpu.vector_load %arg15[%swap3A_599, %swap3A_600] {strides = array<i32>} : memref<40x128xf32, #tpu.memory_space<vmem>>, vector<1x16xf32>,
          %swap3A_602 = vector.shape_cast %swap3A_601 : vector<1x16xf32> to vector<16xf32>
          %swap3A_603 = vector.shape_cast %add3A_501 : vector<16xf32> to vector<1x16xf32>
          tpu.vector_store %arg15[%swap3A_599, %swap3A_600], %swap3A_603 {strides = array<i32>} : memref<40x128xf32, #tpu.memory_space<vmem>>, vector<1x16xf32>,
          %swap3A_604 = arith.index_cast %scan3A_320 : i32 to index
          %swap3A_605 = arith.constant 48 : index
          %swap3A_606 = tpu.vector_load %arg15[%swap3A_604, %swap3A_605] {strides = array<i32>} : memref<40x128xf32, #tpu.memory_space<vmem>>, vector<1x16xf32>,
          %swap3A_607 = vector.shape_cast %swap3A_606 : vector<1x16xf32> to vector<16xf32>
          %swap3A_608 = vector.shape_cast %add3A_503 : vector<16xf32> to vector<1x16xf32>
          tpu.vector_store %arg15[%swap3A_604, %swap3A_605], %swap3A_608 {strides = array<i32>} : memref<40x128xf32, #tpu.memory_space<vmem>>, vector<1x16xf32>,
          %swap3A_609 = arith.index_cast %scan3A_320 : i32 to index
          %swap3A_610 = arith.constant 64 : index
          %swap3A_611 = tpu.vector_load %arg15[%swap3A_609, %swap3A_610] {strides = array<i32>} : memref<40x128xf32, #tpu.memory_space<vmem>>, vector<1x16xf32>,
          %swap3A_612 = vector.shape_cast %swap3A_611 : vector<1x16xf32> to vector<16xf32>
          %swap3A_613 = vector.shape_cast %add3A_505 : vector<16xf32> to vector<1x16xf32>
          tpu.vector_store %arg15[%swap3A_609, %swap3A_610], %swap3A_613 {strides = array<i32>} : memref<40x128xf32, #tpu.memory_space<vmem>>, vector<1x16xf32>,
          %swap3A_614 = arith.index_cast %scan3A_320 : i32 to index
          %swap3A_615 = arith.constant 80 : index
          %swap3A_616 = tpu.vector_load %arg15[%swap3A_614, %swap3A_615] {strides = array<i32>} : memref<40x128xf32, #tpu.memory_space<vmem>>, vector<1x16xf32>,
          %swap3A_617 = vector.shape_cast %swap3A_616 : vector<1x16xf32> to vector<16xf32>
          %swap3A_618 = vector.shape_cast %add3A_507 : vector<16xf32> to vector<1x16xf32>
          tpu.vector_store %arg15[%swap3A_614, %swap3A_615], %swap3A_618 {strides = array<i32>} : memref<40x128xf32, #tpu.memory_space<vmem>>, vector<1x16xf32>,
          %swap3A_619 = arith.index_cast %scan3A_320 : i32 to index
          %swap3A_620 = arith.constant 96 : index
          %swap3A_621 = tpu.vector_load %arg15[%swap3A_619, %swap3A_620] {strides = array<i32>} : memref<40x128xf32, #tpu.memory_space<vmem>>, vector<1x16xf32>,
          %swap3A_622 = vector.shape_cast %swap3A_621 : vector<1x16xf32> to vector<16xf32>
          %swap3A_623 = vector.shape_cast %add3A_509 : vector<16xf32> to vector<1x16xf32>
          tpu.vector_store %arg15[%swap3A_619, %swap3A_620], %swap3A_623 {strides = array<i32>} : memref<40x128xf32, #tpu.memory_space<vmem>>, vector<1x16xf32>,
          %swap3A_624 = arith.index_cast %scan3A_320 : i32 to index
          %swap3A_625 = arith.constant 112 : index
          %swap3A_626 = tpu.vector_load %arg15[%swap3A_624, %swap3A_625] {strides = array<i32>} : memref<40x128xf32, #tpu.memory_space<vmem>>, vector<1x16xf32>,
          %swap3A_627 = vector.shape_cast %swap3A_626 : vector<1x16xf32> to vector<16xf32>
          %swap3A_628 = vector.shape_cast %add3A_511 : vector<16xf32> to vector<1x16xf32>
          tpu.vector_store %arg15[%swap3A_624, %swap3A_625], %swap3A_628 {strides = array<i32>} : memref<40x128xf32, #tpu.memory_space<vmem>>, vector<1x16xf32>,
          %mul3A_629 = arith.mulf %div3A_518, %bitcast_convert_type3A_407 : vector<16xf32>
          %swap3A_630 = arith.index_cast %scan3A_320 : i32 to index
          %swap3A_631 = arith.constant 0 : index
          %swap3A_632 = tpu.vector_load %arg21[%swap3A_630, %swap3A_631] {strides = array<i32>} : memref<40x128xf32, #tpu.memory_space<vmem>>, vector<1x16xf32>,
          %swap3A_633 = vector.shape_cast %swap3A_632 : vector<1x16xf32> to vector<16xf32>
          %swap3A_634 = vector.shape_cast %mul3A_629 : vector<16xf32> to vector<1x16xf32>
          tpu.vector_store %arg21[%swap3A_630, %swap3A_631], %swap3A_634 {strides = array<i32>} : memref<40x128xf32, #tpu.memory_space<vmem>>, vector<1x16xf32>,
          %mul3A_635 = arith.mulf %div3A_528, %bitcast_convert_type3A_411 : vector<16xf32>
          %swap3A_636 = arith.index_cast %scan3A_320 : i32 to index
          %swap3A_637 = arith.constant 16 : index
          %swap3A_638 = tpu.vector_load %arg21[%swap3A_636, %swap3A_637] {strides = array<i32>} : memref<40x128xf32, #tpu.memory_space<vmem>>, vector<1x16xf32>,
          %swap3A_639 = vector.shape_cast %swap3A_638 : vector<1x16xf32> to vector<16xf32>
          %swap3A_640 = vector.shape_cast %mul3A_635 : vector<16xf32> to vector<1x16xf32>
          tpu.vector_store %arg21[%swap3A_636, %swap3A_637], %swap3A_640 {strides = array<i32>} : memref<40x128xf32, #tpu.memory_space<vmem>>, vector<1x16xf32>,
          %mul3A_641 = arith.mulf %div3A_538, %bitcast_convert_type3A_419 : vector<16xf32>
          %swap3A_642 = arith.index_cast %scan3A_320 : i32 to index
          %swap3A_643 = arith.constant 32 : index
          %swap3A_644 = tpu.vector_load %arg21[%swap3A_642, %swap3A_643] {strides = array<i32>} : memref<40x128xf32, #tpu.memory_space<vmem>>, vector<1x16xf32>,
          %swap3A_645 = vector.shape_cast %swap3A_644 : vector<1x16xf32> to vector<16xf32>
          %swap3A_646 = vector.shape_cast %mul3A_641 : vector<16xf32> to vector<1x16xf32>
          tpu.vector_store %arg21[%swap3A_642, %swap3A_643], %swap3A_646 {strides = array<i32>} : memref<40x128xf32, #tpu.memory_space<vmem>>, vector<1x16xf32>,
          %mul3A_647 = arith.mulf %div3A_548, %bitcast_convert_type3A_423 : vector<16xf32>
          %swap3A_648 = arith.index_cast %scan3A_320 : i32 to index
          %swap3A_649 = arith.constant 48 : index
          %swap3A_650 = tpu.vector_load %arg21[%swap3A_648, %swap3A_649] {strides = array<i32>} : memref<40x128xf32, #tpu.memory_space<vmem>>, vector<1x16xf32>,
          %swap3A_651 = vector.shape_cast %swap3A_650 : vector<1x16xf32> to vector<16xf32>
          %swap3A_652 = vector.shape_cast %mul3A_647 : vector<16xf32> to vector<1x16xf32>
          tpu.vector_store %arg21[%swap3A_648, %swap3A_649], %swap3A_652 {strides = array<i32>} : memref<40x128xf32, #tpu.memory_space<vmem>>, vector<1x16xf32>,
          %mul3A_653 = arith.mulf %div3A_558, %bitcast_convert_type3A_431 : vector<16xf32>
          %swap3A_654 = arith.index_cast %scan3A_320 : i32 to index
          %swap3A_655 = arith.constant 64 : index
          %swap3A_656 = tpu.vector_load %arg21[%swap3A_654, %swap3A_655] {strides = array<i32>} : memref<40x128xf32, #tpu.memory_space<vmem>>, vector<1x16xf32>,
          %swap3A_657 = vector.shape_cast %swap3A_656 : vector<1x16xf32> to vector<16xf32>
          %swap3A_658 = vector.shape_cast %mul3A_653 : vector<16xf32> to vector<1x16xf32>
          tpu.vector_store %arg21[%swap3A_654, %swap3A_655], %swap3A_658 {strides = array<i32>} : memref<40x128xf32, #tpu.memory_space<vmem>>, vector<1x16xf32>,
          %mul3A_659 = arith.mulf %div3A_568, %bitcast_convert_type3A_435 : vector<16xf32>
          %swap3A_660 = arith.index_cast %scan3A_320 : i32 to index
          %swap3A_661 = arith.constant 80 : index
          %swap3A_662 = tpu.vector_load %arg21[%swap3A_660, %swap3A_661] {strides = array<i32>} : memref<40x128xf32, #tpu.memory_space<vmem>>, vector<1x16xf32>,
          %swap3A_663 = vector.shape_cast %swap3A_662 : vector<1x16xf32> to vector<16xf32>
          %swap3A_664 = vector.shape_cast %mul3A_659 : vector<16xf32> to vector<1x16xf32>
          tpu.vector_store %arg21[%swap3A_660, %swap3A_661], %swap3A_664 {strides = array<i32>} : memref<40x128xf32, #tpu.memory_space<vmem>>, vector<1x16xf32>,
          %mul3A_665 = arith.mulf %div3A_578, %bitcast_convert_type3A_443 : vector<16xf32>
          %swap3A_666 = arith.index_cast %scan3A_320 : i32 to index
          %swap3A_667 = arith.constant 96 : index
          %swap3A_668 = tpu.vector_load %arg21[%swap3A_666, %swap3A_667] {strides = array<i32>} : memref<40x128xf32, #tpu.memory_space<vmem>>, vector<1x16xf32>,
          %swap3A_669 = vector.shape_cast %swap3A_668 : vector<1x16xf32> to vector<16xf32>
          %swap3A_670 = vector.shape_cast %mul3A_665 : vector<16xf32> to vector<1x16xf32>
          tpu.vector_store %arg21[%swap3A_666, %swap3A_667], %swap3A_670 {strides = array<i32>} : memref<40x128xf32, #tpu.memory_space<vmem>>, vector<1x16xf32>,
          %mul3A_671 = arith.mulf %div3A_588, %bitcast_convert_type3A_447 : vector<16xf32>
          %swap3A_672 = arith.index_cast %scan3A_320 : i32 to index
          %swap3A_673 = arith.constant 112 : index
          %swap3A_674 = tpu.vector_load %arg21[%swap3A_672, %swap3A_673] {strides = array<i32>} : memref<40x128xf32, #tpu.memory_space<vmem>>, vector<1x16xf32>,
          %swap3A_675 = vector.shape_cast %swap3A_674 : vector<1x16xf32> to vector<16xf32>
          %swap3A_676 = vector.shape_cast %mul3A_671 : vector<16xf32> to vector<1x16xf32>
          tpu.vector_store %arg21[%swap3A_672, %swap3A_673], %swap3A_676 {strides = array<i32>} : memref<40x128xf32, #tpu.memory_space<vmem>>, vector<1x16xf32>,
          %scan3A_677 = arith.constant 0 : i32
          scf.yield %scan3A_677 : i32
        }
        %scan3A_305 = arith.constant 40 : i32
        %sub3A_306 = arith.constant 1 : i32
        %sub3A_307 = arith.subi %add3A_107, %sub3A_306 : i32
        %mul3A_308 = arith.constant 10000 : i32
        %mul3A_309 = arith.muli %arg1, %mul3A_308 : i32
        %mul3A_310 = arith.constant 40 : i32
        %mul3A_311 = arith.muli %sub3A_307, %mul3A_310 : i32
        %add3A_312 = arith.addi %mul3A_309, %mul3A_311 : i32
        %mul3A_313 = arith.constant 128 : i32
        %mul3A_314 = arith.muli %arg0, %mul3A_313 : i32
        %dma_start3A_315 = tpu.memref_slice %arg6[%add3A_312, %mul3A_314] : memref<160000x256xf32, #tpu.memory_space<hbm>> -> memref<40x128xf32, #tpu.memory_space<hbm>>
        %dma_start3A_316 = tpu.memref_slice %arg6[%add3A_312, %mul3A_314] : memref<160000x256xf32, #tpu.memory_space<hbm>> -> memref<40x128xf32, #tpu.memory_space<hbm>>
        tpu.enqueue_dma source(%arg15 : memref<40x128xf32, #tpu.memory_space<vmem>>) target(%dma_start3A_316 : memref<40x128xf32, #tpu.memory_space<hbm>>) target_semaphore(%arg30 : memref<!tpu.dma_semaphore, #tpu.memory_space<semaphore_mem>>)
        %dma_start3A_317 = arith.constant 0 : i32
        %dma_start3A_318 = arith.constant 0 : i32
        %dma_start3A_319 = tpu.memref_slice %arg8[%dma_start3A_317, %dma_start3A_318] : memref<10240x128xf32, #tpu.memory_space<vmem_shared>> -> memref<10240x128xf32, #tpu.memory_space<vmem_shared>>
        tpu.enqueue_indirect_dma source(%arg21 : memref<40x128xf32, #tpu.memory_space<vmem>>) target(%dma_start3A_319 : memref<10240x128xf32, #tpu.memory_space<vmem_shared>>) offsets(%arg13 : memref<40xi32, #tpu.memory_space<vmem>>) semaphore(%arg32 : memref<!tpu.dma_semaphore, #tpu.memory_space<semaphore_mem>>) {add = true}
      } else {
      }
      %mul3A_188 = arith.constant 2 : i32
      %mul3A_189 = arith.muli %mul3A_188, %scan3A_102 : i32
      %add3A_190 = arith.constant 1 : i32
      %add3A_191 = arith.addi %mul3A_189, %add3A_190 : i32
      %ge3A_192 = arith.constant 1 : i32
      %ge3A_193 = arith.cmpi sge, %scan3A_102, %ge3A_192 : i32
      %convert_element_type3A_194 = arith.extui %ge3A_193 : i1 to i32
      %cond3A_195 = arith.constant 0 : i32
      %cond3A_196 = arith.cmpi ne, %convert_element_type3A_194, %cond3A_195 : i32
      scf.if %cond3A_196 {
        %sub3A_299 = arith.constant 2 : i32
        %sub3A_300 = arith.subi %add3A_191, %sub3A_299 : i32
        %mul3A_301 = arith.constant 10000 : i32
        %mul3A_302 = arith.muli %arg1, %mul3A_301 : i32
        %mul3A_303 = arith.constant 40 : i32
        %mul3A_304 = arith.muli %sub3A_300, %mul3A_303 : i32
        %add3A_305 = arith.addi %mul3A_302, %mul3A_304 : i32
        %mul3A_306 = arith.constant 128 : i32
        %mul3A_307 = arith.muli %arg0, %mul3A_306 : i32
        %dma_wait3A_308 = tpu.memref_slice %arg6[%add3A_305, %mul3A_307] : memref<160000x256xf32, #tpu.memory_space<hbm>> -> memref<40x128xf32, #tpu.memory_space<hbm>>
        %dma_wait3A_309 = tpu.memref_slice %arg6[%add3A_305, %mul3A_307] : memref<160000x256xf32, #tpu.memory_space<hbm>> -> memref<40x128xf32, #tpu.memory_space<hbm>>
        tpu.wait_dma2 semaphore(%arg30 : memref<!tpu.dma_semaphore, #tpu.memory_space<semaphore_mem>>) src(%arg15 : memref<40x128xf32, #tpu.memory_space<vmem>>) dst(%dma_wait3A_309 : memref<40x128xf32, #tpu.memory_space<hbm>>)
        %dma_wait3A_310 = arith.constant 0 : i32
        %dma_wait3A_311 = arith.constant 0 : i32
        %dma_wait3A_312 = tpu.memref_slice %arg8[%dma_wait3A_310, %dma_wait3A_311] : memref<10240x128xf32, #tpu.memory_space<vmem_shared>> -> memref<10240x128xf32, #tpu.memory_space<vmem_shared>>
        tpu.wait_indirect_dma semaphore(%arg32 : memref<!tpu.dma_semaphore, #tpu.memory_space<semaphore_mem>>) src(%arg21 : memref<40x128xf32, #tpu.memory_space<vmem>>) dst(%dma_wait3A_312 : memref<10240x128xf32, #tpu.memory_space<vmem_shared>>)
      } else {
      }
      %gt3A_197 = arith.constant 0 : i32
      %gt3A_198 = arith.cmpi sgt, %scan3A_102, %gt3A_197 : i32
      %rem3A_199 = arith.constant 5 : i32
      %rem3A_200 = arith.remsi %scan3A_102, %rem3A_199 : i32
      %eq3A_201 = arith.constant 0 : i32
      %eq3A_202 = arith.cmpi eq, %rem3A_200, %eq3A_201 : i32
      %and3A_203 = arith.andi %gt3A_198, %eq3A_202 : i1
      %rem3A_204 = arith.constant 10 : i32
      %rem3A_205 = arith.remsi %add3A_191, %rem3A_204 : i32
      %mul3A_206 = arith.constant 40 : i32
      %mul3A_207 = arith.muli %rem3A_205, %mul3A_206 : i32
      %add3A_208 = arith.constant 0 : i32
      %add3A_209 = arith.addi %mul3A_207, %add3A_208 : i32
      %get3A_210 = arith.index_cast %add3A_209 : i32 to index
      %get3A_211 = tpu.vector_load %arg10[%get3A_210] {strides = array<i32>} : memref<400xi32, #tpu.memory_space<vmem>>, vector<16xi32>,
      %get3A_212 = vector.shape_cast %get3A_211 : vector<16xi32> to vector<16xi32>
      %sub3A_213 = vector.broadcast %mul3A_8 : i32 to vector<16xi32>
      %sub3A_214 = arith.subi %get3A_212, %sub3A_213 : vector<16xi32>
      %swap3A_215 = arith.constant 0 : index
      %swap3A_216 = tpu.vector_load %arg13[%swap3A_215] {strides = array<i32>} : memref<40xi32, #tpu.memory_space<vmem>>, vector<16xi32>,
      %swap3A_217 = vector.shape_cast %swap3A_216 : vector<16xi32> to vector<16xi32>
      %swap3A_218 = vector.shape_cast %sub3A_214 : vector<16xi32> to vector<16xi32>
      tpu.vector_store %arg13[%swap3A_215], %swap3A_218 {strides = array<i32>} : memref<40xi32, #tpu.memory_space<vmem>>, vector<16xi32>,
      %add3A_219 = arith.constant 16 : i32
      %add3A_220 = arith.addi %mul3A_207, %add3A_219 : i32
      %get3A_221 = arith.index_cast %add3A_220 : i32 to index
      %get3A_222 = tpu.vector_load %arg10[%get3A_221] {strides = array<i32>} : memref<400xi32, #tpu.memory_space<vmem>>, vector<16xi32>,
      %get3A_223 = vector.shape_cast %get3A_222 : vector<16xi32> to vector<16xi32>
      %sub3A_224 = vector.broadcast %mul3A_8 : i32 to vector<16xi32>
      %sub3A_225 = arith.subi %get3A_223, %sub3A_224 : vector<16xi32>
      %swap3A_226 = arith.constant 16 : index
      %swap3A_227 = tpu.vector_load %arg13[%swap3A_226] {strides = array<i32>} : memref<40xi32, #tpu.memory_space<vmem>>, vector<16xi32>,
      %swap3A_228 = vector.shape_cast %swap3A_227 : vector<16xi32> to vector<16xi32>
      %swap3A_229 = vector.shape_cast %sub3A_225 : vector<16xi32> to vector<16xi32>
      tpu.vector_store %arg13[%swap3A_226], %swap3A_229 {strides = array<i32>} : memref<40xi32, #tpu.memory_space<vmem>>, vector<16xi32>,
      %add3A_230 = arith.constant 24 : i32
      %add3A_231 = arith.addi %mul3A_207, %add3A_230 : i32
      %get3A_232 = arith.index_cast %add3A_231 : i32 to index
      %get3A_233 = tpu.vector_load %arg10[%get3A_232] {strides = array<i32>} : memref<400xi32, #tpu.memory_space<vmem>>, vector<16xi32>,
      %get3A_234 = vector.shape_cast %get3A_233 : vector<16xi32> to vector<16xi32>
      %sub3A_235 = vector.broadcast %mul3A_8 : i32 to vector<16xi32>
      %sub3A_236 = arith.subi %get3A_234, %sub3A_235 : vector<16xi32>
      %swap3A_237 = arith.constant 24 : index
      %swap3A_238 = tpu.vector_load %arg13[%swap3A_237] {strides = array<i32>} : memref<40xi32, #tpu.memory_space<vmem>>, vector<16xi32>,
      %swap3A_239 = vector.shape_cast %swap3A_238 : vector<16xi32> to vector<16xi32>
      %swap3A_240 = vector.shape_cast %sub3A_236 : vector<16xi32> to vector<16xi32>
      tpu.vector_store %arg13[%swap3A_237], %swap3A_240 {strides = array<i32>} : memref<40xi32, #tpu.memory_space<vmem>>, vector<16xi32>,
      %rem3A_241 = arith.constant 10 : i32
      %rem3A_242 = arith.remsi %add3A_191, %rem3A_241 : i32
      %mul3A_243 = arith.constant 10000 : i32
      %mul3A_244 = arith.muli %arg1, %mul3A_243 : i32
      %mul3A_245 = arith.constant 40 : i32
      %mul3A_246 = arith.muli %add3A_191, %mul3A_245 : i32
      %add3A_247 = arith.addi %mul3A_244, %mul3A_246 : i32
      %mul3A_248 = arith.constant 40 : i32
      %mul3A_249 = arith.muli %rem3A_242, %mul3A_248 : i32
      %mul3A_250 = arith.constant 40 : i32
      %mul3A_251 = arith.muli %rem3A_242, %mul3A_250 : i32
      %dma_start3A_252 = tpu.memref_slice %arg10[%mul3A_249] : memref<400xi32, #tpu.memory_space<vmem>> -> memref<40xi32, #tpu.memory_space<vmem>>
      %dma_start3A_253 = arith.constant 0 : i32
      %dma_start3A_254 = arith.constant 0 : i32
      %dma_start3A_255 = tpu.memref_slice %arg2[%dma_start3A_253, %dma_start3A_254] : memref<40960x128xf32, #tpu.memory_space<hbm>> -> memref<40960x128xf32, #tpu.memory_space<hbm>>
      tpu.enqueue_indirect_dma source(%dma_start3A_255 : memref<40960x128xf32, #tpu.memory_space<hbm>>) target(%arg15 : memref<40x128xf32, #tpu.memory_space<vmem>>) offsets(%dma_start3A_252 : memref<40xi32, #tpu.memory_space<vmem>>) semaphore(%arg24 : memref<!tpu.dma_semaphore, #tpu.memory_space<semaphore_mem>>)
      %dma_start3A_256 = tpu.memref_slice %arg11[%mul3A_251] : memref<400xi32, #tpu.memory_space<vmem>> -> memref<40xi32, #tpu.memory_space<vmem>>
      %dma_start3A_257 = arith.constant 0 : i32
      %dma_start3A_258 = arith.constant 0 : i32
      %dma_start3A_259 = tpu.memref_slice %arg3[%dma_start3A_257, %dma_start3A_258] : memref<20480x128xi32, #tpu.memory_space<hbm>> -> memref<20480x128xi32, #tpu.memory_space<hbm>>
      tpu.enqueue_indirect_dma source(%dma_start3A_259 : memref<20480x128xi32, #tpu.memory_space<hbm>>) target(%arg17 : memref<40x128xi32, #tpu.memory_space<vmem>>) offsets(%dma_start3A_256 : memref<40xi32, #tpu.memory_space<vmem>>) semaphore(%arg26 : memref<!tpu.dma_semaphore, #tpu.memory_space<semaphore_mem>>)
      %dma_start3A_260 = arith.constant 0 : i32
      %dma_start3A_261 = tpu.memref_slice %arg4[%arg0, %add3A_247, %dma_start3A_260] : memref<2x160000x64xi32, #tpu.memory_space<hbm>> -> memref<1x40x64xi32, #tpu.memory_space<hbm>>
      %dma_start3A_262 = tpu.memref_squeeze %dma_start3A_261 : memref<1x40x64xi32, #tpu.memory_space<hbm>> -> memref<40x64xi32, #tpu.memory_space<hbm>>
      %dma_start3A_263 = arith.constant 0 : i32
      %dma_start3A_264 = tpu.memref_slice %arg4[%arg0, %add3A_247, %dma_start3A_263] : memref<2x160000x64xi32, #tpu.memory_space<hbm>> -> memref<1x40x64xi32, #tpu.memory_space<hbm>>
      %dma_start3A_265 = tpu.memref_squeeze %dma_start3A_264 : memref<1x40x64xi32, #tpu.memory_space<hbm>> -> memref<40x64xi32, #tpu.memory_space<hbm>>
      tpu.enqueue_dma source(%dma_start3A_265 : memref<40x64xi32, #tpu.memory_space<hbm>>) target(%arg19 : memref<40x64xi32, #tpu.memory_space<vmem>>) target_semaphore(%arg28 : memref<!tpu.dma_semaphore, #tpu.memory_space<semaphore_mem>>)
      %sub3A_266 = arith.constant 1 : i32
      %sub3A_267 = arith.subi %add3A_191, %sub3A_266 : i32
      %rem3A_268 = arith.constant 10 : i32
      %rem3A_269 = arith.remsi %sub3A_267, %rem3A_268 : i32
      %mul3A_270 = arith.constant 10000 : i32
      %mul3A_271 = arith.muli %arg1, %mul3A_270 : i32
      %mul3A_272 = arith.constant 40 : i32
      %mul3A_273 = arith.muli %sub3A_267, %mul3A_272 : i32
      %add3A_274 = arith.addi %mul3A_271, %mul3A_273 : i32
      %mul3A_275 = arith.constant 40 : i32
      %mul3A_276 = arith.muli %rem3A_269, %mul3A_275 : i32
      %mul3A_277 = arith.constant 40 : i32
      %mul3A_278 = arith.muli %rem3A_269, %mul3A_277 : i32
      %dma_wait3A_279 = tpu.memref_slice %arg10[%mul3A_276] : memref<400xi32, #tpu.memory_space<vmem>> -> memref<40xi32, #tpu.memory_space<vmem>>
      %dma_wait3A_280 = arith.constant 0 : i32
      %dma_wait3A_281 = arith.constant 0 : i32
      %dma_wait3A_282 = tpu.memref_slice %arg2[%dma_wait3A_280, %dma_wait3A_281] : memref<40960x128xf32, #tpu.memory_space<hbm>> -> memref<40960x128xf32, #tpu.memory_space<hbm>>
      tpu.wait_indirect_dma semaphore(%arg23 : memref<!tpu.dma_semaphore, #tpu.memory_space<semaphore_mem>>) src(%dma_wait3A_282 : memref<40960x128xf32, #tpu.memory_space<hbm>>) dst(%arg14 : memref<40x128xf32, #tpu.memory_space<vmem>>)
      %dma_wait3A_283 = tpu.memref_slice %arg11[%mul3A_278] : memref<400xi32, #tpu.memory_space<vmem>> -> memref<40xi32, #tpu.memory_space<vmem>>
      %dma_wait3A_284 = arith.constant 0 : i32
      %dma_wait3A_285 = arith.constant 0 : i32
      %dma_wait3A_286 = tpu.memref_slice %arg3[%dma_wait3A_284, %dma_wait3A_285] : memref<20480x128xi32, #tpu.memory_space<hbm>> -> memref<20480x128xi32, #tpu.memory_space<hbm>>
      tpu.wait_indirect_dma semaphore(%arg25 : memref<!tpu.dma_semaphore, #tpu.memory_space<semaphore_mem>>) src(%dma_wait3A_286 : memref<20480x128xi32, #tpu.memory_space<hbm>>) dst(%arg16 : memref<40x128xi32, #tpu.memory_space<vmem>>)
      %dma_wait3A_287 = arith.constant 0 : i32
      %dma_wait3A_288 = tpu.memref_slice %arg4[%arg0, %add3A_274, %dma_wait3A_287] : memref<2x160000x64xi32, #tpu.memory_space<hbm>> -> memref<1x40x64xi32, #tpu.memory_space<hbm>>
      %dma_wait3A_289 = tpu.memref_squeeze %dma_wait3A_288 : memref<1x40x64xi32, #tpu.memory_space<hbm>> -> memref<40x64xi32, #tpu.memory_space<hbm>>
      %dma_wait3A_290 = arith.constant 0 : i32
      %dma_wait3A_291 = tpu.memref_slice %arg4[%arg0, %add3A_274, %dma_wait3A_290] : memref<2x160000x64xi32, #tpu.memory_space<hbm>> -> memref<1x40x64xi32, #tpu.memory_space<hbm>>
      %dma_wait3A_292 = tpu.memref_squeeze %dma_wait3A_291 : memref<1x40x64xi32, #tpu.memory_space<hbm>> -> memref<40x64xi32, #tpu.memory_space<hbm>>
      tpu.wait_dma2 semaphore(%arg27 : memref<!tpu.dma_semaphore, #tpu.memory_space<semaphore_mem>>) src(%dma_wait3A_292 : memref<40x64xi32, #tpu.memory_space<hbm>>) dst(%arg18 : memref<40x64xi32, #tpu.memory_space<vmem>>)
      %ge3A_293 = arith.constant 1 : i32
      %ge3A_294 = arith.cmpi sge, %add3A_191, %ge3A_293 : i32
      %convert_element_type3A_295 = arith.extui %ge3A_294 : i1 to i32
      %cond3A_296 = arith.constant 0 : i32
      %cond3A_297 = arith.cmpi ne, %convert_element_type3A_295, %cond3A_296 : i32
      scf.if %cond3A_297 {
        %scan3A_299 = arith.constant 0 : i32
        %scan3A_300 = arith.constant 0 : i32
        %scan3A_301 = arith.constant 40 : i32
        %scan3A_302 = arith.addi %scan3A_300, %scan3A_301 : i32
        %scan3A_303 = arith.constant 1 : i32
        %scan3A_304 = scf.for %scan3A_320 = %scan3A_300 to %scan3A_302 step %scan3A_303 iter_args(%scan3A_321 = %scan3A_299) -> (i32)  : i32 {
          %get3A_322 = arith.index_cast %scan3A_320 : i32 to index
          %get3A_323 = arith.constant 0 : index
          %get3A_324 = tpu.vector_load %arg14[%get3A_322, %get3A_323] {strides = array<i32>} : memref<40x128xf32, #tpu.memory_space<vmem>>, vector<1x16xf32>,
          %get3A_325 = vector.shape_cast %get3A_324 : vector<1x16xf32> to vector<16xf32>
          %get3A_326 = arith.index_cast %scan3A_320 : i32 to index
          %get3A_327 = arith.constant 16 : index
          %get3A_328 = tpu.vector_load %arg14[%get3A_326, %get3A_327] {strides = array<i32>} : memref<40x128xf32, #tpu.memory_space<vmem>>, vector<1x16xf32>,
          %get3A_329 = vector.shape_cast %get3A_328 : vector<1x16xf32> to vector<16xf32>
          %get3A_330 = arith.index_cast %scan3A_320 : i32 to index
          %get3A_331 = arith.constant 32 : index
          %get3A_332 = tpu.vector_load %arg14[%get3A_330, %get3A_331] {strides = array<i32>} : memref<40x128xf32, #tpu.memory_space<vmem>>, vector<1x16xf32>,
          %get3A_333 = vector.shape_cast %get3A_332 : vector<1x16xf32> to vector<16xf32>
          %get3A_334 = arith.index_cast %scan3A_320 : i32 to index
          %get3A_335 = arith.constant 48 : index
          %get3A_336 = tpu.vector_load %arg14[%get3A_334, %get3A_335] {strides = array<i32>} : memref<40x128xf32, #tpu.memory_space<vmem>>, vector<1x16xf32>,
          %get3A_337 = vector.shape_cast %get3A_336 : vector<1x16xf32> to vector<16xf32>
          %get3A_338 = arith.index_cast %scan3A_320 : i32 to index
          %get3A_339 = arith.constant 64 : index
          %get3A_340 = tpu.vector_load %arg14[%get3A_338, %get3A_339] {strides = array<i32>} : memref<40x128xf32, #tpu.memory_space<vmem>>, vector<1x16xf32>,
          %get3A_341 = vector.shape_cast %get3A_340 : vector<1x16xf32> to vector<16xf32>
          %get3A_342 = arith.index_cast %scan3A_320 : i32 to index
          %get3A_343 = arith.constant 80 : index
          %get3A_344 = tpu.vector_load %arg14[%get3A_342, %get3A_343] {strides = array<i32>} : memref<40x128xf32, #tpu.memory_space<vmem>>, vector<1x16xf32>,
          %get3A_345 = vector.shape_cast %get3A_344 : vector<1x16xf32> to vector<16xf32>
          %get3A_346 = arith.index_cast %scan3A_320 : i32 to index
          %get3A_347 = arith.constant 96 : index
          %get3A_348 = tpu.vector_load %arg14[%get3A_346, %get3A_347] {strides = array<i32>} : memref<40x128xf32, #tpu.memory_space<vmem>>, vector<1x16xf32>,
          %get3A_349 = vector.shape_cast %get3A_348 : vector<1x16xf32> to vector<16xf32>
          %get3A_350 = arith.index_cast %scan3A_320 : i32 to index
          %get3A_351 = arith.constant 112 : index
          %get3A_352 = tpu.vector_load %arg14[%get3A_350, %get3A_351] {strides = array<i32>} : memref<40x128xf32, #tpu.memory_space<vmem>>, vector<1x16xf32>,
          %get3A_353 = vector.shape_cast %get3A_352 : vector<1x16xf32> to vector<16xf32>
          %get3A_354 = arith.index_cast %scan3A_320 : i32 to index
          %get3A_355 = arith.constant 0 : index
          %get3A_356 = tpu.vector_load %arg16[%get3A_354, %get3A_355] {strides = array<i32>} : memref<40x128xi32, #tpu.memory_space<vmem>>, vector<1x16xi32>,
          %get3A_357 = vector.shape_cast %get3A_356 : vector<1x16xi32> to vector<16xi32>
          %shift_left3A = arith.constant 16 : i32
          %shift_left3A_358 = vector.broadcast %shift_left3A : i32 to vector<16xi32>
          %shift_left3A_359 = arith.shli %get3A_357, %shift_left3A_358 : vector<16xi32>
          %bitcast_convert_type3A = tpu.bitcast %shift_left3A_359 : vector<16xi32> -> vector<16xf32>
          %and3A_360 = arith.constant -65536 : i32
          %and3A_361 = vector.broadcast %and3A_360 : i32 to vector<16xi32>
          %and3A_362 = arith.andi %get3A_357, %and3A_361 : vector<16xi32>
          %bitcast_convert_type3A_363 = tpu.bitcast %and3A_362 : vector<16xi32> -> vector<16xf32>
          %get3A_364 = arith.index_cast %scan3A_320 : i32 to index
          %get3A_365 = arith.constant 16 : index
          %get3A_366 = tpu.vector_load %arg16[%get3A_364, %get3A_365] {strides = array<i32>} : memref<40x128xi32, #tpu.memory_space<vmem>>, vector<1x16xi32>,
          %get3A_367 = vector.shape_cast %get3A_366 : vector<1x16xi32> to vector<16xi32>
          %shift_left3A_368 = arith.constant 16 : i32
          %shift_left3A_369 = vector.broadcast %shift_left3A_368 : i32 to vector<16xi32>
          %shift_left3A_370 = arith.shli %get3A_367, %shift_left3A_369 : vector<16xi32>
          %bitcast_convert_type3A_371 = tpu.bitcast %shift_left3A_370 : vector<16xi32> -> vector<16xf32>
          %and3A_372 = arith.constant -65536 : i32
          %and3A_373 = vector.broadcast %and3A_372 : i32 to vector<16xi32>
          %and3A_374 = arith.andi %get3A_367, %and3A_373 : vector<16xi32>
          %bitcast_convert_type3A_375 = tpu.bitcast %and3A_374 : vector<16xi32> -> vector<16xf32>
          %get3A_376 = arith.index_cast %scan3A_320 : i32 to index
          %get3A_377 = arith.constant 32 : index
          %get3A_378 = tpu.vector_load %arg16[%get3A_376, %get3A_377] {strides = array<i32>} : memref<40x128xi32, #tpu.memory_space<vmem>>, vector<1x16xi32>,
          %get3A_379 = vector.shape_cast %get3A_378 : vector<1x16xi32> to vector<16xi32>
          %shift_left3A_380 = arith.constant 16 : i32
          %shift_left3A_381 = vector.broadcast %shift_left3A_380 : i32 to vector<16xi32>
          %shift_left3A_382 = arith.shli %get3A_379, %shift_left3A_381 : vector<16xi32>
          %bitcast_convert_type3A_383 = tpu.bitcast %shift_left3A_382 : vector<16xi32> -> vector<16xf32>
          %and3A_384 = arith.constant -65536 : i32
          %and3A_385 = vector.broadcast %and3A_384 : i32 to vector<16xi32>
          %and3A_386 = arith.andi %get3A_379, %and3A_385 : vector<16xi32>
          %bitcast_convert_type3A_387 = tpu.bitcast %and3A_386 : vector<16xi32> -> vector<16xf32>
          %get3A_388 = arith.index_cast %scan3A_320 : i32 to index
          %get3A_389 = arith.constant 48 : index
          %get3A_390 = tpu.vector_load %arg16[%get3A_388, %get3A_389] {strides = array<i32>} : memref<40x128xi32, #tpu.memory_space<vmem>>, vector<1x16xi32>,
          %get3A_391 = vector.shape_cast %get3A_390 : vector<1x16xi32> to vector<16xi32>
          %shift_left3A_392 = arith.constant 16 : i32
          %shift_left3A_393 = vector.broadcast %shift_left3A_392 : i32 to vector<16xi32>
          %shift_left3A_394 = arith.shli %get3A_391, %shift_left3A_393 : vector<16xi32>
          %bitcast_convert_type3A_395 = tpu.bitcast %shift_left3A_394 : vector<16xi32> -> vector<16xf32>
          %and3A_396 = arith.constant -65536 : i32
          %and3A_397 = vector.broadcast %and3A_396 : i32 to vector<16xi32>
          %and3A_398 = arith.andi %get3A_391, %and3A_397 : vector<16xi32>
          %bitcast_convert_type3A_399 = tpu.bitcast %and3A_398 : vector<16xi32> -> vector<16xf32>
          %get3A_400 = arith.index_cast %scan3A_320 : i32 to index
          %get3A_401 = arith.constant 64 : index
          %get3A_402 = tpu.vector_load %arg16[%get3A_400, %get3A_401] {strides = array<i32>} : memref<40x128xi32, #tpu.memory_space<vmem>>, vector<1x16xi32>,
          %get3A_403 = vector.shape_cast %get3A_402 : vector<1x16xi32> to vector<16xi32>
          %shift_left3A_404 = arith.constant 16 : i32
          %shift_left3A_405 = vector.broadcast %shift_left3A_404 : i32 to vector<16xi32>
          %shift_left3A_406 = arith.shli %get3A_403, %shift_left3A_405 : vector<16xi32>
          %bitcast_convert_type3A_407 = tpu.bitcast %shift_left3A_406 : vector<16xi32> -> vector<16xf32>
          %and3A_408 = arith.constant -65536 : i32
          %and3A_409 = vector.broadcast %and3A_408 : i32 to vector<16xi32>
          %and3A_410 = arith.andi %get3A_403, %and3A_409 : vector<16xi32>
          %bitcast_convert_type3A_411 = tpu.bitcast %and3A_410 : vector<16xi32> -> vector<16xf32>
          %get3A_412 = arith.index_cast %scan3A_320 : i32 to index
          %get3A_413 = arith.constant 80 : index
          %get3A_414 = tpu.vector_load %arg16[%get3A_412, %get3A_413] {strides = array<i32>} : memref<40x128xi32, #tpu.memory_space<vmem>>, vector<1x16xi32>,
          %get3A_415 = vector.shape_cast %get3A_414 : vector<1x16xi32> to vector<16xi32>
          %shift_left3A_416 = arith.constant 16 : i32
          %shift_left3A_417 = vector.broadcast %shift_left3A_416 : i32 to vector<16xi32>
          %shift_left3A_418 = arith.shli %get3A_415, %shift_left3A_417 : vector<16xi32>
          %bitcast_convert_type3A_419 = tpu.bitcast %shift_left3A_418 : vector<16xi32> -> vector<16xf32>
          %and3A_420 = arith.constant -65536 : i32
          %and3A_421 = vector.broadcast %and3A_420 : i32 to vector<16xi32>
          %and3A_422 = arith.andi %get3A_415, %and3A_421 : vector<16xi32>
          %bitcast_convert_type3A_423 = tpu.bitcast %and3A_422 : vector<16xi32> -> vector<16xf32>
          %get3A_424 = arith.index_cast %scan3A_320 : i32 to index
          %get3A_425 = arith.constant 96 : index
          %get3A_426 = tpu.vector_load %arg16[%get3A_424, %get3A_425] {strides = array<i32>} : memref<40x128xi32, #tpu.memory_space<vmem>>, vector<1x16xi32>,
          %get3A_427 = vector.shape_cast %get3A_426 : vector<1x16xi32> to vector<16xi32>
          %shift_left3A_428 = arith.constant 16 : i32
          %shift_left3A_429 = vector.broadcast %shift_left3A_428 : i32 to vector<16xi32>
          %shift_left3A_430 = arith.shli %get3A_427, %shift_left3A_429 : vector<16xi32>
          %bitcast_convert_type3A_431 = tpu.bitcast %shift_left3A_430 : vector<16xi32> -> vector<16xf32>
          %and3A_432 = arith.constant -65536 : i32
          %and3A_433 = vector.broadcast %and3A_432 : i32 to vector<16xi32>
          %and3A_434 = arith.andi %get3A_427, %and3A_433 : vector<16xi32>
          %bitcast_convert_type3A_435 = tpu.bitcast %and3A_434 : vector<16xi32> -> vector<16xf32>
          %get3A_436 = arith.index_cast %scan3A_320 : i32 to index
          %get3A_437 = arith.constant 112 : index
          %get3A_438 = tpu.vector_load %arg16[%get3A_436, %get3A_437] {strides = array<i32>} : memref<40x128xi32, #tpu.memory_space<vmem>>, vector<1x16xi32>,
          %get3A_439 = vector.shape_cast %get3A_438 : vector<1x16xi32> to vector<16xi32>
          %shift_left3A_440 = arith.constant 16 : i32
          %shift_left3A_441 = vector.broadcast %shift_left3A_440 : i32 to vector<16xi32>
          %shift_left3A_442 = arith.shli %get3A_439, %shift_left3A_441 : vector<16xi32>
          %bitcast_convert_type3A_443 = tpu.bitcast %shift_left3A_442 : vector<16xi32> -> vector<16xf32>
          %and3A_444 = arith.constant -65536 : i32
          %and3A_445 = vector.broadcast %and3A_444 : i32 to vector<16xi32>
          %and3A_446 = arith.andi %get3A_439, %and3A_445 : vector<16xi32>
          %bitcast_convert_type3A_447 = tpu.bitcast %and3A_446 : vector<16xi32> -> vector<16xf32>
          %get3A_448 = arith.index_cast %scan3A_320 : i32 to index
          %get3A_449 = arith.constant 0 : index
          %get3A_450 = tpu.vector_load %arg18[%get3A_448, %get3A_449] {strides = array<i32>} : memref<40x64xi32, #tpu.memory_space<vmem>>, vector<1x16xi32>,
          %get3A_451 = vector.shape_cast %get3A_450 : vector<1x16xi32> to vector<16xi32>
          %shift_left3A_452 = arith.constant 16 : i32
          %shift_left3A_453 = vector.broadcast %shift_left3A_452 : i32 to vector<16xi32>
          %shift_left3A_454 = arith.shli %get3A_451, %shift_left3A_453 : vector<16xi32>
          %bitcast_convert_type3A_455 = tpu.bitcast %shift_left3A_454 : vector<16xi32> -> vector<16xf32>
          %and3A_456 = arith.constant -65536 : i32
          %and3A_457 = vector.broadcast %and3A_456 : i32 to vector<16xi32>
          %and3A_458 = arith.andi %get3A_451, %and3A_457 : vector<16xi32>
          %bitcast_convert_type3A_459 = tpu.bitcast %and3A_458 : vector<16xi32> -> vector<16xf32>
          %get3A_460 = arith.index_cast %scan3A_320 : i32 to index
          %get3A_461 = arith.constant 16 : index
          %get3A_462 = tpu.vector_load %arg18[%get3A_460, %get3A_461] {strides = array<i32>} : memref<40x64xi32, #tpu.memory_space<vmem>>, vector<1x16xi32>,
          %get3A_463 = vector.shape_cast %get3A_462 : vector<1x16xi32> to vector<16xi32>
          %shift_left3A_464 = arith.constant 16 : i32
          %shift_left3A_465 = vector.broadcast %shift_left3A_464 : i32 to vector<16xi32>
          %shift_left3A_466 = arith.shli %get3A_463, %shift_left3A_465 : vector<16xi32>
          %bitcast_convert_type3A_467 = tpu.bitcast %shift_left3A_466 : vector<16xi32> -> vector<16xf32>
          %and3A_468 = arith.constant -65536 : i32
          %and3A_469 = vector.broadcast %and3A_468 : i32 to vector<16xi32>
          %and3A_470 = arith.andi %get3A_463, %and3A_469 : vector<16xi32>
          %bitcast_convert_type3A_471 = tpu.bitcast %and3A_470 : vector<16xi32> -> vector<16xf32>
          %get3A_472 = arith.index_cast %scan3A_320 : i32 to index
          %get3A_473 = arith.constant 32 : index
          %get3A_474 = tpu.vector_load %arg18[%get3A_472, %get3A_473] {strides = array<i32>} : memref<40x64xi32, #tpu.memory_space<vmem>>, vector<1x16xi32>,
          %get3A_475 = vector.shape_cast %get3A_474 : vector<1x16xi32> to vector<16xi32>
          %shift_left3A_476 = arith.constant 16 : i32
          %shift_left3A_477 = vector.broadcast %shift_left3A_476 : i32 to vector<16xi32>
          %shift_left3A_478 = arith.shli %get3A_475, %shift_left3A_477 : vector<16xi32>
          %bitcast_convert_type3A_479 = tpu.bitcast %shift_left3A_478 : vector<16xi32> -> vector<16xf32>
          %and3A_480 = arith.constant -65536 : i32
          %and3A_481 = vector.broadcast %and3A_480 : i32 to vector<16xi32>
          %and3A_482 = arith.andi %get3A_475, %and3A_481 : vector<16xi32>
          %bitcast_convert_type3A_483 = tpu.bitcast %and3A_482 : vector<16xi32> -> vector<16xf32>
          %get3A_484 = arith.index_cast %scan3A_320 : i32 to index
          %get3A_485 = arith.constant 48 : index
          %get3A_486 = tpu.vector_load %arg18[%get3A_484, %get3A_485] {strides = array<i32>} : memref<40x64xi32, #tpu.memory_space<vmem>>, vector<1x16xi32>,
          %get3A_487 = vector.shape_cast %get3A_486 : vector<1x16xi32> to vector<16xi32>
          %shift_left3A_488 = arith.constant 16 : i32
          %shift_left3A_489 = vector.broadcast %shift_left3A_488 : i32 to vector<16xi32>
          %shift_left3A_490 = arith.shli %get3A_487, %shift_left3A_489 : vector<16xi32>
          %bitcast_convert_type3A_491 = tpu.bitcast %shift_left3A_490 : vector<16xi32> -> vector<16xf32>
          %and3A_492 = arith.constant -65536 : i32
          %and3A_493 = vector.broadcast %and3A_492 : i32 to vector<16xi32>
          %and3A_494 = arith.andi %get3A_487, %and3A_493 : vector<16xi32>
          %bitcast_convert_type3A_495 = tpu.bitcast %and3A_494 : vector<16xi32> -> vector<16xf32>
          %add3A_496 = arith.addf %get3A_325, %bitcast_convert_type3A : vector<16xf32>
          %add3A_497 = arith.addf %add3A_496, %bitcast_convert_type3A_455 : vector<16xf32>
          %add3A_498 = arith.addf %get3A_329, %bitcast_convert_type3A_363 : vector<16xf32>
          %add3A_499 = arith.addf %add3A_498, %bitcast_convert_type3A_459 : vector<16xf32>
          %add3A_500 = arith.addf %get3A_333, %bitcast_convert_type3A_371 : vector<16xf32>
          %add3A_501 = arith.addf %add3A_500, %bitcast_convert_type3A_467 : vector<16xf32>
          %add3A_502 = arith.addf %get3A_337, %bitcast_convert_type3A_375 : vector<16xf32>
          %add3A_503 = arith.addf %add3A_502, %bitcast_convert_type3A_471 : vector<16xf32>
          %add3A_504 = arith.addf %get3A_341, %bitcast_convert_type3A_383 : vector<16xf32>
          %add3A_505 = arith.addf %add3A_504, %bitcast_convert_type3A_479 : vector<16xf32>
          %add3A_506 = arith.addf %get3A_345, %bitcast_convert_type3A_387 : vector<16xf32>
          %add3A_507 = arith.addf %add3A_506, %bitcast_convert_type3A_483 : vector<16xf32>
          %add3A_508 = arith.addf %get3A_349, %bitcast_convert_type3A_395 : vector<16xf32>
          %add3A_509 = arith.addf %add3A_508, %bitcast_convert_type3A_491 : vector<16xf32>
          %add3A_510 = arith.addf %get3A_353, %bitcast_convert_type3A_399 : vector<16xf32>
          %add3A_511 = arith.addf %add3A_510, %bitcast_convert_type3A_495 : vector<16xf32>
          %neg3A = arith.constant 0.000000e+00 : f32
          %neg3A_512 = vector.broadcast %neg3A : f32 to vector<16xf32>
          %neg3A_513 = arith.subf %neg3A_512, %add3A_497 : vector<16xf32>
          %exp3A = math.exp %neg3A_513 : vector<16xf32>
          %add3A_514 = arith.constant 1.000000e+00 : f32
          %add3A_515 = vector.broadcast %add3A_514 : f32 to vector<16xf32>
          %add3A_516 = arith.addf %add3A_515, %exp3A : vector<16xf32>
          %div3A = arith.constant 1.000000e+00 : f32
          %div3A_517 = vector.broadcast %div3A : f32 to vector<16xf32>
          %div3A_518 = arith.divf %div3A_517, %add3A_516 : vector<16xf32>
          %neg3A_519 = arith.constant 0.000000e+00 : f32
          %neg3A_520 = vector.broadcast %neg3A_519 : f32 to vector<16xf32>
          %neg3A_521 = arith.subf %neg3A_520, %add3A_499 : vector<16xf32>
          %exp3A_522 = math.exp %neg3A_521 : vector<16xf32>
          %add3A_523 = arith.constant 1.000000e+00 : f32
          %add3A_524 = vector.broadcast %add3A_523 : f32 to vector<16xf32>
          %add3A_525 = arith.addf %add3A_524, %exp3A_522 : vector<16xf32>
          %div3A_526 = arith.constant 1.000000e+00 : f32
          %div3A_527 = vector.broadcast %div3A_526 : f32 to vector<16xf32>
          %div3A_528 = arith.divf %div3A_527, %add3A_525 : vector<16xf32>
          %neg3A_529 = arith.constant 0.000000e+00 : f32
          %neg3A_530 = vector.broadcast %neg3A_529 : f32 to vector<16xf32>
          %neg3A_531 = arith.subf %neg3A_530, %add3A_501 : vector<16xf32>
          %exp3A_532 = math.exp %neg3A_531 : vector<16xf32>
          %add3A_533 = arith.constant 1.000000e+00 : f32
          %add3A_534 = vector.broadcast %add3A_533 : f32 to vector<16xf32>
          %add3A_535 = arith.addf %add3A_534, %exp3A_532 : vector<16xf32>
          %div3A_536 = arith.constant 1.000000e+00 : f32
          %div3A_537 = vector.broadcast %div3A_536 : f32 to vector<16xf32>
          %div3A_538 = arith.divf %div3A_537, %add3A_535 : vector<16xf32>
          %neg3A_539 = arith.constant 0.000000e+00 : f32
          %neg3A_540 = vector.broadcast %neg3A_539 : f32 to vector<16xf32>
          %neg3A_541 = arith.subf %neg3A_540, %add3A_503 : vector<16xf32>
          %exp3A_542 = math.exp %neg3A_541 : vector<16xf32>
          %add3A_543 = arith.constant 1.000000e+00 : f32
          %add3A_544 = vector.broadcast %add3A_543 : f32 to vector<16xf32>
          %add3A_545 = arith.addf %add3A_544, %exp3A_542 : vector<16xf32>
          %div3A_546 = arith.constant 1.000000e+00 : f32
          %div3A_547 = vector.broadcast %div3A_546 : f32 to vector<16xf32>
          %div3A_548 = arith.divf %div3A_547, %add3A_545 : vector<16xf32>
          %neg3A_549 = arith.constant 0.000000e+00 : f32
          %neg3A_550 = vector.broadcast %neg3A_549 : f32 to vector<16xf32>
          %neg3A_551 = arith.subf %neg3A_550, %add3A_505 : vector<16xf32>
          %exp3A_552 = math.exp %neg3A_551 : vector<16xf32>
          %add3A_553 = arith.constant 1.000000e+00 : f32
          %add3A_554 = vector.broadcast %add3A_553 : f32 to vector<16xf32>
          %add3A_555 = arith.addf %add3A_554, %exp3A_552 : vector<16xf32>
          %div3A_556 = arith.constant 1.000000e+00 : f32
          %div3A_557 = vector.broadcast %div3A_556 : f32 to vector<16xf32>
          %div3A_558 = arith.divf %div3A_557, %add3A_555 : vector<16xf32>
          %neg3A_559 = arith.constant 0.000000e+00 : f32
          %neg3A_560 = vector.broadcast %neg3A_559 : f32 to vector<16xf32>
          %neg3A_561 = arith.subf %neg3A_560, %add3A_507 : vector<16xf32>
          %exp3A_562 = math.exp %neg3A_561 : vector<16xf32>
          %add3A_563 = arith.constant 1.000000e+00 : f32
          %add3A_564 = vector.broadcast %add3A_563 : f32 to vector<16xf32>
          %add3A_565 = arith.addf %add3A_564, %exp3A_562 : vector<16xf32>
          %div3A_566 = arith.constant 1.000000e+00 : f32
          %div3A_567 = vector.broadcast %div3A_566 : f32 to vector<16xf32>
          %div3A_568 = arith.divf %div3A_567, %add3A_565 : vector<16xf32>
          %neg3A_569 = arith.constant 0.000000e+00 : f32
          %neg3A_570 = vector.broadcast %neg3A_569 : f32 to vector<16xf32>
          %neg3A_571 = arith.subf %neg3A_570, %add3A_509 : vector<16xf32>
          %exp3A_572 = math.exp %neg3A_571 : vector<16xf32>
          %add3A_573 = arith.constant 1.000000e+00 : f32
          %add3A_574 = vector.broadcast %add3A_573 : f32 to vector<16xf32>
          %add3A_575 = arith.addf %add3A_574, %exp3A_572 : vector<16xf32>
          %div3A_576 = arith.constant 1.000000e+00 : f32
          %div3A_577 = vector.broadcast %div3A_576 : f32 to vector<16xf32>
          %div3A_578 = arith.divf %div3A_577, %add3A_575 : vector<16xf32>
          %neg3A_579 = arith.constant 0.000000e+00 : f32
          %neg3A_580 = vector.broadcast %neg3A_579 : f32 to vector<16xf32>
          %neg3A_581 = arith.subf %neg3A_580, %add3A_511 : vector<16xf32>
          %exp3A_582 = math.exp %neg3A_581 : vector<16xf32>
          %add3A_583 = arith.constant 1.000000e+00 : f32
          %add3A_584 = vector.broadcast %add3A_583 : f32 to vector<16xf32>
          %add3A_585 = arith.addf %add3A_584, %exp3A_582 : vector<16xf32>
          %div3A_586 = arith.constant 1.000000e+00 : f32
          %div3A_587 = vector.broadcast %div3A_586 : f32 to vector<16xf32>
          %div3A_588 = arith.divf %div3A_587, %add3A_585 : vector<16xf32>
          %swap3A_589 = arith.index_cast %scan3A_320 : i32 to index
          %swap3A_590 = arith.constant 0 : index
          %swap3A_591 = tpu.vector_load %arg14[%swap3A_589, %swap3A_590] {strides = array<i32>} : memref<40x128xf32, #tpu.memory_space<vmem>>, vector<1x16xf32>,
          %swap3A_592 = vector.shape_cast %swap3A_591 : vector<1x16xf32> to vector<16xf32>
          %swap3A_593 = vector.shape_cast %add3A_497 : vector<16xf32> to vector<1x16xf32>
          tpu.vector_store %arg14[%swap3A_589, %swap3A_590], %swap3A_593 {strides = array<i32>} : memref<40x128xf32, #tpu.memory_space<vmem>>, vector<1x16xf32>,
          %swap3A_594 = arith.index_cast %scan3A_320 : i32 to index
          %swap3A_595 = arith.constant 16 : index
          %swap3A_596 = tpu.vector_load %arg14[%swap3A_594, %swap3A_595] {strides = array<i32>} : memref<40x128xf32, #tpu.memory_space<vmem>>, vector<1x16xf32>,
          %swap3A_597 = vector.shape_cast %swap3A_596 : vector<1x16xf32> to vector<16xf32>
          %swap3A_598 = vector.shape_cast %add3A_499 : vector<16xf32> to vector<1x16xf32>
          tpu.vector_store %arg14[%swap3A_594, %swap3A_595], %swap3A_598 {strides = array<i32>} : memref<40x128xf32, #tpu.memory_space<vmem>>, vector<1x16xf32>,
          %swap3A_599 = arith.index_cast %scan3A_320 : i32 to index
          %swap3A_600 = arith.constant 32 : index
          %swap3A_601 = tpu.vector_load %arg14[%swap3A_599, %swap3A_600] {strides = array<i32>} : memref<40x128xf32, #tpu.memory_space<vmem>>, vector<1x16xf32>,
          %swap3A_602 = vector.shape_cast %swap3A_601 : vector<1x16xf32> to vector<16xf32>
          %swap3A_603 = vector.shape_cast %add3A_501 : vector<16xf32> to vector<1x16xf32>
          tpu.vector_store %arg14[%swap3A_599, %swap3A_600], %swap3A_603 {strides = array<i32>} : memref<40x128xf32, #tpu.memory_space<vmem>>, vector<1x16xf32>,
          %swap3A_604 = arith.index_cast %scan3A_320 : i32 to index
          %swap3A_605 = arith.constant 48 : index
          %swap3A_606 = tpu.vector_load %arg14[%swap3A_604, %swap3A_605] {strides = array<i32>} : memref<40x128xf32, #tpu.memory_space<vmem>>, vector<1x16xf32>,
          %swap3A_607 = vector.shape_cast %swap3A_606 : vector<1x16xf32> to vector<16xf32>
          %swap3A_608 = vector.shape_cast %add3A_503 : vector<16xf32> to vector<1x16xf32>
          tpu.vector_store %arg14[%swap3A_604, %swap3A_605], %swap3A_608 {strides = array<i32>} : memref<40x128xf32, #tpu.memory_space<vmem>>, vector<1x16xf32>,
          %swap3A_609 = arith.index_cast %scan3A_320 : i32 to index
          %swap3A_610 = arith.constant 64 : index
          %swap3A_611 = tpu.vector_load %arg14[%swap3A_609, %swap3A_610] {strides = array<i32>} : memref<40x128xf32, #tpu.memory_space<vmem>>, vector<1x16xf32>,
          %swap3A_612 = vector.shape_cast %swap3A_611 : vector<1x16xf32> to vector<16xf32>
          %swap3A_613 = vector.shape_cast %add3A_505 : vector<16xf32> to vector<1x16xf32>
          tpu.vector_store %arg14[%swap3A_609, %swap3A_610], %swap3A_613 {strides = array<i32>} : memref<40x128xf32, #tpu.memory_space<vmem>>, vector<1x16xf32>,
          %swap3A_614 = arith.index_cast %scan3A_320 : i32 to index
          %swap3A_615 = arith.constant 80 : index
          %swap3A_616 = tpu.vector_load %arg14[%swap3A_614, %swap3A_615] {strides = array<i32>} : memref<40x128xf32, #tpu.memory_space<vmem>>, vector<1x16xf32>,
          %swap3A_617 = vector.shape_cast %swap3A_616 : vector<1x16xf32> to vector<16xf32>
          %swap3A_618 = vector.shape_cast %add3A_507 : vector<16xf32> to vector<1x16xf32>
          tpu.vector_store %arg14[%swap3A_614, %swap3A_615], %swap3A_618 {strides = array<i32>} : memref<40x128xf32, #tpu.memory_space<vmem>>, vector<1x16xf32>,
          %swap3A_619 = arith.index_cast %scan3A_320 : i32 to index
          %swap3A_620 = arith.constant 96 : index
          %swap3A_621 = tpu.vector_load %arg14[%swap3A_619, %swap3A_620] {strides = array<i32>} : memref<40x128xf32, #tpu.memory_space<vmem>>, vector<1x16xf32>,
          %swap3A_622 = vector.shape_cast %swap3A_621 : vector<1x16xf32> to vector<16xf32>
          %swap3A_623 = vector.shape_cast %add3A_509 : vector<16xf32> to vector<1x16xf32>
          tpu.vector_store %arg14[%swap3A_619, %swap3A_620], %swap3A_623 {strides = array<i32>} : memref<40x128xf32, #tpu.memory_space<vmem>>, vector<1x16xf32>,
          %swap3A_624 = arith.index_cast %scan3A_320 : i32 to index
          %swap3A_625 = arith.constant 112 : index
          %swap3A_626 = tpu.vector_load %arg14[%swap3A_624, %swap3A_625] {strides = array<i32>} : memref<40x128xf32, #tpu.memory_space<vmem>>, vector<1x16xf32>,
          %swap3A_627 = vector.shape_cast %swap3A_626 : vector<1x16xf32> to vector<16xf32>
          %swap3A_628 = vector.shape_cast %add3A_511 : vector<16xf32> to vector<1x16xf32>
          tpu.vector_store %arg14[%swap3A_624, %swap3A_625], %swap3A_628 {strides = array<i32>} : memref<40x128xf32, #tpu.memory_space<vmem>>, vector<1x16xf32>,
          %mul3A_629 = arith.mulf %div3A_518, %bitcast_convert_type3A_407 : vector<16xf32>
          %swap3A_630 = arith.index_cast %scan3A_320 : i32 to index
          %swap3A_631 = arith.constant 0 : index
          %swap3A_632 = tpu.vector_load %arg20[%swap3A_630, %swap3A_631] {strides = array<i32>} : memref<40x128xf32, #tpu.memory_space<vmem>>, vector<1x16xf32>,
          %swap3A_633 = vector.shape_cast %swap3A_632 : vector<1x16xf32> to vector<16xf32>
          %swap3A_634 = vector.shape_cast %mul3A_629 : vector<16xf32> to vector<1x16xf32>
          tpu.vector_store %arg20[%swap3A_630, %swap3A_631], %swap3A_634 {strides = array<i32>} : memref<40x128xf32, #tpu.memory_space<vmem>>, vector<1x16xf32>,
          %mul3A_635 = arith.mulf %div3A_528, %bitcast_convert_type3A_411 : vector<16xf32>
          %swap3A_636 = arith.index_cast %scan3A_320 : i32 to index
          %swap3A_637 = arith.constant 16 : index
          %swap3A_638 = tpu.vector_load %arg20[%swap3A_636, %swap3A_637] {strides = array<i32>} : memref<40x128xf32, #tpu.memory_space<vmem>>, vector<1x16xf32>,
          %swap3A_639 = vector.shape_cast %swap3A_638 : vector<1x16xf32> to vector<16xf32>
          %swap3A_640 = vector.shape_cast %mul3A_635 : vector<16xf32> to vector<1x16xf32>
          tpu.vector_store %arg20[%swap3A_636, %swap3A_637], %swap3A_640 {strides = array<i32>} : memref<40x128xf32, #tpu.memory_space<vmem>>, vector<1x16xf32>,
          %mul3A_641 = arith.mulf %div3A_538, %bitcast_convert_type3A_419 : vector<16xf32>
          %swap3A_642 = arith.index_cast %scan3A_320 : i32 to index
          %swap3A_643 = arith.constant 32 : index
          %swap3A_644 = tpu.vector_load %arg20[%swap3A_642, %swap3A_643] {strides = array<i32>} : memref<40x128xf32, #tpu.memory_space<vmem>>, vector<1x16xf32>,
          %swap3A_645 = vector.shape_cast %swap3A_644 : vector<1x16xf32> to vector<16xf32>
          %swap3A_646 = vector.shape_cast %mul3A_641 : vector<16xf32> to vector<1x16xf32>
          tpu.vector_store %arg20[%swap3A_642, %swap3A_643], %swap3A_646 {strides = array<i32>} : memref<40x128xf32, #tpu.memory_space<vmem>>, vector<1x16xf32>,
          %mul3A_647 = arith.mulf %div3A_548, %bitcast_convert_type3A_423 : vector<16xf32>
          %swap3A_648 = arith.index_cast %scan3A_320 : i32 to index
          %swap3A_649 = arith.constant 48 : index
          %swap3A_650 = tpu.vector_load %arg20[%swap3A_648, %swap3A_649] {strides = array<i32>} : memref<40x128xf32, #tpu.memory_space<vmem>>, vector<1x16xf32>,
          %swap3A_651 = vector.shape_cast %swap3A_650 : vector<1x16xf32> to vector<16xf32>
          %swap3A_652 = vector.shape_cast %mul3A_647 : vector<16xf32> to vector<1x16xf32>
          tpu.vector_store %arg20[%swap3A_648, %swap3A_649], %swap3A_652 {strides = array<i32>} : memref<40x128xf32, #tpu.memory_space<vmem>>, vector<1x16xf32>,
          %mul3A_653 = arith.mulf %div3A_558, %bitcast_convert_type3A_431 : vector<16xf32>
          %swap3A_654 = arith.index_cast %scan3A_320 : i32 to index
          %swap3A_655 = arith.constant 64 : index
          %swap3A_656 = tpu.vector_load %arg20[%swap3A_654, %swap3A_655] {strides = array<i32>} : memref<40x128xf32, #tpu.memory_space<vmem>>, vector<1x16xf32>,
          %swap3A_657 = vector.shape_cast %swap3A_656 : vector<1x16xf32> to vector<16xf32>
          %swap3A_658 = vector.shape_cast %mul3A_653 : vector<16xf32> to vector<1x16xf32>
          tpu.vector_store %arg20[%swap3A_654, %swap3A_655], %swap3A_658 {strides = array<i32>} : memref<40x128xf32, #tpu.memory_space<vmem>>, vector<1x16xf32>,
          %mul3A_659 = arith.mulf %div3A_568, %bitcast_convert_type3A_435 : vector<16xf32>
          %swap3A_660 = arith.index_cast %scan3A_320 : i32 to index
          %swap3A_661 = arith.constant 80 : index
          %swap3A_662 = tpu.vector_load %arg20[%swap3A_660, %swap3A_661] {strides = array<i32>} : memref<40x128xf32, #tpu.memory_space<vmem>>, vector<1x16xf32>,
          %swap3A_663 = vector.shape_cast %swap3A_662 : vector<1x16xf32> to vector<16xf32>
          %swap3A_664 = vector.shape_cast %mul3A_659 : vector<16xf32> to vector<1x16xf32>
          tpu.vector_store %arg20[%swap3A_660, %swap3A_661], %swap3A_664 {strides = array<i32>} : memref<40x128xf32, #tpu.memory_space<vmem>>, vector<1x16xf32>,
          %mul3A_665 = arith.mulf %div3A_578, %bitcast_convert_type3A_443 : vector<16xf32>
          %swap3A_666 = arith.index_cast %scan3A_320 : i32 to index
          %swap3A_667 = arith.constant 96 : index
          %swap3A_668 = tpu.vector_load %arg20[%swap3A_666, %swap3A_667] {strides = array<i32>} : memref<40x128xf32, #tpu.memory_space<vmem>>, vector<1x16xf32>,
          %swap3A_669 = vector.shape_cast %swap3A_668 : vector<1x16xf32> to vector<16xf32>
          %swap3A_670 = vector.shape_cast %mul3A_665 : vector<16xf32> to vector<1x16xf32>
          tpu.vector_store %arg20[%swap3A_666, %swap3A_667], %swap3A_670 {strides = array<i32>} : memref<40x128xf32, #tpu.memory_space<vmem>>, vector<1x16xf32>,
          %mul3A_671 = arith.mulf %div3A_588, %bitcast_convert_type3A_447 : vector<16xf32>
          %swap3A_672 = arith.index_cast %scan3A_320 : i32 to index
          %swap3A_673 = arith.constant 112 : index
          %swap3A_674 = tpu.vector_load %arg20[%swap3A_672, %swap3A_673] {strides = array<i32>} : memref<40x128xf32, #tpu.memory_space<vmem>>, vector<1x16xf32>,
          %swap3A_675 = vector.shape_cast %swap3A_674 : vector<1x16xf32> to vector<16xf32>
          %swap3A_676 = vector.shape_cast %mul3A_671 : vector<16xf32> to vector<1x16xf32>
          tpu.vector_store %arg20[%swap3A_672, %swap3A_673], %swap3A_676 {strides = array<i32>} : memref<40x128xf32, #tpu.memory_space<vmem>>, vector<1x16xf32>,
          %scan3A_677 = arith.constant 0 : i32
          scf.yield %scan3A_677 : i32
        }
        %scan3A_305 = arith.constant 40 : i32
        %sub3A_306 = arith.constant 1 : i32
        %sub3A_307 = arith.subi %add3A_191, %sub3A_306 : i32
        %mul3A_308 = arith.constant 10000 : i32
        %mul3A_309 = arith.muli %arg1, %mul3A_308 : i32
        %mul3A_310 = arith.constant 40 : i32
        %mul3A_311 = arith.muli %sub3A_307, %mul3A_310 : i32
        %add3A_312 = arith.addi %mul3A_309, %mul3A_311 : i32
        %mul3A_313 = arith.constant 128 : i32
        %mul3A_314 = arith.muli %arg0, %mul3A_313 : i32
        %dma_start3A_315 = tpu.memref_slice %arg6[%add3A_312, %mul3A_314] : memref<160000x256xf32, #tpu.memory_space<hbm>> -> memref<40x128xf32, #tpu.memory_space<hbm>>
        %dma_start3A_316 = tpu.memref_slice %arg6[%add3A_312, %mul3A_314] : memref<160000x256xf32, #tpu.memory_space<hbm>> -> memref<40x128xf32, #tpu.memory_space<hbm>>
        tpu.enqueue_dma source(%arg14 : memref<40x128xf32, #tpu.memory_space<vmem>>) target(%dma_start3A_316 : memref<40x128xf32, #tpu.memory_space<hbm>>) target_semaphore(%arg29 : memref<!tpu.dma_semaphore, #tpu.memory_space<semaphore_mem>>)
        %dma_start3A_317 = arith.constant 0 : i32
        %dma_start3A_318 = arith.constant 0 : i32
        %dma_start3A_319 = tpu.memref_slice %arg8[%dma_start3A_317, %dma_start3A_318] : memref<10240x128xf32, #tpu.memory_space<vmem_shared>> -> memref<10240x128xf32, #tpu.memory_space<vmem_shared>>
        tpu.enqueue_indirect_dma source(%arg20 : memref<40x128xf32, #tpu.memory_space<vmem>>) target(%dma_start3A_319 : memref<10240x128xf32, #tpu.memory_space<vmem_shared>>) offsets(%arg12 : memref<40xi32, #tpu.memory_space<vmem>>) semaphore(%arg31 : memref<!tpu.dma_semaphore, #tpu.memory_space<semaphore_mem>>) {add = true}
      } else {
      }
      %scan3A_298 = arith.constant 0 : i32
      scf.yield %scan3A_298 : i32
    }
    %scan3A_31 = arith.constant 125 : i32
    %rem3A = arith.constant 249 : i32
    %rem3A_32 = arith.constant 10 : i32
    %rem3A_33 = arith.remsi %rem3A, %rem3A_32 : i32
    %mul3A_34 = arith.constant 10000 : i32
    %mul3A_35 = arith.muli %arg1, %mul3A_34 : i32
    %add3A_36 = arith.constant 9960 : i32
    %add3A_37 = arith.addi %mul3A_35, %add3A_36 : i32
    %mul3A_38 = arith.constant 40 : i32
    %mul3A_39 = arith.muli %rem3A_33, %mul3A_38 : i32
    %mul3A_40 = arith.constant 40 : i32
    %mul3A_41 = arith.muli %rem3A_33, %mul3A_40 : i32
    %dma_wait3A = tpu.memref_slice %arg10[%mul3A_39] : memref<400xi32, #tpu.memory_space<vmem>> -> memref<40xi32, #tpu.memory_space<vmem>>
    %dma_wait3A_42 = arith.constant 0 : i32
    %dma_wait3A_43 = arith.constant 0 : i32
    %dma_wait3A_44 = tpu.memref_slice %arg2[%dma_wait3A_42, %dma_wait3A_43] : memref<40960x128xf32, #tpu.memory_space<hbm>> -> memref<40960x128xf32, #tpu.memory_space<hbm>>
    tpu.wait_indirect_dma semaphore(%arg24 : memref<!tpu.dma_semaphore, #tpu.memory_space<semaphore_mem>>) src(%dma_wait3A_44 : memref<40960x128xf32, #tpu.memory_space<hbm>>) dst(%arg15 : memref<40x128xf32, #tpu.memory_space<vmem>>)
    %dma_wait3A_45 = tpu.memref_slice %arg11[%mul3A_41] : memref<400xi32, #tpu.memory_space<vmem>> -> memref<40xi32, #tpu.memory_space<vmem>>
    %dma_wait3A_46 = arith.constant 0 : i32
    %dma_wait3A_47 = arith.constant 0 : i32
    %dma_wait3A_48 = tpu.memref_slice %arg3[%dma_wait3A_46, %dma_wait3A_47] : memref<20480x128xi32, #tpu.memory_space<hbm>> -> memref<20480x128xi32, #tpu.memory_space<hbm>>
    tpu.wait_indirect_dma semaphore(%arg26 : memref<!tpu.dma_semaphore, #tpu.memory_space<semaphore_mem>>) src(%dma_wait3A_48 : memref<20480x128xi32, #tpu.memory_space<hbm>>) dst(%arg17 : memref<40x128xi32, #tpu.memory_space<vmem>>)
    %dma_wait3A_49 = arith.constant 0 : i32
    %dma_wait3A_50 = tpu.memref_slice %arg4[%arg0, %add3A_37, %dma_wait3A_49] : memref<2x160000x64xi32, #tpu.memory_space<hbm>> -> memref<1x40x64xi32, #tpu.memory_space<hbm>>
    %dma_wait3A_51 = tpu.memref_squeeze %dma_wait3A_50 : memref<1x40x64xi32, #tpu.memory_space<hbm>> -> memref<40x64xi32, #tpu.memory_space<hbm>>
    %dma_wait3A_52 = arith.constant 0 : i32
    %dma_wait3A_53 = tpu.memref_slice %arg4[%arg0, %add3A_37, %dma_wait3A_52] : memref<2x160000x64xi32, #tpu.memory_space<hbm>> -> memref<1x40x64xi32, #tpu.memory_space<hbm>>
    %dma_wait3A_54 = tpu.memref_squeeze %dma_wait3A_53 : memref<1x40x64xi32, #tpu.memory_space<hbm>> -> memref<40x64xi32, #tpu.memory_space<hbm>>
    tpu.wait_dma2 semaphore(%arg28 : memref<!tpu.dma_semaphore, #tpu.memory_space<semaphore_mem>>) src(%dma_wait3A_54 : memref<40x64xi32, #tpu.memory_space<hbm>>) dst(%arg19 : memref<40x64xi32, #tpu.memory_space<vmem>>)
    %scan3A_55 = arith.constant 0 : i32
    %scan3A_56 = arith.constant 0 : i32
    %scan3A_57 = arith.constant 40 : i32
    %scan3A_58 = arith.addi %scan3A_56, %scan3A_57 : i32
    %scan3A_59 = arith.constant 1 : i32
    %scan3A_60 = scf.for %scan3A_102 = %scan3A_56 to %scan3A_58 step %scan3A_59 iter_args(%scan3A_103 = %scan3A_55) -> (i32)  : i32 {
      %get3A = arith.index_cast %scan3A_102 : i32 to index
      %get3A_104 = arith.constant 0 : index
      %get3A_105 = tpu.vector_load %arg15[%get3A, %get3A_104] {strides = array<i32>} : memref<40x128xf32, #tpu.memory_space<vmem>>, vector<1x16xf32>,
      %get3A_106 = vector.shape_cast %get3A_105 : vector<1x16xf32> to vector<16xf32>
      %get3A_107 = arith.index_cast %scan3A_102 : i32 to index
      %get3A_108 = arith.constant 16 : index
      %get3A_109 = tpu.vector_load %arg15[%get3A_107, %get3A_108] {strides = array<i32>} : memref<40x128xf32, #tpu.memory_space<vmem>>, vector<1x16xf32>,
      %get3A_110 = vector.shape_cast %get3A_109 : vector<1x16xf32> to vector<16xf32>
      %get3A_111 = arith.index_cast %scan3A_102 : i32 to index
      %get3A_112 = arith.constant 32 : index
      %get3A_113 = tpu.vector_load %arg15[%get3A_111, %get3A_112] {strides = array<i32>} : memref<40x128xf32, #tpu.memory_space<vmem>>, vector<1x16xf32>,
      %get3A_114 = vector.shape_cast %get3A_113 : vector<1x16xf32> to vector<16xf32>
      %get3A_115 = arith.index_cast %scan3A_102 : i32 to index
      %get3A_116 = arith.constant 48 : index
      %get3A_117 = tpu.vector_load %arg15[%get3A_115, %get3A_116] {strides = array<i32>} : memref<40x128xf32, #tpu.memory_space<vmem>>, vector<1x16xf32>,
      %get3A_118 = vector.shape_cast %get3A_117 : vector<1x16xf32> to vector<16xf32>
      %get3A_119 = arith.index_cast %scan3A_102 : i32 to index
      %get3A_120 = arith.constant 64 : index
      %get3A_121 = tpu.vector_load %arg15[%get3A_119, %get3A_120] {strides = array<i32>} : memref<40x128xf32, #tpu.memory_space<vmem>>, vector<1x16xf32>,
      %get3A_122 = vector.shape_cast %get3A_121 : vector<1x16xf32> to vector<16xf32>
      %get3A_123 = arith.index_cast %scan3A_102 : i32 to index
      %get3A_124 = arith.constant 80 : index
      %get3A_125 = tpu.vector_load %arg15[%get3A_123, %get3A_124] {strides = array<i32>} : memref<40x128xf32, #tpu.memory_space<vmem>>, vector<1x16xf32>,
      %get3A_126 = vector.shape_cast %get3A_125 : vector<1x16xf32> to vector<16xf32>
      %get3A_127 = arith.index_cast %scan3A_102 : i32 to index
      %get3A_128 = arith.constant 96 : index
      %get3A_129 = tpu.vector_load %arg15[%get3A_127, %get3A_128] {strides = array<i32>} : memref<40x128xf32, #tpu.memory_space<vmem>>, vector<1x16xf32>,
      %get3A_130 = vector.shape_cast %get3A_129 : vector<1x16xf32> to vector<16xf32>
      %get3A_131 = arith.index_cast %scan3A_102 : i32 to index
      %get3A_132 = arith.constant 112 : index
      %get3A_133 = tpu.vector_load %arg15[%get3A_131, %get3A_132] {strides = array<i32>} : memref<40x128xf32, #tpu.memory_space<vmem>>, vector<1x16xf32>,
      %get3A_134 = vector.shape_cast %get3A_133 : vector<1x16xf32> to vector<16xf32>
      %get3A_135 = arith.index_cast %scan3A_102 : i32 to index
      %get3A_136 = arith.constant 0 : index
      %get3A_137 = tpu.vector_load %arg17[%get3A_135, %get3A_136] {strides = array<i32>} : memref<40x128xi32, #tpu.memory_space<vmem>>, vector<1x16xi32>,
      %get3A_138 = vector.shape_cast %get3A_137 : vector<1x16xi32> to vector<16xi32>
      %shift_left3A = arith.constant 16 : i32
      %shift_left3A_139 = vector.broadcast %shift_left3A : i32 to vector<16xi32>
      %shift_left3A_140 = arith.shli %get3A_138, %shift_left3A_139 : vector<16xi32>
      %bitcast_convert_type3A = tpu.bitcast %shift_left3A_140 : vector<16xi32> -> vector<16xf32>
      %and3A = arith.constant -65536 : i32
      %and3A_141 = vector.broadcast %and3A : i32 to vector<16xi32>
      %and3A_142 = arith.andi %get3A_138, %and3A_141 : vector<16xi32>
      %bitcast_convert_type3A_143 = tpu.bitcast %and3A_142 : vector<16xi32> -> vector<16xf32>
      %get3A_144 = arith.index_cast %scan3A_102 : i32 to index
      %get3A_145 = arith.constant 16 : index
      %get3A_146 = tpu.vector_load %arg17[%get3A_144, %get3A_145] {strides = array<i32>} : memref<40x128xi32, #tpu.memory_space<vmem>>, vector<1x16xi32>,
      %get3A_147 = vector.shape_cast %get3A_146 : vector<1x16xi32> to vector<16xi32>
      %shift_left3A_148 = arith.constant 16 : i32
      %shift_left3A_149 = vector.broadcast %shift_left3A_148 : i32 to vector<16xi32>
      %shift_left3A_150 = arith.shli %get3A_147, %shift_left3A_149 : vector<16xi32>
      %bitcast_convert_type3A_151 = tpu.bitcast %shift_left3A_150 : vector<16xi32> -> vector<16xf32>
      %and3A_152 = arith.constant -65536 : i32
      %and3A_153 = vector.broadcast %and3A_152 : i32 to vector<16xi32>
      %and3A_154 = arith.andi %get3A_147, %and3A_153 : vector<16xi32>
      %bitcast_convert_type3A_155 = tpu.bitcast %and3A_154 : vector<16xi32> -> vector<16xf32>
      %get3A_156 = arith.index_cast %scan3A_102 : i32 to index
      %get3A_157 = arith.constant 32 : index
      %get3A_158 = tpu.vector_load %arg17[%get3A_156, %get3A_157] {strides = array<i32>} : memref<40x128xi32, #tpu.memory_space<vmem>>, vector<1x16xi32>,
      %get3A_159 = vector.shape_cast %get3A_158 : vector<1x16xi32> to vector<16xi32>
      %shift_left3A_160 = arith.constant 16 : i32
      %shift_left3A_161 = vector.broadcast %shift_left3A_160 : i32 to vector<16xi32>
      %shift_left3A_162 = arith.shli %get3A_159, %shift_left3A_161 : vector<16xi32>
      %bitcast_convert_type3A_163 = tpu.bitcast %shift_left3A_162 : vector<16xi32> -> vector<16xf32>
      %and3A_164 = arith.constant -65536 : i32
      %and3A_165 = vector.broadcast %and3A_164 : i32 to vector<16xi32>
      %and3A_166 = arith.andi %get3A_159, %and3A_165 : vector<16xi32>
      %bitcast_convert_type3A_167 = tpu.bitcast %and3A_166 : vector<16xi32> -> vector<16xf32>
      %get3A_168 = arith.index_cast %scan3A_102 : i32 to index
      %get3A_169 = arith.constant 48 : index
      %get3A_170 = tpu.vector_load %arg17[%get3A_168, %get3A_169] {strides = array<i32>} : memref<40x128xi32, #tpu.memory_space<vmem>>, vector<1x16xi32>,
      %get3A_171 = vector.shape_cast %get3A_170 : vector<1x16xi32> to vector<16xi32>
      %shift_left3A_172 = arith.constant 16 : i32
      %shift_left3A_173 = vector.broadcast %shift_left3A_172 : i32 to vector<16xi32>
      %shift_left3A_174 = arith.shli %get3A_171, %shift_left3A_173 : vector<16xi32>
      %bitcast_convert_type3A_175 = tpu.bitcast %shift_left3A_174 : vector<16xi32> -> vector<16xf32>
      %and3A_176 = arith.constant -65536 : i32
      %and3A_177 = vector.broadcast %and3A_176 : i32 to vector<16xi32>
      %and3A_178 = arith.andi %get3A_171, %and3A_177 : vector<16xi32>
      %bitcast_convert_type3A_179 = tpu.bitcast %and3A_178 : vector<16xi32> -> vector<16xf32>
      %get3A_180 = arith.index_cast %scan3A_102 : i32 to index
      %get3A_181 = arith.constant 64 : index
      %get3A_182 = tpu.vector_load %arg17[%get3A_180, %get3A_181] {strides = array<i32>} : memref<40x128xi32, #tpu.memory_space<vmem>>, vector<1x16xi32>,
      %get3A_183 = vector.shape_cast %get3A_182 : vector<1x16xi32> to vector<16xi32>
      %shift_left3A_184 = arith.constant 16 : i32
      %shift_left3A_185 = vector.broadcast %shift_left3A_184 : i32 to vector<16xi32>
      %shift_left3A_186 = arith.shli %get3A_183, %shift_left3A_185 : vector<16xi32>
      %bitcast_convert_type3A_187 = tpu.bitcast %shift_left3A_186 : vector<16xi32> -> vector<16xf32>
      %and3A_188 = arith.constant -65536 : i32
      %and3A_189 = vector.broadcast %and3A_188 : i32 to vector<16xi32>
      %and3A_190 = arith.andi %get3A_183, %and3A_189 : vector<16xi32>
      %bitcast_convert_type3A_191 = tpu.bitcast %and3A_190 : vector<16xi32> -> vector<16xf32>
      %get3A_192 = arith.index_cast %scan3A_102 : i32 to index
      %get3A_193 = arith.constant 80 : index
      %get3A_194 = tpu.vector_load %arg17[%get3A_192, %get3A_193] {strides = array<i32>} : memref<40x128xi32, #tpu.memory_space<vmem>>, vector<1x16xi32>,
      %get3A_195 = vector.shape_cast %get3A_194 : vector<1x16xi32> to vector<16xi32>
      %shift_left3A_196 = arith.constant 16 : i32
      %shift_left3A_197 = vector.broadcast %shift_left3A_196 : i32 to vector<16xi32>
      %shift_left3A_198 = arith.shli %get3A_195, %shift_left3A_197 : vector<16xi32>
      %bitcast_convert_type3A_199 = tpu.bitcast %shift_left3A_198 : vector<16xi32> -> vector<16xf32>
      %and3A_200 = arith.constant -65536 : i32
      %and3A_201 = vector.broadcast %and3A_200 : i32 to vector<16xi32>
      %and3A_202 = arith.andi %get3A_195, %and3A_201 : vector<16xi32>
      %bitcast_convert_type3A_203 = tpu.bitcast %and3A_202 : vector<16xi32> -> vector<16xf32>
      %get3A_204 = arith.index_cast %scan3A_102 : i32 to index
      %get3A_205 = arith.constant 96 : index
      %get3A_206 = tpu.vector_load %arg17[%get3A_204, %get3A_205] {strides = array<i32>} : memref<40x128xi32, #tpu.memory_space<vmem>>, vector<1x16xi32>,
      %get3A_207 = vector.shape_cast %get3A_206 : vector<1x16xi32> to vector<16xi32>
      %shift_left3A_208 = arith.constant 16 : i32
      %shift_left3A_209 = vector.broadcast %shift_left3A_208 : i32 to vector<16xi32>
      %shift_left3A_210 = arith.shli %get3A_207, %shift_left3A_209 : vector<16xi32>
      %bitcast_convert_type3A_211 = tpu.bitcast %shift_left3A_210 : vector<16xi32> -> vector<16xf32>
      %and3A_212 = arith.constant -65536 : i32
      %and3A_213 = vector.broadcast %and3A_212 : i32 to vector<16xi32>
      %and3A_214 = arith.andi %get3A_207, %and3A_213 : vector<16xi32>
      %bitcast_convert_type3A_215 = tpu.bitcast %and3A_214 : vector<16xi32> -> vector<16xf32>
      %get3A_216 = arith.index_cast %scan3A_102 : i32 to index
      %get3A_217 = arith.constant 112 : index
      %get3A_218 = tpu.vector_load %arg17[%get3A_216, %get3A_217] {strides = array<i32>} : memref<40x128xi32, #tpu.memory_space<vmem>>, vector<1x16xi32>,
      %get3A_219 = vector.shape_cast %get3A_218 : vector<1x16xi32> to vector<16xi32>
      %shift_left3A_220 = arith.constant 16 : i32
      %shift_left3A_221 = vector.broadcast %shift_left3A_220 : i32 to vector<16xi32>
      %shift_left3A_222 = arith.shli %get3A_219, %shift_left3A_221 : vector<16xi32>
      %bitcast_convert_type3A_223 = tpu.bitcast %shift_left3A_222 : vector<16xi32> -> vector<16xf32>
      %and3A_224 = arith.constant -65536 : i32
      %and3A_225 = vector.broadcast %and3A_224 : i32 to vector<16xi32>
      %and3A_226 = arith.andi %get3A_219, %and3A_225 : vector<16xi32>
      %bitcast_convert_type3A_227 = tpu.bitcast %and3A_226 : vector<16xi32> -> vector<16xf32>
      %get3A_228 = arith.index_cast %scan3A_102 : i32 to index
      %get3A_229 = arith.constant 0 : index
      %get3A_230 = tpu.vector_load %arg19[%get3A_228, %get3A_229] {strides = array<i32>} : memref<40x64xi32, #tpu.memory_space<vmem>>, vector<1x16xi32>,
      %get3A_231 = vector.shape_cast %get3A_230 : vector<1x16xi32> to vector<16xi32>
      %shift_left3A_232 = arith.constant 16 : i32
      %shift_left3A_233 = vector.broadcast %shift_left3A_232 : i32 to vector<16xi32>
      %shift_left3A_234 = arith.shli %get3A_231, %shift_left3A_233 : vector<16xi32>
      %bitcast_convert_type3A_235 = tpu.bitcast %shift_left3A_234 : vector<16xi32> -> vector<16xf32>
      %and3A_236 = arith.constant -65536 : i32
      %and3A_237 = vector.broadcast %and3A_236 : i32 to vector<16xi32>
      %and3A_238 = arith.andi %get3A_231, %and3A_237 : vector<16xi32>
      %bitcast_convert_type3A_239 = tpu.bitcast %and3A_238 : vector<16xi32> -> vector<16xf32>
      %get3A_240 = arith.index_cast %scan3A_102 : i32 to index
      %get3A_241 = arith.constant 16 : index
      %get3A_242 = tpu.vector_load %arg19[%get3A_240, %get3A_241] {strides = array<i32>} : memref<40x64xi32, #tpu.memory_space<vmem>>, vector<1x16xi32>,
      %get3A_243 = vector.shape_cast %get3A_242 : vector<1x16xi32> to vector<16xi32>
      %shift_left3A_244 = arith.constant 16 : i32
      %shift_left3A_245 = vector.broadcast %shift_left3A_244 : i32 to vector<16xi32>
      %shift_left3A_246 = arith.shli %get3A_243, %shift_left3A_245 : vector<16xi32>
      %bitcast_convert_type3A_247 = tpu.bitcast %shift_left3A_246 : vector<16xi32> -> vector<16xf32>
      %and3A_248 = arith.constant -65536 : i32
      %and3A_249 = vector.broadcast %and3A_248 : i32 to vector<16xi32>
      %and3A_250 = arith.andi %get3A_243, %and3A_249 : vector<16xi32>
      %bitcast_convert_type3A_251 = tpu.bitcast %and3A_250 : vector<16xi32> -> vector<16xf32>
      %get3A_252 = arith.index_cast %scan3A_102 : i32 to index
      %get3A_253 = arith.constant 32 : index
      %get3A_254 = tpu.vector_load %arg19[%get3A_252, %get3A_253] {strides = array<i32>} : memref<40x64xi32, #tpu.memory_space<vmem>>, vector<1x16xi32>,
      %get3A_255 = vector.shape_cast %get3A_254 : vector<1x16xi32> to vector<16xi32>
      %shift_left3A_256 = arith.constant 16 : i32
      %shift_left3A_257 = vector.broadcast %shift_left3A_256 : i32 to vector<16xi32>
      %shift_left3A_258 = arith.shli %get3A_255, %shift_left3A_257 : vector<16xi32>
      %bitcast_convert_type3A_259 = tpu.bitcast %shift_left3A_258 : vector<16xi32> -> vector<16xf32>
      %and3A_260 = arith.constant -65536 : i32
      %and3A_261 = vector.broadcast %and3A_260 : i32 to vector<16xi32>
      %and3A_262 = arith.andi %get3A_255, %and3A_261 : vector<16xi32>
      %bitcast_convert_type3A_263 = tpu.bitcast %and3A_262 : vector<16xi32> -> vector<16xf32>
      %get3A_264 = arith.index_cast %scan3A_102 : i32 to index
      %get3A_265 = arith.constant 48 : index
      %get3A_266 = tpu.vector_load %arg19[%get3A_264, %get3A_265] {strides = array<i32>} : memref<40x64xi32, #tpu.memory_space<vmem>>, vector<1x16xi32>,
      %get3A_267 = vector.shape_cast %get3A_266 : vector<1x16xi32> to vector<16xi32>
      %shift_left3A_268 = arith.constant 16 : i32
      %shift_left3A_269 = vector.broadcast %shift_left3A_268 : i32 to vector<16xi32>
      %shift_left3A_270 = arith.shli %get3A_267, %shift_left3A_269 : vector<16xi32>
      %bitcast_convert_type3A_271 = tpu.bitcast %shift_left3A_270 : vector<16xi32> -> vector<16xf32>
      %and3A_272 = arith.constant -65536 : i32
      %and3A_273 = vector.broadcast %and3A_272 : i32 to vector<16xi32>
      %and3A_274 = arith.andi %get3A_267, %and3A_273 : vector<16xi32>
      %bitcast_convert_type3A_275 = tpu.bitcast %and3A_274 : vector<16xi32> -> vector<16xf32>
      %add3A_276 = arith.addf %get3A_106, %bitcast_convert_type3A : vector<16xf32>
      %add3A_277 = arith.addf %add3A_276, %bitcast_convert_type3A_235 : vector<16xf32>
      %add3A_278 = arith.addf %get3A_110, %bitcast_convert_type3A_143 : vector<16xf32>
      %add3A_279 = arith.addf %add3A_278, %bitcast_convert_type3A_239 : vector<16xf32>
      %add3A_280 = arith.addf %get3A_114, %bitcast_convert_type3A_151 : vector<16xf32>
      %add3A_281 = arith.addf %add3A_280, %bitcast_convert_type3A_247 : vector<16xf32>
      %add3A_282 = arith.addf %get3A_118, %bitcast_convert_type3A_155 : vector<16xf32>
      %add3A_283 = arith.addf %add3A_282, %bitcast_convert_type3A_251 : vector<16xf32>
      %add3A_284 = arith.addf %get3A_122, %bitcast_convert_type3A_163 : vector<16xf32>
      %add3A_285 = arith.addf %add3A_284, %bitcast_convert_type3A_259 : vector<16xf32>
      %add3A_286 = arith.addf %get3A_126, %bitcast_convert_type3A_167 : vector<16xf32>
      %add3A_287 = arith.addf %add3A_286, %bitcast_convert_type3A_263 : vector<16xf32>
      %add3A_288 = arith.addf %get3A_130, %bitcast_convert_type3A_175 : vector<16xf32>
      %add3A_289 = arith.addf %add3A_288, %bitcast_convert_type3A_271 : vector<16xf32>
      %add3A_290 = arith.addf %get3A_134, %bitcast_convert_type3A_179 : vector<16xf32>
      %add3A_291 = arith.addf %add3A_290, %bitcast_convert_type3A_275 : vector<16xf32>
      %neg3A = arith.constant 0.000000e+00 : f32
      %neg3A_292 = vector.broadcast %neg3A : f32 to vector<16xf32>
      %neg3A_293 = arith.subf %neg3A_292, %add3A_277 : vector<16xf32>
      %exp3A = math.exp %neg3A_293 : vector<16xf32>
      %add3A_294 = arith.constant 1.000000e+00 : f32
      %add3A_295 = vector.broadcast %add3A_294 : f32 to vector<16xf32>
      %add3A_296 = arith.addf %add3A_295, %exp3A : vector<16xf32>
      %div3A = arith.constant 1.000000e+00 : f32
      %div3A_297 = vector.broadcast %div3A : f32 to vector<16xf32>
      %div3A_298 = arith.divf %div3A_297, %add3A_296 : vector<16xf32>
      %neg3A_299 = arith.constant 0.000000e+00 : f32
      %neg3A_300 = vector.broadcast %neg3A_299 : f32 to vector<16xf32>
      %neg3A_301 = arith.subf %neg3A_300, %add3A_279 : vector<16xf32>
      %exp3A_302 = math.exp %neg3A_301 : vector<16xf32>
      %add3A_303 = arith.constant 1.000000e+00 : f32
      %add3A_304 = vector.broadcast %add3A_303 : f32 to vector<16xf32>
      %add3A_305 = arith.addf %add3A_304, %exp3A_302 : vector<16xf32>
      %div3A_306 = arith.constant 1.000000e+00 : f32
      %div3A_307 = vector.broadcast %div3A_306 : f32 to vector<16xf32>
      %div3A_308 = arith.divf %div3A_307, %add3A_305 : vector<16xf32>
      %neg3A_309 = arith.constant 0.000000e+00 : f32
      %neg3A_310 = vector.broadcast %neg3A_309 : f32 to vector<16xf32>
      %neg3A_311 = arith.subf %neg3A_310, %add3A_281 : vector<16xf32>
      %exp3A_312 = math.exp %neg3A_311 : vector<16xf32>
      %add3A_313 = arith.constant 1.000000e+00 : f32
      %add3A_314 = vector.broadcast %add3A_313 : f32 to vector<16xf32>
      %add3A_315 = arith.addf %add3A_314, %exp3A_312 : vector<16xf32>
      %div3A_316 = arith.constant 1.000000e+00 : f32
      %div3A_317 = vector.broadcast %div3A_316 : f32 to vector<16xf32>
      %div3A_318 = arith.divf %div3A_317, %add3A_315 : vector<16xf32>
      %neg3A_319 = arith.constant 0.000000e+00 : f32
      %neg3A_320 = vector.broadcast %neg3A_319 : f32 to vector<16xf32>
      %neg3A_321 = arith.subf %neg3A_320, %add3A_283 : vector<16xf32>
      %exp3A_322 = math.exp %neg3A_321 : vector<16xf32>
      %add3A_323 = arith.constant 1.000000e+00 : f32
      %add3A_324 = vector.broadcast %add3A_323 : f32 to vector<16xf32>
      %add3A_325 = arith.addf %add3A_324, %exp3A_322 : vector<16xf32>
      %div3A_326 = arith.constant 1.000000e+00 : f32
      %div3A_327 = vector.broadcast %div3A_326 : f32 to vector<16xf32>
      %div3A_328 = arith.divf %div3A_327, %add3A_325 : vector<16xf32>
      %neg3A_329 = arith.constant 0.000000e+00 : f32
      %neg3A_330 = vector.broadcast %neg3A_329 : f32 to vector<16xf32>
      %neg3A_331 = arith.subf %neg3A_330, %add3A_285 : vector<16xf32>
      %exp3A_332 = math.exp %neg3A_331 : vector<16xf32>
      %add3A_333 = arith.constant 1.000000e+00 : f32
      %add3A_334 = vector.broadcast %add3A_333 : f32 to vector<16xf32>
      %add3A_335 = arith.addf %add3A_334, %exp3A_332 : vector<16xf32>
      %div3A_336 = arith.constant 1.000000e+00 : f32
      %div3A_337 = vector.broadcast %div3A_336 : f32 to vector<16xf32>
      %div3A_338 = arith.divf %div3A_337, %add3A_335 : vector<16xf32>
      %neg3A_339 = arith.constant 0.000000e+00 : f32
      %neg3A_340 = vector.broadcast %neg3A_339 : f32 to vector<16xf32>
      %neg3A_341 = arith.subf %neg3A_340, %add3A_287 : vector<16xf32>
      %exp3A_342 = math.exp %neg3A_341 : vector<16xf32>
      %add3A_343 = arith.constant 1.000000e+00 : f32
      %add3A_344 = vector.broadcast %add3A_343 : f32 to vector<16xf32>
      %add3A_345 = arith.addf %add3A_344, %exp3A_342 : vector<16xf32>
      %div3A_346 = arith.constant 1.000000e+00 : f32
      %div3A_347 = vector.broadcast %div3A_346 : f32 to vector<16xf32>
      %div3A_348 = arith.divf %div3A_347, %add3A_345 : vector<16xf32>
      %neg3A_349 = arith.constant 0.000000e+00 : f32
      %neg3A_350 = vector.broadcast %neg3A_349 : f32 to vector<16xf32>
      %neg3A_351 = arith.subf %neg3A_350, %add3A_289 : vector<16xf32>
      %exp3A_352 = math.exp %neg3A_351 : vector<16xf32>
      %add3A_353 = arith.constant 1.000000e+00 : f32
      %add3A_354 = vector.broadcast %add3A_353 : f32 to vector<16xf32>
      %add3A_355 = arith.addf %add3A_354, %exp3A_352 : vector<16xf32>
      %div3A_356 = arith.constant 1.000000e+00 : f32
      %div3A_357 = vector.broadcast %div3A_356 : f32 to vector<16xf32>
      %div3A_358 = arith.divf %div3A_357, %add3A_355 : vector<16xf32>
      %neg3A_359 = arith.constant 0.000000e+00 : f32
      %neg3A_360 = vector.broadcast %neg3A_359 : f32 to vector<16xf32>
      %neg3A_361 = arith.subf %neg3A_360, %add3A_291 : vector<16xf32>
      %exp3A_362 = math.exp %neg3A_361 : vector<16xf32>
      %add3A_363 = arith.constant 1.000000e+00 : f32
      %add3A_364 = vector.broadcast %add3A_363 : f32 to vector<16xf32>
      %add3A_365 = arith.addf %add3A_364, %exp3A_362 : vector<16xf32>
      %div3A_366 = arith.constant 1.000000e+00 : f32
      %div3A_367 = vector.broadcast %div3A_366 : f32 to vector<16xf32>
      %div3A_368 = arith.divf %div3A_367, %add3A_365 : vector<16xf32>
      %swap3A = arith.index_cast %scan3A_102 : i32 to index
      %swap3A_369 = arith.constant 0 : index
      %swap3A_370 = tpu.vector_load %arg15[%swap3A, %swap3A_369] {strides = array<i32>} : memref<40x128xf32, #tpu.memory_space<vmem>>, vector<1x16xf32>,
      %swap3A_371 = vector.shape_cast %swap3A_370 : vector<1x16xf32> to vector<16xf32>
      %swap3A_372 = vector.shape_cast %add3A_277 : vector<16xf32> to vector<1x16xf32>
      tpu.vector_store %arg15[%swap3A, %swap3A_369], %swap3A_372 {strides = array<i32>} : memref<40x128xf32, #tpu.memory_space<vmem>>, vector<1x16xf32>,
      %swap3A_373 = arith.index_cast %scan3A_102 : i32 to index
      %swap3A_374 = arith.constant 16 : index
      %swap3A_375 = tpu.vector_load %arg15[%swap3A_373, %swap3A_374] {strides = array<i32>} : memref<40x128xf32, #tpu.memory_space<vmem>>, vector<1x16xf32>,
      %swap3A_376 = vector.shape_cast %swap3A_375 : vector<1x16xf32> to vector<16xf32>
      %swap3A_377 = vector.shape_cast %add3A_279 : vector<16xf32> to vector<1x16xf32>
      tpu.vector_store %arg15[%swap3A_373, %swap3A_374], %swap3A_377 {strides = array<i32>} : memref<40x128xf32, #tpu.memory_space<vmem>>, vector<1x16xf32>,
      %swap3A_378 = arith.index_cast %scan3A_102 : i32 to index
      %swap3A_379 = arith.constant 32 : index
      %swap3A_380 = tpu.vector_load %arg15[%swap3A_378, %swap3A_379] {strides = array<i32>} : memref<40x128xf32, #tpu.memory_space<vmem>>, vector<1x16xf32>,
      %swap3A_381 = vector.shape_cast %swap3A_380 : vector<1x16xf32> to vector<16xf32>
      %swap3A_382 = vector.shape_cast %add3A_281 : vector<16xf32> to vector<1x16xf32>
      tpu.vector_store %arg15[%swap3A_378, %swap3A_379], %swap3A_382 {strides = array<i32>} : memref<40x128xf32, #tpu.memory_space<vmem>>, vector<1x16xf32>,
      %swap3A_383 = arith.index_cast %scan3A_102 : i32 to index
      %swap3A_384 = arith.constant 48 : index
      %swap3A_385 = tpu.vector_load %arg15[%swap3A_383, %swap3A_384] {strides = array<i32>} : memref<40x128xf32, #tpu.memory_space<vmem>>, vector<1x16xf32>,
      %swap3A_386 = vector.shape_cast %swap3A_385 : vector<1x16xf32> to vector<16xf32>
      %swap3A_387 = vector.shape_cast %add3A_283 : vector<16xf32> to vector<1x16xf32>
      tpu.vector_store %arg15[%swap3A_383, %swap3A_384], %swap3A_387 {strides = array<i32>} : memref<40x128xf32, #tpu.memory_space<vmem>>, vector<1x16xf32>,
      %swap3A_388 = arith.index_cast %scan3A_102 : i32 to index
      %swap3A_389 = arith.constant 64 : index
      %swap3A_390 = tpu.vector_load %arg15[%swap3A_388, %swap3A_389] {strides = array<i32>} : memref<40x128xf32, #tpu.memory_space<vmem>>, vector<1x16xf32>,
      %swap3A_391 = vector.shape_cast %swap3A_390 : vector<1x16xf32> to vector<16xf32>
      %swap3A_392 = vector.shape_cast %add3A_285 : vector<16xf32> to vector<1x16xf32>
      tpu.vector_store %arg15[%swap3A_388, %swap3A_389], %swap3A_392 {strides = array<i32>} : memref<40x128xf32, #tpu.memory_space<vmem>>, vector<1x16xf32>,
      %swap3A_393 = arith.index_cast %scan3A_102 : i32 to index
      %swap3A_394 = arith.constant 80 : index
      %swap3A_395 = tpu.vector_load %arg15[%swap3A_393, %swap3A_394] {strides = array<i32>} : memref<40x128xf32, #tpu.memory_space<vmem>>, vector<1x16xf32>,
      %swap3A_396 = vector.shape_cast %swap3A_395 : vector<1x16xf32> to vector<16xf32>
      %swap3A_397 = vector.shape_cast %add3A_287 : vector<16xf32> to vector<1x16xf32>
      tpu.vector_store %arg15[%swap3A_393, %swap3A_394], %swap3A_397 {strides = array<i32>} : memref<40x128xf32, #tpu.memory_space<vmem>>, vector<1x16xf32>,
      %swap3A_398 = arith.index_cast %scan3A_102 : i32 to index
      %swap3A_399 = arith.constant 96 : index
      %swap3A_400 = tpu.vector_load %arg15[%swap3A_398, %swap3A_399] {strides = array<i32>} : memref<40x128xf32, #tpu.memory_space<vmem>>, vector<1x16xf32>,
      %swap3A_401 = vector.shape_cast %swap3A_400 : vector<1x16xf32> to vector<16xf32>
      %swap3A_402 = vector.shape_cast %add3A_289 : vector<16xf32> to vector<1x16xf32>
      tpu.vector_store %arg15[%swap3A_398, %swap3A_399], %swap3A_402 {strides = array<i32>} : memref<40x128xf32, #tpu.memory_space<vmem>>, vector<1x16xf32>,
      %swap3A_403 = arith.index_cast %scan3A_102 : i32 to index
      %swap3A_404 = arith.constant 112 : index
      %swap3A_405 = tpu.vector_load %arg15[%swap3A_403, %swap3A_404] {strides = array<i32>} : memref<40x128xf32, #tpu.memory_space<vmem>>, vector<1x16xf32>,
      %swap3A_406 = vector.shape_cast %swap3A_405 : vector<1x16xf32> to vector<16xf32>
      %swap3A_407 = vector.shape_cast %add3A_291 : vector<16xf32> to vector<1x16xf32>
      tpu.vector_store %arg15[%swap3A_403, %swap3A_404], %swap3A_407 {strides = array<i32>} : memref<40x128xf32, #tpu.memory_space<vmem>>, vector<1x16xf32>,
      %mul3A_408 = arith.mulf %div3A_298, %bitcast_convert_type3A_187 : vector<16xf32>
      %swap3A_409 = arith.index_cast %scan3A_102 : i32 to index
      %swap3A_410 = arith.constant 0 : index
      %swap3A_411 = tpu.vector_load %arg21[%swap3A_409, %swap3A_410] {strides = array<i32>} : memref<40x128xf32, #tpu.memory_space<vmem>>, vector<1x16xf32>,
      %swap3A_412 = vector.shape_cast %swap3A_411 : vector<1x16xf32> to vector<16xf32>
      %swap3A_413 = vector.shape_cast %mul3A_408 : vector<16xf32> to vector<1x16xf32>
      tpu.vector_store %arg21[%swap3A_409, %swap3A_410], %swap3A_413 {strides = array<i32>} : memref<40x128xf32, #tpu.memory_space<vmem>>, vector<1x16xf32>,
      %mul3A_414 = arith.mulf %div3A_308, %bitcast_convert_type3A_191 : vector<16xf32>
      %swap3A_415 = arith.index_cast %scan3A_102 : i32 to index
      %swap3A_416 = arith.constant 16 : index
      %swap3A_417 = tpu.vector_load %arg21[%swap3A_415, %swap3A_416] {strides = array<i32>} : memref<40x128xf32, #tpu.memory_space<vmem>>, vector<1x16xf32>,
      %swap3A_418 = vector.shape_cast %swap3A_417 : vector<1x16xf32> to vector<16xf32>
      %swap3A_419 = vector.shape_cast %mul3A_414 : vector<16xf32> to vector<1x16xf32>
      tpu.vector_store %arg21[%swap3A_415, %swap3A_416], %swap3A_419 {strides = array<i32>} : memref<40x128xf32, #tpu.memory_space<vmem>>, vector<1x16xf32>,
      %mul3A_420 = arith.mulf %div3A_318, %bitcast_convert_type3A_199 : vector<16xf32>
      %swap3A_421 = arith.index_cast %scan3A_102 : i32 to index
      %swap3A_422 = arith.constant 32 : index
      %swap3A_423 = tpu.vector_load %arg21[%swap3A_421, %swap3A_422] {strides = array<i32>} : memref<40x128xf32, #tpu.memory_space<vmem>>, vector<1x16xf32>,
      %swap3A_424 = vector.shape_cast %swap3A_423 : vector<1x16xf32> to vector<16xf32>
      %swap3A_425 = vector.shape_cast %mul3A_420 : vector<16xf32> to vector<1x16xf32>
      tpu.vector_store %arg21[%swap3A_421, %swap3A_422], %swap3A_425 {strides = array<i32>} : memref<40x128xf32, #tpu.memory_space<vmem>>, vector<1x16xf32>,
      %mul3A_426 = arith.mulf %div3A_328, %bitcast_convert_type3A_203 : vector<16xf32>
      %swap3A_427 = arith.index_cast %scan3A_102 : i32 to index
      %swap3A_428 = arith.constant 48 : index
      %swap3A_429 = tpu.vector_load %arg21[%swap3A_427, %swap3A_428] {strides = array<i32>} : memref<40x128xf32, #tpu.memory_space<vmem>>, vector<1x16xf32>,
      %swap3A_430 = vector.shape_cast %swap3A_429 : vector<1x16xf32> to vector<16xf32>
      %swap3A_431 = vector.shape_cast %mul3A_426 : vector<16xf32> to vector<1x16xf32>
      tpu.vector_store %arg21[%swap3A_427, %swap3A_428], %swap3A_431 {strides = array<i32>} : memref<40x128xf32, #tpu.memory_space<vmem>>, vector<1x16xf32>,
      %mul3A_432 = arith.mulf %div3A_338, %bitcast_convert_type3A_211 : vector<16xf32>
      %swap3A_433 = arith.index_cast %scan3A_102 : i32 to index
      %swap3A_434 = arith.constant 64 : index
      %swap3A_435 = tpu.vector_load %arg21[%swap3A_433, %swap3A_434] {strides = array<i32>} : memref<40x128xf32, #tpu.memory_space<vmem>>, vector<1x16xf32>,
      %swap3A_436 = vector.shape_cast %swap3A_435 : vector<1x16xf32> to vector<16xf32>
      %swap3A_437 = vector.shape_cast %mul3A_432 : vector<16xf32> to vector<1x16xf32>
      tpu.vector_store %arg21[%swap3A_433, %swap3A_434], %swap3A_437 {strides = array<i32>} : memref<40x128xf32, #tpu.memory_space<vmem>>, vector<1x16xf32>,
      %mul3A_438 = arith.mulf %div3A_348, %bitcast_convert_type3A_215 : vector<16xf32>
      %swap3A_439 = arith.index_cast %scan3A_102 : i32 to index
      %swap3A_440 = arith.constant 80 : index
      %swap3A_441 = tpu.vector_load %arg21[%swap3A_439, %swap3A_440] {strides = array<i32>} : memref<40x128xf32, #tpu.memory_space<vmem>>, vector<1x16xf32>,
      %swap3A_442 = vector.shape_cast %swap3A_441 : vector<1x16xf32> to vector<16xf32>
      %swap3A_443 = vector.shape_cast %mul3A_438 : vector<16xf32> to vector<1x16xf32>
      tpu.vector_store %arg21[%swap3A_439, %swap3A_440], %swap3A_443 {strides = array<i32>} : memref<40x128xf32, #tpu.memory_space<vmem>>, vector<1x16xf32>,
      %mul3A_444 = arith.mulf %div3A_358, %bitcast_convert_type3A_223 : vector<16xf32>
      %swap3A_445 = arith.index_cast %scan3A_102 : i32 to index
      %swap3A_446 = arith.constant 96 : index
      %swap3A_447 = tpu.vector_load %arg21[%swap3A_445, %swap3A_446] {strides = array<i32>} : memref<40x128xf32, #tpu.memory_space<vmem>>, vector<1x16xf32>,
      %swap3A_448 = vector.shape_cast %swap3A_447 : vector<1x16xf32> to vector<16xf32>
      %swap3A_449 = vector.shape_cast %mul3A_444 : vector<16xf32> to vector<1x16xf32>
      tpu.vector_store %arg21[%swap3A_445, %swap3A_446], %swap3A_449 {strides = array<i32>} : memref<40x128xf32, #tpu.memory_space<vmem>>, vector<1x16xf32>,
      %mul3A_450 = arith.mulf %div3A_368, %bitcast_convert_type3A_227 : vector<16xf32>
      %swap3A_451 = arith.index_cast %scan3A_102 : i32 to index
      %swap3A_452 = arith.constant 112 : index
      %swap3A_453 = tpu.vector_load %arg21[%swap3A_451, %swap3A_452] {strides = array<i32>} : memref<40x128xf32, #tpu.memory_space<vmem>>, vector<1x16xf32>,
      %swap3A_454 = vector.shape_cast %swap3A_453 : vector<1x16xf32> to vector<16xf32>
      %swap3A_455 = vector.shape_cast %mul3A_450 : vector<16xf32> to vector<1x16xf32>
      tpu.vector_store %arg21[%swap3A_451, %swap3A_452], %swap3A_455 {strides = array<i32>} : memref<40x128xf32, #tpu.memory_space<vmem>>, vector<1x16xf32>,
      %scan3A_456 = arith.constant 0 : i32
      scf.yield %scan3A_456 : i32
    }
    %scan3A_61 = arith.constant 40 : i32
    %mul3A_62 = arith.constant 10000 : i32
    %mul3A_63 = arith.muli %arg1, %mul3A_62 : i32
    %add3A_64 = arith.constant 9960 : i32
    %add3A_65 = arith.addi %mul3A_63, %add3A_64 : i32
    %mul3A_66 = arith.constant 128 : i32
    %mul3A_67 = arith.muli %arg0, %mul3A_66 : i32
    %dma_start3A_68 = tpu.memref_slice %arg6[%add3A_65, %mul3A_67] : memref<160000x256xf32, #tpu.memory_space<hbm>> -> memref<40x128xf32, #tpu.memory_space<hbm>>
    %dma_start3A_69 = tpu.memref_slice %arg6[%add3A_65, %mul3A_67] : memref<160000x256xf32, #tpu.memory_space<hbm>> -> memref<40x128xf32, #tpu.memory_space<hbm>>
    tpu.enqueue_dma source(%arg15 : memref<40x128xf32, #tpu.memory_space<vmem>>) target(%dma_start3A_69 : memref<40x128xf32, #tpu.memory_space<hbm>>) target_semaphore(%arg30 : memref<!tpu.dma_semaphore, #tpu.memory_space<semaphore_mem>>)
    %dma_start3A_70 = arith.constant 0 : i32
    %dma_start3A_71 = arith.constant 0 : i32
    %dma_start3A_72 = tpu.memref_slice %arg8[%dma_start3A_70, %dma_start3A_71] : memref<10240x128xf32, #tpu.memory_space<vmem_shared>> -> memref<10240x128xf32, #tpu.memory_space<vmem_shared>>
    tpu.enqueue_indirect_dma source(%arg21 : memref<40x128xf32, #tpu.memory_space<vmem>>) target(%dma_start3A_72 : memref<10240x128xf32, #tpu.memory_space<vmem_shared>>) offsets(%arg13 : memref<40xi32, #tpu.memory_space<vmem>>) semaphore(%arg32 : memref<!tpu.dma_semaphore, #tpu.memory_space<semaphore_mem>>) {add = true}
    %mul3A_73 = arith.constant 10000 : i32
    %mul3A_74 = arith.muli %arg1, %mul3A_73 : i32
    %add3A_75 = arith.constant 9920 : i32
    %add3A_76 = arith.addi %mul3A_74, %add3A_75 : i32
    %mul3A_77 = arith.constant 128 : i32
    %mul3A_78 = arith.muli %arg0, %mul3A_77 : i32
    %dma_wait3A_79 = tpu.memref_slice %arg6[%add3A_76, %mul3A_78] : memref<160000x256xf32, #tpu.memory_space<hbm>> -> memref<40x128xf32, #tpu.memory_space<hbm>>
    %dma_wait3A_80 = tpu.memref_slice %arg6[%add3A_76, %mul3A_78] : memref<160000x256xf32, #tpu.memory_space<hbm>> -> memref<40x128xf32, #tpu.memory_space<hbm>>
    tpu.wait_dma2 semaphore(%arg29 : memref<!tpu.dma_semaphore, #tpu.memory_space<semaphore_mem>>) src(%arg14 : memref<40x128xf32, #tpu.memory_space<vmem>>) dst(%dma_wait3A_80 : memref<40x128xf32, #tpu.memory_space<hbm>>)
    %dma_wait3A_81 = arith.constant 0 : i32
    %dma_wait3A_82 = arith.constant 0 : i32
    %dma_wait3A_83 = tpu.memref_slice %arg8[%dma_wait3A_81, %dma_wait3A_82] : memref<10240x128xf32, #tpu.memory_space<vmem_shared>> -> memref<10240x128xf32, #tpu.memory_space<vmem_shared>>
    tpu.wait_indirect_dma semaphore(%arg31 : memref<!tpu.dma_semaphore, #tpu.memory_space<semaphore_mem>>) src(%arg20 : memref<40x128xf32, #tpu.memory_space<vmem>>) dst(%dma_wait3A_83 : memref<10240x128xf32, #tpu.memory_space<vmem_shared>>)
    %mul3A_84 = arith.constant 10000 : i32
    %mul3A_85 = arith.muli %arg1, %mul3A_84 : i32
    %add3A_86 = arith.constant 9960 : i32
    %add3A_87 = arith.addi %mul3A_85, %add3A_86 : i32
    %mul3A_88 = arith.constant 128 : i32
    %mul3A_89 = arith.muli %arg0, %mul3A_88 : i32
    %dma_wait3A_90 = tpu.memref_slice %arg6[%add3A_87, %mul3A_89] : memref<160000x256xf32, #tpu.memory_space<hbm>> -> memref<40x128xf32, #tpu.memory_space<hbm>>
    %dma_wait3A_91 = tpu.memref_slice %arg6[%add3A_87, %mul3A_89] : memref<160000x256xf32, #tpu.memory_space<hbm>> -> memref<40x128xf32, #tpu.memory_space<hbm>>
    tpu.wait_dma2 semaphore(%arg30 : memref<!tpu.dma_semaphore, #tpu.memory_space<semaphore_mem>>) src(%arg15 : memref<40x128xf32, #tpu.memory_space<vmem>>) dst(%dma_wait3A_91 : memref<40x128xf32, #tpu.memory_space<hbm>>)
    %dma_wait3A_92 = arith.constant 0 : i32
    %dma_wait3A_93 = arith.constant 0 : i32
    %dma_wait3A_94 = tpu.memref_slice %arg8[%dma_wait3A_92, %dma_wait3A_93] : memref<10240x128xf32, #tpu.memory_space<vmem_shared>> -> memref<10240x128xf32, #tpu.memory_space<vmem_shared>>
    tpu.wait_indirect_dma semaphore(%arg32 : memref<!tpu.dma_semaphore, #tpu.memory_space<semaphore_mem>>) src(%arg21 : memref<40x128xf32, #tpu.memory_space<vmem>>) dst(%dma_wait3A_94 : memref<10240x128xf32, #tpu.memory_space<vmem_shared>>)
    %barrier3A_95 = arith.constant 0 : index
    tpu.barrier barrier_id(%barrier3A_95)
    %mul3A_96 = arith.constant 640 : i32
    %mul3A_97 = arith.muli %arg1, %mul3A_96 : i32
    %mul3A_98 = arith.constant 640 : i32
    %mul3A_99 = arith.muli %arg1, %mul3A_98 : i32
    %mul3A_100 = arith.constant 128 : i32
    %mul3A_101 = arith.muli %arg0, %mul3A_100 : i32
    "tpu.region"() ({
      %run_scoped3A_102 = tpu.sem_alloc : memref<!tpu.dma_semaphore, #tpu.memory_space<semaphore_mem>>
      %dma_start3A_103 = tpu.memref_slice %arg7[%mul3A_99, %mul3A_101] : memref<10240x256xf32, #tpu.memory_space<hbm>> -> memref<640x128xf32, #tpu.memory_space<hbm>>
      %dma_start3A_104 = arith.constant 0 : i32
      %dma_start3A_105 = tpu.memref_slice %arg8[%mul3A_97, %dma_start3A_104] : memref<10240x128xf32, #tpu.memory_space<vmem_shared>> -> memref<640x128xf32, #tpu.memory_space<vmem_shared>>
      tpu.enqueue_dma source(%dma_start3A_105 : memref<640x128xf32, #tpu.memory_space<vmem_shared>>) target(%dma_start3A_103 : memref<640x128xf32, #tpu.memory_space<hbm>>) target_semaphore(%run_scoped3A_102 : memref<!tpu.dma_semaphore, #tpu.memory_space<semaphore_mem>>)
      %dma_wait3A_106 = tpu.memref_slice %arg7[%mul3A_99, %mul3A_101] : memref<10240x256xf32, #tpu.memory_space<hbm>> -> memref<640x128xf32, #tpu.memory_space<hbm>>
      %dma_wait3A_107 = arith.constant 0 : i32
      %dma_wait3A_108 = tpu.memref_slice %arg8[%mul3A_97, %dma_wait3A_107] : memref<10240x128xf32, #tpu.memory_space<vmem_shared>> -> memref<640x128xf32, #tpu.memory_space<vmem_shared>>
      tpu.wait_dma2 semaphore(%run_scoped3A_102 : memref<!tpu.dma_semaphore, #tpu.memory_space<semaphore_mem>>) src(%dma_wait3A_108 : memref<640x128xf32, #tpu.memory_space<vmem_shared>>) dst(%dma_wait3A_106 : memref<640x128xf32, #tpu.memory_space<hbm>>)
      tpu.yield
    }) : () -> ()
    return
  }
}

module attributes {stable_mosaic.version = 14 : i64} {
  func.func @_node_proj_body(%arg0: i32, %arg1: memref<1024x256xf32, #tpu.memory_space<vmem>>, %arg2: memref<256x1024xf32, #tpu.memory_space<vmem>>, %arg3: memref<1024xf32, #tpu.memory_space<vmem>>, %arg4: memref<4x1024x128xf32, #tpu.memory_space<vmem>>, %arg5: memref<2x1024x128xi32, #tpu.memory_space<vmem>>) attributes {dimension_semantics = [#tpu.dimension_semantics<arbitrary>], iteration_bounds = array<i64: 10>, scalar_prefetch = 0 : i64, scratch_operands = 0 : i64, tpu.core_type = #tpu.core_type<tc>, window_params = [{transform_indices = @transform_0, window_bounds = array<i64: 1024, 256>}, {pipeline_mode = #tpu.pipeline_mode<synchronous>, transform_indices = @transform_1, window_bounds = array<i64: 256, 1024>}, {pipeline_mode = #tpu.pipeline_mode<synchronous>, transform_indices = @transform_2, window_bounds = array<i64: 1024>}, {transform_indices = @transform_3, window_bounds = array<i64: 4, 1024, 128>}, {transform_indices = @transform_4, window_bounds = array<i64: 2, 1024, 128>}]} {
    %get3A = arith.constant 0 : index
    %get3A_0 = arith.constant 0 : index
    %get3A_1 = vector.load %arg1[%get3A, %get3A_0] : memref<1024x256xf32, #tpu.memory_space<vmem>>, vector<1024x256xf32>
    %get3A_2 = arith.constant 0 : index
    %get3A_3 = arith.constant 0 : index
    %get3A_4 = vector.load %arg2[%get3A_2, %get3A_3] : memref<256x1024xf32, #tpu.memory_space<vmem>>, vector<256x1024xf32>
    %dot_general3A = arith.constant dense<0.000000e+00> : vector<1024x1024xf32>
    %dot_general3A_5 = tpu.matmul %get3A_1, %get3A_4, %dot_general3A {dimension_numbers = #tpu.dot_dimension_numbers<[1], [0], [0], [1], [0, 0, 1, 1], [], []>, transpose_lhs_hint = false} : vector<1024x256xf32>, vector<256x1024xf32>, vector<1024x1024xf32> -> vector<1024x1024xf32>
    %get3A_6 = arith.constant 0 : index
    %get3A_7 = vector.load %arg3[%get3A_6] : memref<1024xf32, #tpu.memory_space<vmem>>, vector<1024xf32>
    %broadcast_in_dim3A = vector.shape_cast %get3A_7 : vector<1024xf32> to vector<1x1024xf32>
    %add3A = vector.broadcast %broadcast_in_dim3A : vector<1x1024xf32> to vector<1024x1024xf32>
    %add3A_8 = arith.addf %dot_general3A_5, %add3A : vector<1024x1024xf32>
    %slice3A = vector.extract_strided_slice %add3A_8 {offsets = [0, 0], sizes = [1024, 128], strides = [1, 1]} : vector<1024x1024xf32> to vector<1024x128xf32>
    %swap3A = arith.constant 0 : index
    %swap3A_9 = arith.constant 0 : index
    %swap3A_10 = arith.constant 0 : index
    %swap3A_11 = vector.load %arg4[%swap3A, %swap3A_9, %swap3A_10] : memref<4x1024x128xf32, #tpu.memory_space<vmem>>, vector<1x1024x128xf32>
    %swap3A_12 = vector.shape_cast %swap3A_11 : vector<1x1024x128xf32> to vector<1024x128xf32>
    %swap3A_13 = vector.shape_cast %slice3A : vector<1024x128xf32> to vector<1x1024x128xf32>
    tpu.vector_store %arg4[%swap3A, %swap3A_9, %swap3A_10], %swap3A_13 {strides = array<i32>} : memref<4x1024x128xf32, #tpu.memory_space<vmem>>, vector<1x1024x128xf32>,
    %slice3A_14 = vector.extract_strided_slice %add3A_8 {offsets = [0, 128], sizes = [1024, 128], strides = [1, 1]} : vector<1024x1024xf32> to vector<1024x128xf32>
    %swap3A_15 = arith.constant 1 : index
    %swap3A_16 = arith.constant 0 : index
    %swap3A_17 = arith.constant 0 : index
    %swap3A_18 = vector.load %arg4[%swap3A_15, %swap3A_16, %swap3A_17] : memref<4x1024x128xf32, #tpu.memory_space<vmem>>, vector<1x1024x128xf32>
    %swap3A_19 = vector.shape_cast %swap3A_18 : vector<1x1024x128xf32> to vector<1024x128xf32>
    %swap3A_20 = vector.shape_cast %slice3A_14 : vector<1024x128xf32> to vector<1x1024x128xf32>
    tpu.vector_store %arg4[%swap3A_15, %swap3A_16, %swap3A_17], %swap3A_20 {strides = array<i32>} : memref<4x1024x128xf32, #tpu.memory_space<vmem>>, vector<1x1024x128xf32>,
    %slice3A_21 = vector.extract_strided_slice %add3A_8 {offsets = [0, 256], sizes = [1024, 128], strides = [1, 1]} : vector<1024x1024xf32> to vector<1024x128xf32>
    %swap3A_22 = arith.constant 2 : index
    %swap3A_23 = arith.constant 0 : index
    %swap3A_24 = arith.constant 0 : index
    %swap3A_25 = vector.load %arg4[%swap3A_22, %swap3A_23, %swap3A_24] : memref<4x1024x128xf32, #tpu.memory_space<vmem>>, vector<1x1024x128xf32>
    %swap3A_26 = vector.shape_cast %swap3A_25 : vector<1x1024x128xf32> to vector<1024x128xf32>
    %swap3A_27 = vector.shape_cast %slice3A_21 : vector<1024x128xf32> to vector<1x1024x128xf32>
    tpu.vector_store %arg4[%swap3A_22, %swap3A_23, %swap3A_24], %swap3A_27 {strides = array<i32>} : memref<4x1024x128xf32, #tpu.memory_space<vmem>>, vector<1x1024x128xf32>,
    %slice3A_28 = vector.extract_strided_slice %add3A_8 {offsets = [0, 384], sizes = [1024, 128], strides = [1, 1]} : vector<1024x1024xf32> to vector<1024x128xf32>
    %swap3A_29 = arith.constant 3 : index
    %swap3A_30 = arith.constant 0 : index
    %swap3A_31 = arith.constant 0 : index
    %swap3A_32 = vector.load %arg4[%swap3A_29, %swap3A_30, %swap3A_31] : memref<4x1024x128xf32, #tpu.memory_space<vmem>>, vector<1x1024x128xf32>
    %swap3A_33 = vector.shape_cast %swap3A_32 : vector<1x1024x128xf32> to vector<1024x128xf32>
    %swap3A_34 = vector.shape_cast %slice3A_28 : vector<1024x128xf32> to vector<1x1024x128xf32>
    tpu.vector_store %arg4[%swap3A_29, %swap3A_30, %swap3A_31], %swap3A_34 {strides = array<i32>} : memref<4x1024x128xf32, #tpu.memory_space<vmem>>, vector<1x1024x128xf32>,
    %slice3A_35 = vector.extract_strided_slice %add3A_8 {offsets = [0, 512], sizes = [1024, 128], strides = [1, 1]} : vector<1024x1024xf32> to vector<1024x128xf32>
    %bitcast_convert_type3A = tpu.bitcast %slice3A_35 : vector<1024x128xf32> -> vector<1024x128xi32>
    %add3A_36 = arith.constant 32768 : i32
    %add3A_37 = vector.broadcast %add3A_36 : i32 to vector<1024x128xi32>
    %add3A_38 = arith.addi %bitcast_convert_type3A, %add3A_37 : vector<1024x128xi32>
    %slice3A_39 = vector.extract_strided_slice %add3A_38 {offsets = [0, 0], sizes = [1024, 64], strides = [1, 1]} : vector<1024x128xi32> to vector<1024x64xi32>
    %shift_right_logical3A = arith.constant 16 : i32
    %shift_right_logical3A_40 = vector.broadcast %shift_right_logical3A : i32 to vector<1024x64xi32>
    %shift_right_logical3A_41 = arith.shrui %slice3A_39, %shift_right_logical3A_40 : vector<1024x64xi32>
    %slice3A_42 = vector.extract_strided_slice %add3A_38 {offsets = [0, 64], sizes = [1024, 64], strides = [1, 1]} : vector<1024x128xi32> to vector<1024x64xi32>
    %and3A = arith.constant -65536 : i32
    %and3A_43 = vector.broadcast %and3A : i32 to vector<1024x64xi32>
    %and3A_44 = arith.andi %slice3A_42, %and3A_43 : vector<1024x64xi32>
    %or3A = arith.ori %shift_right_logical3A_41, %and3A_44 : vector<1024x64xi32>
    %swap3A_45 = arith.constant 0 : index
    %swap3A_46 = arith.constant 0 : index
    %swap3A_47 = arith.constant 0 : index
    %swap3A_48 = vector.load %arg5[%swap3A_45, %swap3A_46, %swap3A_47] : memref<2x1024x128xi32, #tpu.memory_space<vmem>>, vector<1x1024x64xi32>
    %swap3A_49 = vector.shape_cast %swap3A_48 : vector<1x1024x64xi32> to vector<1024x64xi32>
    %swap3A_50 = vector.shape_cast %or3A : vector<1024x64xi32> to vector<1x1024x64xi32>
    tpu.vector_store %arg5[%swap3A_45, %swap3A_46, %swap3A_47], %swap3A_50 {strides = array<i32>} : memref<2x1024x128xi32, #tpu.memory_space<vmem>>, vector<1x1024x64xi32>,
    %slice3A_51 = vector.extract_strided_slice %add3A_8 {offsets = [0, 768], sizes = [1024, 128], strides = [1, 1]} : vector<1024x1024xf32> to vector<1024x128xf32>
    %bitcast_convert_type3A_52 = tpu.bitcast %slice3A_51 : vector<1024x128xf32> -> vector<1024x128xi32>
    %add3A_53 = arith.constant 32768 : i32
    %add3A_54 = vector.broadcast %add3A_53 : i32 to vector<1024x128xi32>
    %add3A_55 = arith.addi %bitcast_convert_type3A_52, %add3A_54 : vector<1024x128xi32>
    %slice3A_56 = vector.extract_strided_slice %add3A_55 {offsets = [0, 0], sizes = [1024, 64], strides = [1, 1]} : vector<1024x128xi32> to vector<1024x64xi32>
    %shift_right_logical3A_57 = arith.constant 16 : i32
    %shift_right_logical3A_58 = vector.broadcast %shift_right_logical3A_57 : i32 to vector<1024x64xi32>
    %shift_right_logical3A_59 = arith.shrui %slice3A_56, %shift_right_logical3A_58 : vector<1024x64xi32>
    %slice3A_60 = vector.extract_strided_slice %add3A_55 {offsets = [0, 64], sizes = [1024, 64], strides = [1, 1]} : vector<1024x128xi32> to vector<1024x64xi32>
    %and3A_61 = arith.constant -65536 : i32
    %and3A_62 = vector.broadcast %and3A_61 : i32 to vector<1024x64xi32>
    %and3A_63 = arith.andi %slice3A_60, %and3A_62 : vector<1024x64xi32>
    %or3A_64 = arith.ori %shift_right_logical3A_59, %and3A_63 : vector<1024x64xi32>
    %swap3A_65 = arith.constant 0 : index
    %swap3A_66 = arith.constant 0 : index
    %swap3A_67 = arith.constant 64 : index
    %swap3A_68 = vector.load %arg5[%swap3A_65, %swap3A_66, %swap3A_67] : memref<2x1024x128xi32, #tpu.memory_space<vmem>>, vector<1x1024x64xi32>
    %swap3A_69 = vector.shape_cast %swap3A_68 : vector<1x1024x64xi32> to vector<1024x64xi32>
    %swap3A_70 = vector.shape_cast %or3A_64 : vector<1024x64xi32> to vector<1x1024x64xi32>
    tpu.vector_store %arg5[%swap3A_65, %swap3A_66, %swap3A_67], %swap3A_70 {strides = array<i32>} : memref<2x1024x128xi32, #tpu.memory_space<vmem>>, vector<1x1024x64xi32>,
    %slice3A_71 = vector.extract_strided_slice %add3A_8 {offsets = [0, 640], sizes = [1024, 128], strides = [1, 1]} : vector<1024x1024xf32> to vector<1024x128xf32>
    %bitcast_convert_type3A_72 = tpu.bitcast %slice3A_71 : vector<1024x128xf32> -> vector<1024x128xi32>
    %add3A_73 = arith.constant 32768 : i32
    %add3A_74 = vector.broadcast %add3A_73 : i32 to vector<1024x128xi32>
    %add3A_75 = arith.addi %bitcast_convert_type3A_72, %add3A_74 : vector<1024x128xi32>
    %slice3A_76 = vector.extract_strided_slice %add3A_75 {offsets = [0, 0], sizes = [1024, 64], strides = [1, 1]} : vector<1024x128xi32> to vector<1024x64xi32>
    %shift_right_logical3A_77 = arith.constant 16 : i32
    %shift_right_logical3A_78 = vector.broadcast %shift_right_logical3A_77 : i32 to vector<1024x64xi32>
    %shift_right_logical3A_79 = arith.shrui %slice3A_76, %shift_right_logical3A_78 : vector<1024x64xi32>
    %slice3A_80 = vector.extract_strided_slice %add3A_75 {offsets = [0, 64], sizes = [1024, 64], strides = [1, 1]} : vector<1024x128xi32> to vector<1024x64xi32>
    %and3A_81 = arith.constant -65536 : i32
    %and3A_82 = vector.broadcast %and3A_81 : i32 to vector<1024x64xi32>
    %and3A_83 = arith.andi %slice3A_80, %and3A_82 : vector<1024x64xi32>
    %or3A_84 = arith.ori %shift_right_logical3A_79, %and3A_83 : vector<1024x64xi32>
    %swap3A_85 = arith.constant 1 : index
    %swap3A_86 = arith.constant 0 : index
    %swap3A_87 = arith.constant 0 : index
    %swap3A_88 = vector.load %arg5[%swap3A_85, %swap3A_86, %swap3A_87] : memref<2x1024x128xi32, #tpu.memory_space<vmem>>, vector<1x1024x64xi32>
    %swap3A_89 = vector.shape_cast %swap3A_88 : vector<1x1024x64xi32> to vector<1024x64xi32>
    %swap3A_90 = vector.shape_cast %or3A_84 : vector<1024x64xi32> to vector<1x1024x64xi32>
    tpu.vector_store %arg5[%swap3A_85, %swap3A_86, %swap3A_87], %swap3A_90 {strides = array<i32>} : memref<2x1024x128xi32, #tpu.memory_space<vmem>>, vector<1x1024x64xi32>,
    %slice3A_91 = vector.extract_strided_slice %add3A_8 {offsets = [0, 896], sizes = [1024, 128], strides = [1, 1]} : vector<1024x1024xf32> to vector<1024x128xf32>
    %bitcast_convert_type3A_92 = tpu.bitcast %slice3A_91 : vector<1024x128xf32> -> vector<1024x128xi32>
    %add3A_93 = arith.constant 32768 : i32
    %add3A_94 = vector.broadcast %add3A_93 : i32 to vector<1024x128xi32>
    %add3A_95 = arith.addi %bitcast_convert_type3A_92, %add3A_94 : vector<1024x128xi32>
    %slice3A_96 = vector.extract_strided_slice %add3A_95 {offsets = [0, 0], sizes = [1024, 64], strides = [1, 1]} : vector<1024x128xi32> to vector<1024x64xi32>
    %shift_right_logical3A_97 = arith.constant 16 : i32
    %shift_right_logical3A_98 = vector.broadcast %shift_right_logical3A_97 : i32 to vector<1024x64xi32>
    %shift_right_logical3A_99 = arith.shrui %slice3A_96, %shift_right_logical3A_98 : vector<1024x64xi32>
    %slice3A_100 = vector.extract_strided_slice %add3A_95 {offsets = [0, 64], sizes = [1024, 64], strides = [1, 1]} : vector<1024x128xi32> to vector<1024x64xi32>
    %and3A_101 = arith.constant -65536 : i32
    %and3A_102 = vector.broadcast %and3A_101 : i32 to vector<1024x64xi32>
    %and3A_103 = arith.andi %slice3A_100, %and3A_102 : vector<1024x64xi32>
    %or3A_104 = arith.ori %shift_right_logical3A_99, %and3A_103 : vector<1024x64xi32>
    %swap3A_105 = arith.constant 1 : index
    %swap3A_106 = arith.constant 0 : index
    %swap3A_107 = arith.constant 64 : index
    %swap3A_108 = vector.load %arg5[%swap3A_105, %swap3A_106, %swap3A_107] : memref<2x1024x128xi32, #tpu.memory_space<vmem>>, vector<1x1024x64xi32>
    %swap3A_109 = vector.shape_cast %swap3A_108 : vector<1x1024x64xi32> to vector<1024x64xi32>
    %swap3A_110 = vector.shape_cast %or3A_104 : vector<1024x64xi32> to vector<1x1024x64xi32>
    tpu.vector_store %arg5[%swap3A_105, %swap3A_106, %swap3A_107], %swap3A_110 {strides = array<i32>} : memref<2x1024x128xi32, #tpu.memory_space<vmem>>, vector<1x1024x64xi32>,
    return
  }
  func.func @transform_0(%arg0: i32) -> (i32, i32) {
    %c0_i32 = arith.constant 0 : i32
    %c0_i32_0 = arith.constant 0 : i32
    return %arg0, %c0_i32 : i32, i32
  }
  func.func @transform_1(%arg0: i32) -> (i32, i32) {
    %c0_i32 = arith.constant 0 : i32
    %c0_i32_0 = arith.constant 0 : i32
    %c0_i32_1 = arith.constant 0 : i32
    return %c0_i32, %c0_i32_0 : i32, i32
  }
  func.func @transform_2(%arg0: i32) -> i32 {
    %c0_i32 = arith.constant 0 : i32
    %c0_i32_0 = arith.constant 0 : i32
    return %c0_i32 : i32
  }
  func.func @transform_3(%arg0: i32) -> (i32, i32, i32) {
    %c0_i32 = arith.constant 0 : i32
    %c0_i32_0 = arith.constant 0 : i32
    %c0_i32_1 = arith.constant 0 : i32
    return %c0_i32, %arg0, %c0_i32_0 : i32, i32, i32
  }
  func.func @transform_4(%arg0: i32) -> (i32, i32, i32) {
    %c0_i32 = arith.constant 0 : i32
    %c0_i32_0 = arith.constant 0 : i32
    %c0_i32_1 = arith.constant 0 : i32
    return %c0_i32, %arg0, %c0_i32_0 : i32, i32, i32
  }
}

module attributes {stable_mosaic.version = 14 : i64} {
  func.func @_edge_proj_body(%arg0: i32, %arg1: memref<8000x16xf32, #tpu.memory_space<vmem>>, %arg2: memref<16x256xf32, #tpu.memory_space<vmem>>, %arg3: memref<256xf32, #tpu.memory_space<vmem>>, %arg4: memref<2x8000x64xi32, #tpu.memory_space<vmem>>) attributes {dimension_semantics = [#tpu.dimension_semantics<arbitrary>], iteration_bounds = array<i64: 20>, scalar_prefetch = 0 : i64, scratch_operands = 0 : i64, tpu.core_type = #tpu.core_type<tc>, window_params = [{transform_indices = @transform_0, window_bounds = array<i64: 8000, 16>}, {pipeline_mode = #tpu.pipeline_mode<synchronous>, transform_indices = @transform_1, window_bounds = array<i64: 16, 256>}, {pipeline_mode = #tpu.pipeline_mode<synchronous>, transform_indices = @transform_2, window_bounds = array<i64: 256>}, {transform_indices = @transform_3, window_bounds = array<i64: 2, 8000, 64>}]} {
    %get3A = arith.constant 0 : index
    %get3A_0 = arith.constant 0 : index
    %get3A_1 = vector.load %arg1[%get3A, %get3A_0] : memref<8000x16xf32, #tpu.memory_space<vmem>>, vector<8000x16xf32>
    %get3A_2 = arith.constant 0 : index
    %get3A_3 = arith.constant 0 : index
    %get3A_4 = vector.load %arg2[%get3A_2, %get3A_3] : memref<16x256xf32, #tpu.memory_space<vmem>>, vector<16x256xf32>
    %dot_general3A = arith.constant dense<0.000000e+00> : vector<8000x256xf32>
    %dot_general3A_5 = tpu.matmul %get3A_1, %get3A_4, %dot_general3A {dimension_numbers = #tpu.dot_dimension_numbers<[1], [0], [0], [1], [0, 0, 1, 1], [], []>, transpose_lhs_hint = false} : vector<8000x16xf32>, vector<16x256xf32>, vector<8000x256xf32> -> vector<8000x256xf32>
    %get3A_6 = arith.constant 0 : index
    %get3A_7 = vector.load %arg3[%get3A_6] : memref<256xf32, #tpu.memory_space<vmem>>, vector<256xf32>
    %broadcast_in_dim3A = vector.shape_cast %get3A_7 : vector<256xf32> to vector<1x256xf32>
    %add3A = vector.broadcast %broadcast_in_dim3A : vector<1x256xf32> to vector<8000x256xf32>
    %add3A_8 = arith.addf %dot_general3A_5, %add3A : vector<8000x256xf32>
    %slice3A = vector.extract_strided_slice %add3A_8 {offsets = [0, 0], sizes = [8000, 128], strides = [1, 1]} : vector<8000x256xf32> to vector<8000x128xf32>
    %bitcast_convert_type3A = tpu.bitcast %slice3A : vector<8000x128xf32> -> vector<8000x128xi32>
    %add3A_9 = arith.constant 32768 : i32
    %add3A_10 = vector.broadcast %add3A_9 : i32 to vector<8000x128xi32>
    %add3A_11 = arith.addi %bitcast_convert_type3A, %add3A_10 : vector<8000x128xi32>
    %slice3A_12 = vector.extract_strided_slice %add3A_11 {offsets = [0, 0], sizes = [8000, 64], strides = [1, 1]} : vector<8000x128xi32> to vector<8000x64xi32>
    %shift_right_logical3A = arith.constant 16 : i32
    %shift_right_logical3A_13 = vector.broadcast %shift_right_logical3A : i32 to vector<8000x64xi32>
    %shift_right_logical3A_14 = arith.shrui %slice3A_12, %shift_right_logical3A_13 : vector<8000x64xi32>
    %slice3A_15 = vector.extract_strided_slice %add3A_11 {offsets = [0, 64], sizes = [8000, 64], strides = [1, 1]} : vector<8000x128xi32> to vector<8000x64xi32>
    %and3A = arith.constant -65536 : i32
    %and3A_16 = vector.broadcast %and3A : i32 to vector<8000x64xi32>
    %and3A_17 = arith.andi %slice3A_15, %and3A_16 : vector<8000x64xi32>
    %or3A = arith.ori %shift_right_logical3A_14, %and3A_17 : vector<8000x64xi32>
    %swap3A = arith.constant 0 : index
    %swap3A_18 = arith.constant 0 : index
    %swap3A_19 = arith.constant 0 : index
    %swap3A_20 = vector.load %arg4[%swap3A, %swap3A_18, %swap3A_19] : memref<2x8000x64xi32, #tpu.memory_space<vmem>>, vector<1x8000x64xi32>
    %swap3A_21 = vector.shape_cast %swap3A_20 : vector<1x8000x64xi32> to vector<8000x64xi32>
    %swap3A_22 = vector.shape_cast %or3A : vector<8000x64xi32> to vector<1x8000x64xi32>
    tpu.vector_store %arg4[%swap3A, %swap3A_18, %swap3A_19], %swap3A_22 {strides = array<i32>} : memref<2x8000x64xi32, #tpu.memory_space<vmem>>, vector<1x8000x64xi32>,
    %slice3A_23 = vector.extract_strided_slice %add3A_8 {offsets = [0, 128], sizes = [8000, 128], strides = [1, 1]} : vector<8000x256xf32> to vector<8000x128xf32>
    %bitcast_convert_type3A_24 = tpu.bitcast %slice3A_23 : vector<8000x128xf32> -> vector<8000x128xi32>
    %add3A_25 = arith.constant 32768 : i32
    %add3A_26 = vector.broadcast %add3A_25 : i32 to vector<8000x128xi32>
    %add3A_27 = arith.addi %bitcast_convert_type3A_24, %add3A_26 : vector<8000x128xi32>
    %slice3A_28 = vector.extract_strided_slice %add3A_27 {offsets = [0, 0], sizes = [8000, 64], strides = [1, 1]} : vector<8000x128xi32> to vector<8000x64xi32>
    %shift_right_logical3A_29 = arith.constant 16 : i32
    %shift_right_logical3A_30 = vector.broadcast %shift_right_logical3A_29 : i32 to vector<8000x64xi32>
    %shift_right_logical3A_31 = arith.shrui %slice3A_28, %shift_right_logical3A_30 : vector<8000x64xi32>
    %slice3A_32 = vector.extract_strided_slice %add3A_27 {offsets = [0, 64], sizes = [8000, 64], strides = [1, 1]} : vector<8000x128xi32> to vector<8000x64xi32>
    %and3A_33 = arith.constant -65536 : i32
    %and3A_34 = vector.broadcast %and3A_33 : i32 to vector<8000x64xi32>
    %and3A_35 = arith.andi %slice3A_32, %and3A_34 : vector<8000x64xi32>
    %or3A_36 = arith.ori %shift_right_logical3A_31, %and3A_35 : vector<8000x64xi32>
    %swap3A_37 = arith.constant 1 : index
    %swap3A_38 = arith.constant 0 : index
    %swap3A_39 = arith.constant 0 : index
    %swap3A_40 = vector.load %arg4[%swap3A_37, %swap3A_38, %swap3A_39] : memref<2x8000x64xi32, #tpu.memory_space<vmem>>, vector<1x8000x64xi32>
    %swap3A_41 = vector.shape_cast %swap3A_40 : vector<1x8000x64xi32> to vector<8000x64xi32>
    %swap3A_42 = vector.shape_cast %or3A_36 : vector<8000x64xi32> to vector<1x8000x64xi32>
    tpu.vector_store %arg4[%swap3A_37, %swap3A_38, %swap3A_39], %swap3A_42 {strides = array<i32>} : memref<2x8000x64xi32, #tpu.memory_space<vmem>>, vector<1x8000x64xi32>,
    return
  }
  func.func @transform_0(%arg0: i32) -> (i32, i32) {
    %c0_i32 = arith.constant 0 : i32
    %c0_i32_0 = arith.constant 0 : i32
    return %arg0, %c0_i32 : i32, i32
  }
  func.func @transform_1(%arg0: i32) -> (i32, i32) {
    %c0_i32 = arith.constant 0 : i32
    %c0_i32_0 = arith.constant 0 : i32
    %c0_i32_1 = arith.constant 0 : i32
    return %c0_i32, %c0_i32_0 : i32, i32
  }
  func.func @transform_2(%arg0: i32) -> i32 {
    %c0_i32 = arith.constant 0 : i32
    %c0_i32_0 = arith.constant 0 : i32
    return %c0_i32 : i32
  }
  func.func @transform_3(%arg0: i32) -> (i32, i32, i32) {
    %c0_i32 = arith.constant 0 : i32
    %c0_i32_0 = arith.constant 0 : i32
    %c0_i32_1 = arith.constant 0 : i32
    return %c0_i32, %arg0, %c0_i32_0 : i32, i32, i32
  }
}

</mosaic_0001>

<sc_bundles>
// kernel: kernel.5.cloned.1.call-start
scs
__scs_entry_jumppad:
0x0: {  	(pc) =	sbr.rel $0x88, $3  }
0x1: {  	(tag) =	ssettag $0x0;
	lr =	simm.s32 $0x1  }
0x2: {  	[smem:$0x3F99] =	sst lr;
	_ =	strace $0xD0000000  }
0x3: {  	_ = 	snop  }
0x4: {  	_ = 	snop  }
0x5: {  	_ = 	snop  }
0x6: {  	_ = 	snop  }
0x7: {  	_ = 	snop  }
__scs_overlays_trampoline_lowered:
0x8: {  	[smem:$0x3FA8] =	sst s0  }
0x9: {  	[smem:$0x3FA9] =	sst s1  }
0xa: {  	[smem:$0x3FAA] =	sst s2  }
0xb: {  	[smem:$0x3FAB] =	sst s3  }
0xc: {  	[smem:$0x3FAC] =	sst s4  }
0xd: {  	[smem:$0x3FAD] =	sst s5  }
0xe: {  	[smem:$0x3FAE] =	sst s6  }
0xf: {  	[smem:$0x3FAF] =	sst s7  }
0x10: {  	[smem:$0x3FB0] =	sst s8  }
0x11: {  	[smem:$0x3FB1] =	sst s9;
	s0 =	simm.s32 @!p0 $0x0  }
0x12: {  	s1 =	sld [smem:$0x3F97];
	s0 =	simm.s32 @p0 $0x1  }
0x13: {  	[smem:$0x3FB2] =	sst s0;
	s0 =	simm.s32 @!p1 $0x0  }
0x14: {  	s2 =	sld [smem:$0x3F96];
	s0 =	simm.s32 @p1 $0x1  }
0x15: {  	[smem:$0x3FB3] =	sst s0;
	s0 =	simm.s32 @!p2 $0x0  }
0x16: {  	s3 =	sld [smem:$0x3FDB];
	s0 =	simm.s32 @p2 $0x1  }
0x17: {  	s4 =	simm.s32 $0x1BF5;
	[smem:$0x3FB5] =	sst s0  }
0x18: {  	s0 =	sld [smem:$0x3F98];
	_ =	swait.ge [sflag:s4], $0x0  }
0x19: {  	s7 =	sld [smem:$0x3F99]  }
0x1a: {  	s8 =	sadd.s32 $0xFFFFE003, lr  }
0x1b: {  	s9 =	sadd.s32 $0xFFFFFEF7, lr;
	s5 =	simm.s32 $0xFFFFFFFF;
	p2 =	slt.u32 s8, $0xFFFFF086  }
0x1c: {  	p1 =	slt.u32 s9, $0xF7A;
	s5 =	simm.s32 @!p2 $0x0  }
0x1d: {  	s5 =	simm.s32 @p1 $0x1;
	p0 =	seq.s32 s7, s2  }
0x1e: {  	s7 =	smul.u32 @!p0 $0xF7A, s2;
	p2 =	seq.s32 @!p0 s5, $0x0  }
0x1f: {  	s9 =	smul.u32 $0xF7A, s1;
	s8 =	simm.s32 @!p0 $0x1BF5;
	p2 =	por !p2, p0  }
0x20: {  	[sflag:s8] =	ssyncset.s32 @!p0 $0xFFFFF086;
	s6 =	sadd.s32 @!p0 s3, s7;
	s7 =	simm.s32 @!p0 $0x108  }
0x21: {  	s3 =	sadd.s32 s3, s9;
	s6 =	sadd.s32 @!p0 $0x88, s6;
	s7 =	simm.s32 @p2 $0x1082  }
0x22: {  	[simem:s7], [sflag:s8] =	dma.local @!p0 [hbm:s6], $0xF7A  }
0x23: {  	s9 =	sor.u32 $0xD0000000, s2;
	s6 =	simm.s32 $0x108;
	_ =	swait.ge @!p0 [sflag:s8], $0x0  }
0x24: {  	s3 =	sadd.s32 $0x88, s3;
	s6 =	simm.s32 @!p1 $0x1082;
	[sflag:s4] =	ssyncset.s32 $0xFFFFF086  }
0x25: {  	[simem:s6], [sflag:s4] =	dma.local [hbm:s3], $0xF7A  }
0x26: {  	[smem:$0x3F99] =	sst s1;
	(tag) =	ssettag s2;
	_ =	strace s9  }
0x27: {  	s1 =	sld [smem:$0x3FA9]  }
0x28: {  	s2 =	sld [smem:$0x3FAA]  }
0x29: {  	s4 =	sld [smem:$0x3FAC]  }
0x2a: {  	p0 =	seq.s32 s5, $0x0;
	s5 =	sld [smem:$0x3FAD]  }
0x2b: {  	s6 =	sld [smem:$0x3FAE]  }
0x2c: {  	s7 =	sld [smem:$0x3FAF]  }
0x2d: {  	s3 =	simm.s32 $0x108;
	s8 =	sld [smem:$0x3FB0]  }
0x2e: {  	s3 =	simm.s32 @!p0 $0x1082;
	s9 =	sld [smem:$0x3FB1]  }
0x2f: {  	lr =	sadd.s32 s0, s3;
	s0 =	sld [smem:$0x3FA8]  }
0x30: {  	s3 =	sld [smem:$0x3FAB]  }
0x31: {  	[smem:$0x3FB4] =	sst s10  }
0x32: {  	s10 =	sld [smem:$0x3FB2];
	_ =	sdelay $0x3  }
0x33: {  	p0 =	seq.s32 s10, $0x1;
	s10 =	sld [smem:$0x3FB4];
	_ =	sdelay $0x3  }
0x34: {  	[smem:$0x3FB4] =	sst s10  }
0x35: {  	s10 =	sld [smem:$0x3FB3];
	_ =	sdelay $0x3  }
0x36: {  	p1 =	seq.s32 s10, $0x1;
	s10 =	sld [smem:$0x3FB4];
	_ =	sdelay $0x3  }
0x37: {  	[smem:$0x3FB4] =	sst s10  }
0x38: {  	s10 =	sld [smem:$0x3FB5]  }
0x39: {  	_ = 	snop;
	(pc) =	sbr.ind lr, $3  }
0x3a: {  	_ = 	snop  }
0x3b: {  	_ = 	snop  }
0x3c: {  	p2 =	seq.s32 s10, $0x1;
	s10 =	sld [smem:$0x3FB4]  }
0x3d: {  	_ =	shalt  }
0x3e: {  	_ =	shalt  }
0x3f: {  	_ =	shalt  }
0x40: {  	_ =	shalt  }
0x41: {  	_ =	shalt  }
0x42: {  	_ =	shalt  }
0x43: {  	_ =	shalt  }
0x44: {  	_ =	shalt  }
0x45: {  	_ =	shalt  }
0x46: {  	_ =	shalt  }
0x47: {  	_ =	shalt  }
0x48: {  	_ =	shalt  }
0x49: {  	_ =	shalt  }
0x4a: {  	_ =	shalt  }
0x4b: {  	_ =	shalt  }
0x4c: {  	_ =	shalt  }
0x4d: {  	_ =	shalt  }
0x4e: {  	_ =	shalt  }
0x4f: {  	_ =	shalt  }
0x50: {  	_ =	shalt  }
0x51: {  	_ =	shalt  }
0x52: {  	_ =	shalt  }
0x53: {  	_ =	shalt  }
0x54: {  	_ =	shalt  }
0x55: {  	_ =	shalt  }
0x56: {  	_ =	shalt  }
0x57: {  	_ =	shalt  }
0x58: {  	_ =	shalt  }
0x59: {  	_ =	shalt  }
0x5a: {  	_ =	shalt  }
0x5b: {  	_ =	shalt  }
0x5c: {  	_ =	shalt  }
0x5d: {  	_ =	shalt  }
0x5e: {  	_ =	shalt  }
0x5f: {  	_ =	shalt  }
0x60: {  	_ =	shalt  }
0x61: {  	_ =	shalt  }
0x62: {  	_ =	shalt  }
0x63: {  	_ =	shalt  }
0x64: {  	_ =	shalt  }
0x65: {  	_ =	shalt  }
0x66: {  	_ =	shalt  }
0x67: {  	_ =	shalt  }
0x68: {  	_ =	shalt  }
0x69: {  	_ =	shalt  }
0x6a: {  	_ =	shalt  }
0x6b: {  	_ =	shalt  }
0x6c: {  	_ =	shalt  }
0x6d: {  	_ =	shalt  }
0x6e: {  	_ =	shalt  }
0x6f: {  	_ =	shalt  }
0x70: {  	_ =	shalt  }
0x71: {  	_ =	shalt  }
0x72: {  	_ =	shalt  }
0x73: {  	_ =	shalt  }
0x74: {  	_ =	shalt  }
0x75: {  	_ =	shalt  }
0x76: {  	_ =	shalt  }
0x77: {  	_ =	shalt  }
0x78: {  	_ =	shalt  }
0x79: {  	_ =	shalt  }
0x7a: {  	_ =	shalt  }
0x7b: {  	_ =	shalt  }
0x7c: {  	_ =	shalt  }
0x7d: {  	_ =	shalt  }
0x7e: {  	_ =	shalt  }
0x7f: {  	_ =	shalt  }
0x80: {  	_ =	shalt  }
0x81: {  	_ =	shalt  }
0x82: {  	_ =	shalt  }
0x83: {  	_ =	shalt  }
0x84: {  	_ =	shalt  }
0x85: {  	_ =	shalt  }
0x86: {  	_ =	shalt  }
0x87: {  	_ =	shalt  }
.Lfunc_end0:
.L_simem_size_0:
called_computation_lowered:
.L_overlay_start_0:
0x88: {  	s2 =	sld [smem:$0x3FD9]  }
0x89: {  	s3 =	sld [smem:$0x3FFE];
	_ =	sdelay $0x1  }
0x8a: {  	s1 =	srdreg.scid  }
0x8b: {  	s0 =	sand.u32 $0x1, s1  }
0x8c: {  	s14 =	sshll.u32 s0, $0xA;
	s2 =	sadd.s32 s3, s2  }
0x8d: {  	s2 =	sadd.s32 s2, s14  }
0x8e: {  	[smem:$0x3FC0] =	sst s2  }
0x8f: {  	_ = 	snop  }
0x90: {  	s2 =	sld [smem:$0x3FD0];
	_ =	sdelay $0x2  }
0x91: {  	s15 =	simm.s32 $0xA;
	s4 =	simm.s32 $0x10  }
0x92: {  	[smem:s4], [sflag:s15] =	dma.local [hbm:s2], $0x1  }
0x93: {  	_ =	swait.eq [sflag:s15], $0x1  }
0x94: {  	[sflag:s15] =	ssyncset.done $0x0  }
0x95: {  	s16 =	sld [smem:$0x10];
	[sflag:s15] =	ssyncadd.s32 $0xFFFFFFFF  }
0x96: {  	s17 =	sld [smem:$0x11];
	(tm) =	ssettm $0x1  }
0x97: {  	s18 =	sld [smem:$0x3FFB];
	_ =	sdelay $0x3  }
0x98: {  	_ =	strace s18  }
0x99: {  	s4 =	sld [smem:$0x3FFC];
	_ =	sdelay $0x3  }
0x9a: {  	_ =	strace s4  }
0x9b: {  	s4 =	sld [smem:$0x3FFD];
	_ =	sdelay $0x3  }
0x9c: {  	_ =	strace s4  }
0x9d: {  	_ =	strace $0x8FFFFFFF  }
0x9e: {  	s19 =	sld [smem:$0x3FDB];
	_ =	sdelay $0x1  }
0x9f: {  	s5 =	simm.s32 $_scs_section_size  }
0xa0: {  	s6 =	simm.s32 $_size__tile_overlayer_lowered;
	s7 =	simm.s32 $_tile_overlayer_lowered  }
0xa1: {  	s22 =	simm.s32 $0x1BFF;
	s21 =	sshll.u32 s7, $0x1;
	s4 =	sadd.s32 s5, s19  }
0xa2: {  	s8 =	simm.s32 $0x0;
	s20 =	sshll.u32 s6, $0x1;
	s6 =	sadd.s32 s21, s4  }
0xa3: {  	[timem:s8], [sflag:s22] =	dma.local [hbm:s6], s20  }
0xa4: {  	_ =	swait.ge [sflag:s22], s20  }
0xa5: {  	s5 =	ssub.s32 $0x0, s20;
	[sflag:s22] =	ssyncset.done $0x0  }
0xa6: {  	[sflag:s22] =	ssyncadd.s32 s5;
	_ =	sdelay $0x1  }
0xa7: {  	s23 =	simm.s32 $0x1B8B  }
0xa8: {  	_ =	swait.ge [sflag:s23], $0x1  }
0xa9: {  	[sflag:s23] =	ssyncset.done $0x0  }
0xaa: {  	s25 =	simm.s32 $0x1B8E;
	s24 =	sld [smem:$0x3FFE];
	[sflag:s23] =	ssyncadd.s32 $0xFFFFFFFF  }
0xab: {  	s26 =	simm.s32 $execute0_lowered;
	[smem:$0x3FD2] =	sst s25  }
0xac: {  	s6 =	sshll.u32 s26, $0x1;
	_ =	strace $0x80000046;
	[dreg:$0x1] =	wrdreg $0xFFFFFFFF  }
0xad: {  	s28 =	simm.s32 $_size_execute0_lowered;
	s4 =	sadd.s32 s4, s6;
	[dreg:$0x0] =	wrdreg $0x0  }
0xae: {  	s6 =	sshll.u32 s28, $0x1;
	[dreg:$0x2] =	wrdreg s4  }
0xaf: {  	[dreg:$0x3] =	wrdreg s6  }
0xb0: {  	[dreg:$0x4] =	wrdreg $0xC0  }
0xb1: {  	_ =	task [dreg:s8], $0x5FFFF  }
0xb2: {  	[dreg:$0x1] =	wrdreg $0xFFFFFFFF  }
0xb3: {  	[dreg:$0x0] =	wrdreg $0x60  }
0xb4: {  	[dreg:$0x2] =	wrdreg s24  }
0xb5: {  	[dreg:$0x3] =	wrdreg s16  }
0xb6: {  	[dreg:$0x4] =	wrdreg s17  }
0xb7: {  	[dreg:$0x5] =	wrdreg $0x0  }
0xb8: {  	[dreg:$0x6] =	wrdreg $0x9  }
0xb9: {  	_ =	task.clear_ibuf [dreg:s8], $0x7FFFF;
	_ =	strace $0x90000046  }
0xba: {  	s29 =	simm.s32 $0x9;
	_ =	strace $0x80000048  }
0xbb: {  	_ =	swait.ge [sflag:s29], $0x1  }
0xbc: {  	[sflag:s29] =	ssyncadd.s32 $0xFFFFFFFF  }
0xbd: {  	_ =	strace $0x90000048  }
0xbe: {  	_ =	sfence  }
0xbf: {  	s30 =	sld [smem:$0x0];
	_ =	sdelay $0x2  }
0xc0: {  	s31 =	sshll.u32 s1, $0xD;
	s1 =	sshrl.u32 s1, $0x2  }
0xc1: {  	s3 =	sand.u32 $0x4000, s31;
	s1 =	sadd.s32 s1, s30  }
0xc2: {  	s0 =	sor.u32 s3, s0;
	s1 =	sshll.u32 s1, $0x11  }
0xc3: {  	s0 =	sor.u32 s1, s0  }
0xc4: {  	s0 =	sadd.s32 $0x8F2B, s0  }
0xc5: {  	[sflag:s0] =	ssyncadd.remote.s32 $0x1  }
0xc6: {  	_ =	sfence.sel $0xFFFF  }
0xc7: {  	[dreg:$0x0] =	wrdreg $0xFFFFFFFF;
	(pc) =	sbr.abs _section_cstart, $3  }
0xc8: {  	[dreg:$0x1] =	wrdreg $0xFFFFFFFF  }
0xc9: {  	_ =	task.clear_ibuf [dreg:s8], $0x2FFFF;
	_ =	strace $0x9FFFFFFF  }
0xca: {  	(tm) =	ssettm $0x7FFFFFFF  }
0xcb: {  	_ =	shalt  }
tec
execute0_lowered:
.L_overlay_start_1:
0x0: {  	(tag) =	ssettag $0x1  }
0x1: {  	s1 =	rddreg [dreg:$0x0]  }
0x2: {  	s13 =	rddreg [dreg:$0x1]  }
0x3: {  	s14 =	rddreg [dreg:$0x2]  }
0x4: {  	s3 =	rddreg [dreg:$0x3];
	s25 =	simm.s32 $0x0;
	s15 =	stileid.u32  }
0x5: {  	s0 =	srdreg.scid;
	s28 =	simm.s32 $0x7;
	s4 =	smul.u32 $0x28000, s15  }
0x6: {  	s30 =	simm.s32 $0x28;
	s31 =	simm.s32 $0x14900;
	s5 =	smul.u32 $0x50000, s15  }
0x7: {  	s29 =	simm.s32 $0x17100;
	[smem:$0x7FF] =	sst s25;
	s11 =	smul.u32 $0x280, s15  }
0x8: {  	s2 =	sand.u32 $0x1, s0;
	s6 =	sadd.s32 $0x2800, s1;
	s12 =	smul.u32 $0x6400, s15  }
0x9: {  	s8 =	sadd.s32 $0xA2800, s1;
	s9 =	sadd.s32 $0xF2800, s1;
	s20 =	smul.u32 $0x271000, s15  }
0xa: {  	s18 =	sshll.u32 s15, $0x6;
	s15 =	smul.u32 $0x2710, s15;
	_ =	strace $0x80000047  }
0xb: {  	s7 =	sshll.u32 s2, $0xA;
	s0 =	smul.u32 $0x2800, s2;
	s10 =	ssub.s32 $0x2, s2  }
0xc: {  	s22 =	sor.u32 $0x1C0C, s18;
	s4 =	sor.u32 s7, s4;
	s16 =	sshrl.u32 s10, $0x1  }
0xd: {  	s5 =	sshrl.u32 s5, $0x2;
	s19 =	sshrl.u32 s12, $0x3;
	s23 =	sor.u32 s7, s20  }
0xe: {  	s20 =	simm.s32 $0x6;
	[dreg:$0x6] =	wrdreg s22;
	s4 =	sshrl.u32 s4, $0x3  }
0xf: {  	s17 =	sadd.s32 s11, s0;
	s5 =	sadd.s32 s5, s3;
	s11 =	simm.s32 $0x800  }
0x10: {  	s1 =	sadd.s32 s4, s1;
	s4 =	ssub.s32 s10, s16;
	s10 =	sshll.u32 s17, $0x4  }
0x11: {  	s16 =	sadd.s32 $0x400, s12;
	s12 =	sadd.s32 $0x5000, s0;
	s17 =	sadd.s32 $0xFFFFFFD8, s15  }
0x12: {  	s10 =	sadd.s32 s6, s10;
	[dreg:$0x7] =	wrdreg s16;
	s21 =	sshrl.u32 s16, $0x3  }
0x13: {  	s16 =	smul.u32 $0x1388000, s2;
	s2 =	sshll.u32 s2, $0x7;
	s1 =	sadd.s32 $0x5D4800, s1  }
0x14: {  	s26 =	smax.u32 s4, $0x1;
	s4 =	sshrl.u32 s5, $0x3;
	[dreg:$0x5] =	wrdreg s10  }
0x15: {  	s5 =	simm.s32 $0xC;
	s10 =	sadd.s32 s13, s19;
	[dreg:$0xb] =	wrdreg s1  }
0x16: {  	s18 =	sadd.s32 s14, s2;
	[dreg:$0xc] =	wrdreg s26;
	s26 =	simm.s32 $0x5  }
0x17: {  	s19 =	simm.s32 $0x4;
	[dreg:$0x8] =	wrdreg s10;
	s10 =	sadd.s32 s13, s21  }
0x18: {  	s1 =	simm.s32 $0x9;
	[dreg:$0x9] =	wrdreg s10;
	s10 =	sadd.s32 $0x26E800, s23  }
0x19: {  	[dreg:$0xd] =	wrdreg s4;
	s21 =	simm.s32 $0x400;
	s24 =	sshrl.u32 s10, $0x3  }
0x1a: {  	s10 =	simm.s32 $0x0;
	s2 =	sadd.s32 s14, s24;
	s24 =	simm.s32 $0x15D00  }
0x1b: {  	v1 =	vmov s0;
	v0 =	vmov s12;
	s14 =	simm.s32 $0x2;
	[dreg:$0xa] =	wrdreg s2;
	s2 =	simm.s32 $0xB  }
.LBB2_1:
0x1c: {  	[dreg:$0xe] =	wrdreg s10  }
0x1d: {  	s0 =	rddreg [dreg:$0x5]  }
0x1e: {  	[spmem:s4], [sflag:s22] =	dma.local [hbm:s0], $0x2800  }
0x1f: {  	_ =	swait.ge [sflag:s5], $0x2800  }
0x20: {  	[sflag:s5] =	ssyncset.done $0x0  }
0x21: {  	[sflag:s5] =	ssyncadd.s32 $0xFFFFD800  }
0x22: {  	[bflag:$0x0] =	sbarrier.arrive $0xFFFF  }
0x23: {  	s12 =	simm.s32 $0x14000;
	s10 =	rddreg [dreg:$0x8]  }
0x24: {  	[tilespmem:s12], [sflag:$0xC] =	stream.linear.gather [hbm4b:s10+s25], $0x400, $0x38;
	[tilespmem:$0x1E900] =	vst v63  }
0x25: {  	_ =	swait.ge [sflag:s5], $0x400  }
0x26: {  	s13 =	sand.u32 $0x70, s25;
	s22 =	sand.u32 $0x300, s25;
	[sflag:s5] =	ssyncset.done $0x0  }
0x27: {  	s4 =	sor.u32 s13, s22;
	[sflag:s5] =	ssyncadd.s32 $0xFFFFFC00  }
0x28: {  	v2 =	vld [tilespmem:s4+$0x14000];
	_ =	sdelay $0x4  }
0x29: {  	s0 =	simm.s32 $0x14400;
	v2 =	vadd.s32 v0, v2  }
0x2a: {  	[tilespmem:s0+$0x0] =	vst v2  }
0x2b: {  	v2 =	vld [tilespmem:s4+$0x14080];
	_ =	sdelay $0x2  }
0x2c: {  	s23 =	simm.s32 $0x10  }
0x2d: {  	s13 =	sand.u32 $0x70, s23;
	s12 =	simm.s32 $0x20;
	s10 =	simm.s32 $0x20  }
0x2e: {  	s22 =	sand.u32 $0x300, s10;
	s5 =	simm.s32 $0x14600;
	s4 =	simm.s32 $0x14610;
	v2 =	vadd.s32 v1, v2  }
.LBB2_2:
0x2f: {  	s13 =	sor.u32 s13, s22;
	s0 =	sadd.s32 $0x10, s0  }
0x30: {  	[tilespmem:s5+$0x0] =	vst v2;
	s22 =	smov.u32 s12;
	s23 =	sadd.s32 $0x10, s12;
	s5 =	smov.u32 s4  }
0x31: {  	p0 =	sne.s32 s12, $0x180;
	v2 =	vld [tilespmem:s13+$0x14000];
	_ =	sdelay $0x4  }
0x32: {  	v2 =	vadd.s32 v0, v2  }
0x33: {  	[tilespmem:s0+$0x0] =	vst v2  }
0x34: {  	v2 =	vld [tilespmem:s13+$0x14080]  }
.Ltmp0:
0x35: {  	(pc) =	sbr.rel @p0 .LBB2_2-.Ltmp0, $3  }
0x36: {  	_ =	sdelay $0x1  }
0x37: {  	s10 =	sadd.s32 $0x20, s10;
	s4 =	sadd.s32 $0x10, s4  }
0x38: {  	s12 =	smov.u32 s23;
	s13 =	sand.u32 $0x70, s22;
	s22 =	sand.u32 $0x300, s10;
	v2 =	vadd.s32 v1, v2  }
0x39: {  	s10 =	sor.u32 s13, s22;
	[tilespmem:s5+$0x0] =	vst v2  }
0x3a: {  	v2 =	vld [tilespmem:s10+$0x14000];
	_ =	sdelay $0x4  }
0x3b: {  	s0 =	sadd.s32 $0x10, s0;
	v2 =	vadd.s32 v0, v2  }
0x3c: {  	[tilespmem:s0+$0x0] =	vst v2  }
0x3d: {  	v2 =	vld [tilespmem:s10+$0x14080];
	_ =	sdelay $0x4  }
0x3e: {  	v2 =	vadd.s32 v1, v2  }
0x3f: {  	s12 =	simm.s32 $0x0;
	s22 =	rddreg [dreg:$0x9];
	s23 =	simm.s32 $0x14000;
	[tilespmem:s4+$0x0] =	vst v2  }
0x40: {  	[tilespmem:s23], [sflag:$0x1] =	stream.linear.gather [hbm4b:s22+s12], $0x400, $0x38;
	[tilespmem:$0x1E900] =	vst v63  }
.LBB2_4:
0x41: {  	p0 =	seq.s32 s12, $0x0  }
0x42: {  	s4 =	smul.u32 @!p0 $0xFFFFFFCD, s12;
	_ =	sdelay $0x1  }
0x43: {  	s4 =	sand.u32 @!p0 $0xFF, s4  }
0x44: {  	s0 =	simm.s32 @!p0 $0x8;
	p1 =	sgt.u32 @!p0 s4, $0x33  }
0x45: {  	_ =	swait.ge @!p0 [sflag:s0], $0x1400;
	p1 =	por p0, p1  }
.Ltmp1:
0x46: {  	[sflag:s0] =	ssyncset.done @!p0 $0x0;
	(pc) =	sbr.rel @!p1 .LBB2_6-.Ltmp1, $4  }
0x47: {  	[sflag:s0] =	ssyncadd.s32 @!p0 $0xFFFFEC00;
	s0 =	simm.s32 @!p0 $0xA  }
0x48: {  	_ =	swait.ge @!p0 [sflag:s0], $0x1400  }
0x49: {  	[sflag:s0] =	ssyncset.done @!p0 $0x0  }
0x4a: {  	[sflag:s0] =	ssyncadd.s32 @!p0 $0xFFFFEC00  }
.Ltmp2:
0x4b: {  	(pc) =	sbr.rel .LBB2_9-.Ltmp2, $3  }
0x4c: {  	_ =	sdelay $0x1  }
0x4d: {  	p2 =	por @!p0 $0x1, $0x1;
	p1 =	por $0x0, $0x0  }
0x4e: {  	p1 =	por @!p0 p2, p2  }
.LBB2_6:
0x4f: {  	s0 =	simm.s32 $0x3  }
0x50: {  	_ =	swait.ge [sflag:s0], $0x1400  }
0x51: {  	[sflag:s0] =	ssyncset.done $0x0  }
0x52: {  	[sflag:s0] =	ssyncadd.s32 $0xFFFFEC00  }
0x53: {  	_ =	swait.ge [sflag:s26], $0x1400  }
0x54: {  	[sflag:s26] =	ssyncset.done $0x0  }
0x55: {  	[sflag:s26] =	ssyncadd.s32 $0xFFFFEC00  }
0x56: {  	_ =	swait.ge [sflag:s28], $0x1400  }
0x57: {  	[sflag:s28] =	ssyncset.done $0x0  }
0x58: {  	s5 =	simm.s32 $0x1;
	[sflag:s28] =	ssyncadd.s32 $0xFFFFEC00  }
0x59: {  	s23 =	simm.s32 $0x0;
	_ =	swait.ge [sflag:s5], $0x400  }
0x5a: {  	s4 =	sand.u32 $0x70, s23;
	s0 =	sand.u32 $0x300, s23;
	[sflag:s5] =	ssyncset.done $0x0  }
0x5b: {  	s4 =	sor.u32 s4, s0;
	[sflag:s5] =	ssyncadd.s32 $0xFFFFFC00  }
0x5c: {  	v2 =	vld [tilespmem:s4+$0x14000];
	_ =	sdelay $0x4  }
0x5d: {  	s0 =	simm.s32 $0x14400;
	v2 =	vadd.s32 v0, v2  }
0x5e: {  	[tilespmem:s0+$0x0] =	vst v2  }
0x5f: {  	v2 =	vld [tilespmem:s4+$0x14080];
	_ =	sdelay $0x1  }
0x60: {  	s5 =	smul.u32 @!p0 $0xCD, s12  }
0x61: {  	s10 =	simm.s32 $0x14600;
	s25 =	simm.s32 $0x10;
	s13 =	simm.s32 $0x20  }
0x62: {  	s22 =	simm.s32 $0x20;
	s29 =	sand.u32 $0x300, s13;
	s4 =	sshrl.u32 @!p0 s5, $0xA  }
0x63: {  	s23 =	sand.u32 $0x70, s25;
	s5 =	simm.s32 $0x14610;
	s4 =	sand.u32 @!p0 $0x3F, s4;
	v2 =	vadd.s32 v1, v2  }
.LBB2_7:
0x64: {  	s23 =	sor.u32 s23, s29;
	s0 =	sadd.s32 $0x10, s0  }
0x65: {  	[tilespmem:s10+$0x0] =	vst v2;
	s29 =	smov.u32 s22;
	s25 =	sadd.s32 $0x10, s22;
	s10 =	smov.u32 s5  }
0x66: {  	p1 =	sne.s32 s22, $0x180;
	v2 =	vld [tilespmem:s23+$0x14000];
	_ =	sdelay $0x4  }
0x67: {  	v2 =	vadd.s32 v0, v2  }
0x68: {  	[tilespmem:s0+$0x0] =	vst v2  }
0x69: {  	v2 =	vld [tilespmem:s23+$0x14080]  }
.Ltmp3:
0x6a: {  	(pc) =	sbr.rel @p1 .LBB2_7-.Ltmp3, $3  }
0x6b: {  	_ =	sdelay $0x1  }
0x6c: {  	s13 =	sadd.s32 $0x20, s13;
	s5 =	sadd.s32 $0x10, s5  }
0x6d: {  	s22 =	smov.u32 s25;
	s23 =	sand.u32 $0x70, s29;
	s29 =	sand.u32 $0x300, s13;
	v2 =	vadd.s32 v1, v2  }
0x6e: {  	s13 =	sor.u32 s23, s29;
	[tilespmem:s10+$0x0] =	vst v2  }
0x6f: {  	v2 =	vld [tilespmem:s13+$0x14000];
	_ =	sdelay $0x4  }
0x70: {  	s0 =	sadd.s32 $0x10, s0;
	v2 =	vadd.s32 v0, v2  }
0x71: {  	[tilespmem:s0+$0x0] =	vst v2  }
0x72: {  	v2 =	vld [tilespmem:s13+$0x14080];
	_ =	sdelay $0x1  }
0x73: {  	p2 =	sgt.u32 s12, $0x77;
	p1 =	por $0x0, $0x0  }
0x74: {  	s25 =	simm.s32 $0x0;
	s0 =	sshll.u32 @!p2 s4, $0xA;
	s4 =	rddreg [dreg:$0x7]  }
0x75: {  	s29 =	simm.s32 $0x17100;
	p3 =	por @!p2 $0x0, $0x0;
	s0 =	sadd.s32 @!p2 s0, s4  }
0x76: {  	p1 =	por @!p2 p3, p3;
	s4 =	rddreg [dreg:$0x1];
	s0 =	sshrl.u32 @!p2 s0, $0x3;
	v2 =	vadd.s32 v1, v2  }
0x77: {  	s0 =	sadd.s32 @!p2 s4, s0;
	s4 =	simm.s32 @!p2 $0x0;
	[tilespmem:s5+$0x0] =	vst v2;
	s5 =	simm.s32 @!p2 $0x14000  }
0x78: {  	[tilespmem:s5], [sflag:$0x1] =	stream.linear.gather @!p2 [hbm4b:s0+s4], $0x400, $0x38;
	[tilespmem:$0x1E900] =	vst v63  }
.LBB2_9:
0x79: {  	s4 =	sshll.u32 s12, $0x1  }
0x7a: {  	s0 =	smulhi.u32 $0x66666667, s4;
	_ =	sdelay $0x1  }
0x7b: {  	s0 =	sshrl.u32 s0, $0x2  }
0x7c: {  	s0 =	smul.u32 $0xA, s0;
	_ =	sdelay $0x1  }
0x7d: {  	s0 =	ssub.s32 s4, s0  }
0x7e: {  	s5 =	smul.u32 $0x28, s0;
	_ =	sdelay $0x1  }
0x7f: {  	s0 =	sor.u32 $0x14400, s5  }
0x80: {  	v2 =	vld [tilespmem:s0+$0x0];
	_ =	sdelay $0x4  }
0x81: {  	v2 =	vsub.s32 v2, v0  }
0x82: {  	[tilespmem:$0x14800] =	vst v2  }
0x83: {  	v2 =	vld [tilespmem:s5+$0x14410];
	_ =	sdelay $0x4  }
0x84: {  	v2 =	vsub.s32 v2, v0  }
0x85: {  	[tilespmem:$0x14810] =	vst v2  }
0x86: {  	v2 =	vld [tilespmem:s5+$0x14418];
	_ =	sdelay $0x4  }
0x87: {  	v2 =	vsub.s32 v2, v0  }
0x88: {  	s10 =	smul.u32 $0x50, s12;
	[tilespmem:$0x14818] =	vst v2  }
0x89: {  	[tilespmem:s31], [sflag:$0x2] =	stream.indirect.gather [hbm4b:s6+s30], $0x80, s0, s30, $0xb8;
	[tilespmem:$0x1E900] =	vst v63  }
0x8a: {  	s0 =	sadd.s32 s15, s10  }
0x8b: {  	s5 =	sadd.s32 $0x14600, s5;
	s23 =	sshll.u32 s0, $0x7  }
0x8c: {  	[tilespmem:s29], [sflag:$0x4] =	stream.indirect.gather [hbm4b:s8+s30], $0x80, s5, s30, $0xb8;
	[tilespmem:$0x1E900] =	vst v63  }
0x8d: {  	s5 =	sadd.s32 s16, s23  }
0x8e: {  	s5 =	sshrl.u32 s5, $0x3  }
0x8f: {  	s13 =	simm.s32 $0x19900;
	s5 =	sadd.s32 s9, s5  }
0x90: {  	[tilespmem:s13], [sflag:$0x6] =	stream.linear.gather [hbm4b:s5+s25], $0x1400, $0x38;
	[tilespmem:$0x1E900] =	vst v63  }
0x91: {  	s5 =	simm.s32 @p1 $0x3  }
0x92: {  	_ =	swait.ge @p1 [sflag:s5], $0x1400  }
0x93: {  	[sflag:s5] =	ssyncset.done @p1 $0x0  }
0x94: {  	[sflag:s5] =	ssyncadd.s32 @p1 $0xFFFFEC00;
	s5 =	simm.s32 @p1 $0x5  }
0x95: {  	_ =	swait.ge @p1 [sflag:s5], $0x1400  }
.Ltmp4:
0x96: {  	[sflag:s5] =	ssyncset.done @p1 $0x0;
	(pc) =	sbr.rel @p0 .LBB2_10-.Ltmp4, $4  }
0x97: {  	[sflag:s5] =	ssyncadd.s32 @p1 $0xFFFFEC00;
	s5 =	simm.s32 @p1 $0x7  }
0x98: {  	_ =	swait.ge @p1 [sflag:s5], $0x1400  }
0x99: {  	[sflag:s5] =	ssyncset.done @p1 $0x0  }
0x9a: {  	[sflag:s5] =	ssyncadd.s32 @p1 $0xFFFFEC00  }
0x9b: {  	s13 =	simm.s32 $0x0  }
0x9c: {  	v3 =	vld [tilespmem:s13+$0x15D50]  }
0x9d: {  	v2 =	vld [tilespmem:s13+$0x15D40]  }
0x9e: {  	v4 =	vld [tilespmem:s13+$0x1AD10]  }
0x9f: {  	v5 =	vld [tilespmem:s13+$0x1AD20]  }
0xa0: {  	v6 =	vld [tilespmem:s13+$0x15D70]  }
0xa1: {  	v7 =	vld [tilespmem:s13+$0x18530]  }
0xa2: {  	v8 =	vld [tilespmem:s13+$0x18520]  }
0xa3: {  	v9 =	vld [tilespmem:s13+$0x1AD00]  }
0xa4: {  	v11 =	vld [tilespmem:s13+$0x18510]  }
0xa5: {  	v10 =	vld [tilespmem:s13+$0x1AD30]  }
0xa6: {  	v12 =	vld [tilespmem:s13+$0x18500]  }
0xa7: {  	v13 =	vld [tilespmem:s13+$0x15D30];
	v14 =	vshll.u32 v8, $0x10  }
0xa8: {  	v18 =	vld [tilespmem:s13+$0x15D20];
	v15 =	vand.u32 $0xFFFF0000, v4;
	v16 =	vand.u32 $0xFFFF0000, v7;
	v8 =	vand.u32 $0xFFFF0000, v8  }
0xa9: {  	v17 =	vld [tilespmem:s13+$0x15D00];
	v21 =	vand.u32 $0xFFFF0000, v11;
	v11 =	vshll.u32 v11, $0x10;
	v2 =	vadd.f32 v14, v2  }
0xaa: {  	v19 =	vld [tilespmem:s13+$0x15D10];
	v4 =	vshll.u32 v4, $0x10;
	v6 =	vadd.f32 v16, v6;
	v16 =	vshll.u32 v5, $0x10  }
0xab: {  	v14 =	vand.u32 $0xFFFF0000, v10;
	v3 =	vadd.f32 v8, v3;
	v16 =	vadd.f32 v16, v2  }
0xac: {  	v13 =	vadd.f32 v21, v13;
	v5 =	vand.u32 $0xFFFF0000, v5;
	v6 =	vadd.f32 v14, v6  }
0xad: {  	v8 =	vshll.u32 v12, $0x10;
	v11 =	vadd.f32 v11, v18;
	v3 =	vadd.f32 v5, v3;
	[tilespmem:s13+$0x15D40] =	vst v16  }
0xae: {  	v12 =	vand.u32 $0xFFFF0000, v12;
	v8 =	vadd.f32 v8, v17;
	v13 =	vadd.f32 v15, v13;
	[tilespmem:s13+$0x15D70] =	vst v6  }
0xaf: {  	v20 =	vshll.u32 v9, $0x10;
	v12 =	vadd.f32 v12, v19;
	v4 =	vadd.f32 v4, v11;
	[tilespmem:s13+$0x15D50] =	vst v3  }
0xb0: {  	v9 =	vand.u32 $0xFFFF0000, v9;
	v8 =	vadd.f32 v20, v8;
	[tilespmem:s13+$0x15D30] =	vst v13;
	v3 =	vsub.f32 $0.0e+00, v3  }
0xb1: {  	v9 =	vadd.f32 v9, v12;
	[tilespmem:s13+$0x15D20] =	vst v4;
	v11 =	vsub.f32 $0.0e+00, v13  }
0xb2: {  	v5 =	vld [tilespmem:s13+$0x15D60];
	[tilespmem:s13+$0x15D00] =	vst v8;
	v3 =	vmul.f32 $1.442695020e+00, v3  }
0xb3: {  	s22 =	simm.s32 $0x80;
	v12 =	vld [tilespmem:s13+$0x18550];
	v4 =	vsub.f32 $0.0e+00, v4;
	[tilespmem:s13+$0x15D10] =	vst v9;
	v11 =	vmul.f32 $1.442695020e+00, v11  }
0xb4: {  	v13 =	vld [tilespmem:s22+$0x15D50];
	(erf) = vpow2.f32 v3  }
0xb5: {  	v14 =	vld [tilespmem:s22+$0x15D30];
	v3 =	vmul.f32 $1.442695020e+00, v4;
	(erf) = vpow2.f32 v11  }
0xb6: {  	v6 =	vsub.f32 $0.0e+00, v6;
	v15 =	vld [tilespmem:s22+$0x15D70];
	v4 =	vshll.u32 v7, $0x10  }
0xb7: {  	v8 =	vsub.f32 $0.0e+00, v8;
	v7 =	vld [tilespmem:s22+$0x1AD10];
	v4 =	vadd.f32 v4, v5;
	(erf) = vpow2.f32 v3  }
0xb8: {  	v6 =	vmul.f32 $1.442695020e+00, v6;
	v11 =	vld [tilespmem:s22+$0x15D40];
	v3 =	vshll.u32 v10, $0x10  }
0xb9: {  	v8 =	vmul.f32 $1.442695020e+00, v8;
	v5 =	vld [tilespmem:s22+$0x1AD20];
	v3 =	vadd.f32 v3, v4  }
0xba: {  	v10 =	vsub.f32 $0.0e+00, v16;
	v16 =	vld [tilespmem:s22+$0x18530];
	(erf) = vpow2.f32 v6  }
0xbb: {  	v17 =	vshll.u32 v12, $0x10;
	v4 =	vsub.f32 $0.0e+00, v9;
	v9 =	vld [tilespmem:s22+$0x1AD00];
	[tilespmem:s13+$0x15D60] =	vst v3  }
0xbc: {  	v18 =	vand.u32 $0xFFFF0000, v12;
	v10 =	vmul.f32 $1.442695020e+00, v10;
	v3 =	vsub.f32 $0.0e+00, v3;
	v6 =	vld [tilespmem:s22+$0x1AD30]  }
0xbd: {  	(erf) = vpow2.f32 v8;
	v4 =	vmul.f32 $1.442695020e+00, v4;
	v19 =	vand.u32 $0xFFFF0000, v7;
	v12 =	vld [tilespmem:s22+$0x18520];
	v8 =	vpop (erf)  }
0xbe: {  	v57 =	vld [tilespmem:s22+$0x15D10];
	v58 =	vshll.u32 v5, $0x10;
	v5 =	vand.u32 $0xFFFF0000, v5;
	v3 =	vmul.f32 $1.442695020e+00, v3;
	v20 =	vpop (erf)  }
0xbf: {  	v23 =	vld [tilespmem:s22+$0x15D00];
	v22 =	vand.u32 $0xFFFF0000, v16;
	(erf) = vpow2.f32 v4;
	v4 =	vadd.f32 $1.000000000e+00, v20  }
0xc0: {  	v15 =	vadd.f32 v22, v15;
	v24 =	vshll.u32 v9, $0x10;
	(erf) = vpow2.f32 v10;
	v10 =	vld [tilespmem:s22+$0x18500];
	v56 =	vpop (erf)  }
0xc1: {  	v8 =	vadd.f32 $1.000000000e+00, v8;
	v20 =	vld [tilespmem:s22+$0x18510];
	v21 =	vadd.f32 $1.000000000e+00, v56;
	(erf) = vrcp.f32 v4  }
0xc2: {  	v4 =	vshll.u32 v6, $0x10;
	v6 =	vand.u32 $0xFFFF0000, v6;
	(erf) = vpow2.f32 v3  }
0xc3: {  	v60 =	vpop (erf);
	v3 =	vshll.u32 v12, $0x10;
	v12 =	vand.u32 $0xFFFF0000, v12;
	v61 =	vadd.f32 v6, v15  }
0xc4: {  	v15 =	vadd.f32 $1.000000000e+00, v60;
	v11 =	vadd.f32 v3, v11;
	(erf) = vrcp.f32 v21  }
0xc5: {  	v12 =	vadd.f32 v12, v13;
	v13 =	vand.u32 $0xFFFF0000, v10;
	v10 =	vshll.u32 v10, $0x10  }
0xc6: {  	v25 =	vld [tilespmem:s22+$0x15D20];
	v59 =	vand.u32 $0xFFFF0000, v20;
	v13 =	vadd.f32 v13, v57;
	v10 =	vadd.f32 v10, v23  }
0xc7: {  	v9 =	vand.u32 $0xFFFF0000, v9;
	v6 =	vpop (erf);
	v14 =	vadd.f32 v59, v14;
	v5 =	vadd.f32 v5, v12  }
0xc8: {  	(erf) = vrcp.f32 v8;
	v11 =	vadd.f32 v58, v11;
	v8 =	vpop (erf);
	v9 =	vadd.f32 v9, v13  }
0xc9: {  	v2 =	vld [tilespmem:s13+$0x18560];
	v14 =	vadd.f32 v19, v14;
	v19 =	vshll.u32 v20, $0x10;
	v20 =	vpop (erf);
	[tilespmem:s22+$0x15D50] =	vst v5;
	v5 =	vsub.f32 $0.0e+00, v5  }
0xca: {  	[tilespmem:s22+$0x15D70] =	vst v61;
	v12 =	vadd.f32 v24, v10;
	(erf) = vrcp.f32 v15;
	v13 =	vadd.f32 $1.000000000e+00, v20  }
0xcb: {  	[tilespmem:s22+$0x15D40] =	vst v11;
	v15 =	vadd.f32 v19, v25;
	v20 =	vmul.f32 $1.442695020e+00, v5;
	v10 =	vpop (erf)  }
0xcc: {  	v7 =	vshll.u32 v7, $0x10;
	v62 =	vld [tilespmem:s22+$0x15D60];
	[tilespmem:s22+$0x15D00] =	vst v12;
	(erf) = vrcp.f32 v13;
	v10 =	vmul.f32 v18, v10  }
0xcd: {  	v3 =	vld [tilespmem:s22+$0x18560];
	[tilespmem:s22+$0x15D30] =	vst v14;
	v13 =	vadd.f32 v7, v15;
	v18 =	vsub.f32 $0.0e+00, v14  }
0xce: {  	v11 =	vsub.f32 $0.0e+00, v11;
	v19 =	vshll.u32 v16, $0x10;
	v7 =	vld [tilespmem:s13+$0x18570];
	v16 =	vpop (erf);
	(erf) = vpow2.f32 v20;
	[tilespmem:s13+$0x1D530] =	vst v10  }
0xcf: {  	v14 =	vadd.f32 $1.000000000e+00, v16;
	v5 =	vpop (erf);
	v63 =	vsub.f32 $0.0e+00, v13;
	v16 =	vmul.f32 $1.442695020e+00, v18;
	[tilespmem:s22+$0x15D20] =	vst v13  }
0xd0: {  	v15 =	vsub.f32 $0.0e+00, v9;
	v10 =	vmul.f32 $1.442695020e+00, v11;
	v5 =	vmul.f32 v17, v5;
	[tilespmem:s22+$0x15D10] =	vst v9  }
0xd1: {  	s23 =	simm.s32 $0x400;
	v17 =	vsub.f32 $0.0e+00, v61;
	v13 =	vadd.f32 v19, v62;
	v18 =	vmul.f32 $1.442695020e+00, v63;
	v9 =	vpop (erf);
	v11 =	vld [tilespmem:s13+$0x18540]  }
.LBB2_12:
0xd2: {  	s5 =	sshra.s32 s23, $0x2;
	p0 =	sne.s32 s23, $0x4E00;
	s23 =	sadd.s32 $0x200, s23;
	v19 =	vld [tilespmem:s22+$0x18550];
	v15 =	vmul.f32 $1.442695020e+00, v15;
	(erf) = vpow2.f32 v16;
	v6 =	vadd.f32 $1.000000000e+00, v6  }
0xd3: {  	v23 =	vadd.f32 $1.000000000e+00, v8;
	v16 =	vld [tilespmem:s5+$0x15D50];
	(erf) = vpow2.f32 v18;
	v18 =	vand.u32 $0xFFFF0000, v7;
	v20 =	vpop (erf)  }
0xd4: {  	v12 =	vsub.f32 $0.0e+00, v12;
	v17 =	vmul.f32 $1.442695020e+00, v17;
	v21 =	vld [tilespmem:s5+$0x15D30];
	(erf) = vrcp.f32 v6  }
0xd5: {  	v6 =	vmul.f32 v18, v20;
	v22 =	vld [tilespmem:s5+$0x15D40];
	(erf) = vrcp.f32 v23;
	v8 =	vpop (erf)  }
0xd6: {  	v12 =	vmul.f32 $1.442695020e+00, v12;
	v18 =	vld [tilespmem:s5+$0x1AD10];
	(erf) = vrcp.f32 v14  }
0xd7: {  	v7 =	vshll.u32 v7, $0x10;
	v14 =	vld [tilespmem:s5+$0x1AD20];
	(erf) = vpow2.f32 v17;
	v17 =	vshll.u32 v2, $0x10;
	[tilespmem:s13+$0x1D570] =	vst v6  }
0xd8: {  	v24 =	vadd.f32 v4, v13;
	v6 =	vld [tilespmem:s5+$0x15D70];
	(erf) = vpow2.f32 v12;
	v8 =	vmul.f32 v17, v8  }
0xd9: {  	v13 =	vshll.u32 v11, $0x10;
	v11 =	vand.u32 $0xFFFF0000, v11;
	v17 =	vand.u32 $0xFFFF0000, v2;
	v2 =	vmovc v3;
	v12 =	vld [tilespmem:s5+$0x18530]  }
0xda: {  	v28 =	vsub.f32 $0.0e+00, v24;
	v23 =	vshll.u32 v19, $0x10;
	v19 =	vand.u32 $0xFFFF0000, v19;
	v20 =	vld [tilespmem:s5+$0x1AD00];
	[tilespmem:s22+$0x15D60] =	vst v24;
	v4 =	vpop (erf)  }
0xdb: {  	v24 =	vand.u32 $0xFFFF0000, v18;
	v25 =	vld [tilespmem:s5+$0x1AD30];
	v26 =	vadd.f32 $1.000000000e+00, v4;
	(erf) = vpow2.f32 v15;
	v4 =	vpop (erf);
	[tilespmem:s13+$0x1D540] =	vst v8  }
0xdc: {  	v9 =	vmul.f32 v17, v9;
	v15 =	vshll.u32 v18, $0x10;
	v8 =	vld [tilespmem:s5+$0x18520];
	v29 =	vadd.f32 $1.000000000e+00, v4;
	v18 =	vpop (erf)  }
0xdd: {  	v27 =	vmul.f32 $1.442695020e+00, v28;
	v17 =	vld [tilespmem:s5+$0x18510];
	v18 =	vadd.f32 $1.000000000e+00, v18;
	(erf) = vpow2.f32 v10;
	v3 =	vpop (erf)  }
0xde: {  	v10 =	vld [tilespmem:s5+$0x18500];
	v30 =	vand.u32 $0xFFFF0000, v12;
	(erf) = vrcp.f32 v29;
	v13 =	vmul.f32 v13, v3;
	[tilespmem:s13+$0x1D550] =	vst v9;
	v4 =	vpop (erf)  }
0xdf: {  	v3 =	vld [tilespmem:s5+$0x18560];
	v9 =	vadd.f32 v30, v6;
	(erf) = vpow2.f32 v27;
	v11 =	vmul.f32 v11, v4;
	[tilespmem:s13+$0x1D520] =	vst v5;
	v5 =	vpop (erf)  }
0xe0: {  	v27 =	vld [tilespmem:s5+$0x15D10];
	v4 =	vshll.u32 v25, $0x10;
	v25 =	vand.u32 $0xFFFF0000, v25;
	v28 =	vpop (erf);
	[tilespmem:s13+$0x1D500] =	vst v13;
	v5 =	vmul.f32 v7, v5  }
0xe1: {  	v29 =	vshll.u32 v20, $0x10;
	v7 =	vld [tilespmem:s5+$0x15D00];
	v13 =	vand.u32 $0xFFFF0000, v8;
	v6 =	vpop (erf);
	(erf) = vrcp.f32 v18;
	[tilespmem:s13+$0x1D510] =	vst v11  }
0xe2: {  	v11 =	vshll.u32 v14, $0x10;
	v13 =	vadd.f32 v13, v16;
	v16 =	vadd.f32 $1.000000000e+00, v28;
	[tilespmem:s13+$0x1D560] =	vst v5;
	s13 =	smov.u32 s22;
	s22 =	smov.u32 s5  }
0xe3: {  	v30 =	vshll.u32 v8, $0x10;
	v18 =	vand.u32 $0xFFFF0000, v17;
	v5 =	vshll.u32 v10, $0x10  }
0xe4: {  	v20 =	vand.u32 $0xFFFF0000, v20;
	v22 =	vadd.f32 v30, v22;
	v10 =	vand.u32 $0xFFFF0000, v10;
	v28 =	vld [tilespmem:s22+$0x15D20];
	v8 =	vpop (erf)  }
0xe5: {  	v17 =	vshll.u32 v17, $0x10;
	v18 =	vadd.f32 v18, v21;
	v27 =	vadd.f32 v10, v27  }
0xe6: {  	v5 =	vadd.f32 v5, v7;
	v7 =	vadd.f32 v11, v22;
	v11 =	vpop (erf);
	(erf) = vrcp.f32 v26  }
0xe7: {  	v9 =	vadd.f32 v25, v9;
	v21 =	vand.u32 $0xFFFF0000, v14;
	v20 =	vadd.f32 v20, v27;
	v10 =	vpop (erf)  }
0xe8: {  	v13 =	vadd.f32 v21, v13;
	v11 =	vadd.f32 $1.000000000e+00, v11;
	[tilespmem:s22+$0x15D40] =	vst v7;
	v14 =	vpop (erf);
	(erf) = vrcp.f32 v16  }
0xe9: {  	v22 =	vshll.u32 v12, $0x10;
	v21 =	vld [tilespmem:s22+$0x15D60];
	v16 =	vadd.f32 v17, v28;
	v17 =	vadd.f32 v24, v18;
	[tilespmem:s22+$0x15D70] =	vst v9  }
0xea: {  	v12 =	vadd.f32 v29, v5;
	v5 =	vsub.f32 $0.0e+00, v13;
	[tilespmem:s22+$0x15D50] =	vst v13;
	v18 =	vpop (erf);
	(erf) = vrcp.f32 v11  }
.Ltmp5:
0xeb: {  	v10 =	vmul.f32 v19, v10;
	v11 =	vadd.f32 v15, v16;
	v13 =	vsub.f32 $0.0e+00, v17;
	[tilespmem:s22+$0x15D30] =	vst v17;
	(pc) =	sbr.rel @p0 .LBB2_12-.Ltmp5, $4  }
0xec: {  	v14 =	vadd.f32 $1.000000000e+00, v14;
	v19 =	vmul.f32 $1.442695020e+00, v5;
	v17 =	vsub.f32 $0.0e+00, v7;
	[tilespmem:s22+$0x15D00] =	vst v12;
	v7 =	vld [tilespmem:s13+$0x18570]  }
0xed: {  	v15 =	vsub.f32 $0.0e+00, v20;
	v24 =	vsub.f32 $0.0e+00, v11;
	v16 =	vmul.f32 $1.442695020e+00, v13;
	[tilespmem:s13+$0x1D530] =	vst v10  }
0xee: {  	v5 =	vmul.f32 v23, v18;
	v10 =	vmul.f32 $1.442695020e+00, v17;
	v13 =	vadd.f32 v22, v21;
	[tilespmem:s22+$0x15D20] =	vst v11  }
0xef: {  	v17 =	vsub.f32 $0.0e+00, v9;
	v18 =	vmul.f32 $1.442695020e+00, v24;
	[tilespmem:s22+$0x15D10] =	vst v20;
	(erf) = vpow2.f32 v19;
	v11 =	vld [tilespmem:s13+$0x18540];
	v9 =	vpop (erf)  }
0xf0: {  	(erf) = vpow2.f32 v16;
	v6 =	vadd.f32 $1.000000000e+00, v6  }
0xf1: {  	v8 =	vadd.f32 $1.000000000e+00, v8;
	(erf) = vpow2.f32 v18  }
0xf2: {  	v12 =	vsub.f32 $0.0e+00, v12;
	(erf) = vrcp.f32 v6  }
0xf3: {  	v22 =	vmul.f32 $1.442695020e+00, v17;
	(erf) = vrcp.f32 v8  }
0xf4: {  	v23 =	vmul.f32 $1.442695020e+00, v12;
	(erf) = vrcp.f32 v14  }
0xf5: {  	v24 =	vmul.f32 $1.442695020e+00, v15;
	(erf) = vpow2.f32 v22  }
0xf6: {  	v25 =	vpop (erf);
	(erf) = vpow2.f32 v23  }
0xf7: {  	v26 =	vpop (erf);
	(erf) = vpow2.f32 v24  }
0xf8: {  	v4 =	vadd.f32 v4, v13;
	v27 =	vpop (erf);
	(erf) = vpow2.f32 v10  }
0xf9: {  	v28 =	vpop (erf)  }
0xfa: {  	v13 =	vsub.f32 $0.0e+00, v4;
	v29 =	vpop (erf)  }
0xfb: {  	v10 =	vadd.f32 $1.000000000e+00, v28;
	v30 =	vpop (erf)  }
0xfc: {  	v13 =	vmul.f32 $1.442695020e+00, v13;
	v32 =	vpop (erf)  }
0xfd: {  	v31 =	vand.u32 $0xFFFF0000, v7;
	(erf) = vrcp.f32 v10;
	v33 =	vpop (erf)  }
0xfe: {  	v6 =	vmul.f32 v31, v25;
	(erf) = vpow2.f32 v13;
	v36 =	vpop (erf)  }
0xff: {  	v35 =	vshll.u32 v2, $0x10;
	v2 =	vand.u32 $0xFFFF0000, v2;
	v39 =	vpop (erf)  }
0x100: {  	v34 =	vld [tilespmem:s22+$0x18550];
	v2 =	vmul.f32 v2, v9;
	[tilespmem:s13+$0x1D570] =	vst v6;
	v42 =	vpop (erf)  }
0x101: {  	[tilespmem:s22+$0x15D60] =	vst v4;
	v38 =	vadd.f32 $1.000000000e+00, v29;
	v45 =	vpop (erf)  }
0x102: {  	[tilespmem:s13+$0x1D550] =	vst v2;
	v41 =	vadd.f32 $1.000000000e+00, v27;
	v2 =	vadd.f32 $1.000000000e+00, v45  }
0x103: {  	v37 =	vmul.f32 v35, v26;
	(erf) = vrcp.f32 v38;
	v44 =	vadd.f32 $1.000000000e+00, v36  }
0x104: {  	v47 =	vshll.u32 v7, $0x10;
	v40 =	vshll.u32 v11, $0x10;
	(erf) = vrcp.f32 v41  }
0x105: {  	v43 =	vand.u32 $0xFFFF0000, v11;
	[tilespmem:s13+$0x1D540] =	vst v37;
	v46 =	vmul.f32 v40, v30;
	(erf) = vrcp.f32 v44  }
0x106: {  	[tilespmem:s13+$0x1D520] =	vst v5;
	v4 =	vmul.f32 v47, v33;
	v49 =	vadd.f32 $1.000000000e+00, v39;
	(erf) = vrcp.f32 v2;
	v2 =	vpop (erf)  }
0x107: {  	v48 =	vmul.f32 v43, v32;
	[tilespmem:s13+$0x1D500] =	vst v46;
	v51 =	vadd.f32 $1.000000000e+00, v42;
	v50 =	vpop (erf)  }
0x108: {  	[tilespmem:s13+$0x1D560] =	vst v4;
	(erf) = vrcp.f32 v49;
	v4 =	vadd.f32 $1.000000000e+00, v50  }
0x109: {  	v52 =	vand.u32 $0xFFFF0000, v34;
	[tilespmem:s13+$0x1D510] =	vst v48;
	(erf) = vrcp.f32 v51  }
0x10a: {  	v53 =	vld [tilespmem:s22+$0x18570];
	v2 =	vmul.f32 v52, v2;
	(erf) = vrcp.f32 v4;
	_ =	sdelay $0x1  }
0x10b: {  	v54 =	vpop (erf);
	[tilespmem:s22+$0x1D530] =	vst v2;
	v2 =	vld [tilespmem:s22+$0x18540]  }
0x10c: {  	v59 =	vshll.u32 v3, $0x10;
	v3 =	vand.u32 $0xFFFF0000, v3;
	v55 =	vpop (erf)  }
0x10d: {  	v60 =	vshll.u32 v34, $0x10;
	v3 =	vmul.f32 v3, v55  }
0x10e: {  	v56 =	vand.u32 $0xFFFF0000, v53;
	v57 =	vpop (erf);
	v4 =	vmul.f32 v60, v54  }
0x10f: {  	v6 =	vmul.f32 v56, v57;
	[tilespmem:s22+$0x1D550] =	vst v3;
	v58 =	vpop (erf)  }
0x110: {  	[tilespmem:s22+$0x1D520] =	vst v4;
	v7 =	vmul.f32 v59, v58;
	v61 =	vshll.u32 v2, $0x10;
	v62 =	vpop (erf)  }
0x111: {  	s5 =	sadd.s32 s17, s10;
	[tilespmem:s22+$0x1D570] =	vst v6;
	v2 =	vand.u32 $0xFFFF0000, v2;
	v5 =	vmul.f32 v61, v62;
	v3 =	vpop (erf)  }
0x112: {  	s5 =	sshll.u32 s5, $0x8;
	v63 =	vshll.u32 v53, $0x10;
	[tilespmem:s22+$0x1D540] =	vst v7;
	v2 =	vmul.f32 v2, v3;
	v3 =	vpop (erf)  }
0x113: {  	s5 =	sor.u32 s7, s5;
	[tilespmem:s22+$0x1D500] =	vst v5;
	v3 =	vmul.f32 v63, v3  }
0x114: {  	s5 =	sshrl.u32 s5, $0x3;
	s13 =	rddreg [dreg:$0x2];
	[tilespmem:s22+$0x1D510] =	vst v2  }
0x115: {  	s5 =	sadd.s32 s13, s5;
	[tilespmem:s22+$0x1D560] =	vst v3  }
0x116: {  	[hbm4b:s5+s21] =	stream.strided.scatter [tilespmem:s24], [sflag:$0x9], $0x1400, s11, s21, $0x38;
	[tilespmem:$0x1E900] =	vst v63  }
0x117: {  	s23 =	simm.s32 $0x1D500;
	s22 =	simm.s32 $0x14880  }
0x118: {  	[spmem:s3] =	stream.indirect.scatter.add.f32 [tilespmem:s23], [sflag:$0xB], $0x80, s22, s30, $0xb8;
	[tilespmem:$0x1E900] =	vst v63  }
0x119: {  	_ =	swait.ge [sflag:s1], $0x1400  }
.Ltmp6:
0x11a: {  	[sflag:s1] =	ssyncset.done $0x0;
	(pc) =	sbr.rel .LBB2_14-.Ltmp6, $4  }
0x11b: {  	[sflag:s1] =	ssyncadd.s32 $0xFFFFEC00  }
0x11c: {  	_ =	swait.ge [sflag:s2], $0x1400  }
0x11d: {  	[sflag:s2] =	ssyncset.done $0x0  }
0x11e: {  	s4 =	sor.u32 $0x1, s4;
	[sflag:s2] =	ssyncadd.s32 $0xFFFFEC00  }
.LBB2_10:
0x11f: {  	s4 =	simm.s32 $0x1  }
.LBB2_14:
0x120: {  	s5 =	smulhi.u32 $0x66666667, s4;
	_ =	sdelay $0x1  }
0x121: {  	s5 =	sshrl.u32 s5, $0x2  }
0x122: {  	s5 =	smul.u32 $0xA, s5;
	_ =	sdelay $0x1  }
0x123: {  	s5 =	ssub.s32 s4, s5  }
0x124: {  	s5 =	smul.u32 $0x28, s5;
	_ =	sdelay $0x1  }
0x125: {  	s10 =	sor.u32 $0x14400, s5  }
0x126: {  	v2 =	vld [tilespmem:s10+$0x0];
	_ =	sdelay $0x4  }
0x127: {  	v2 =	vsub.s32 v2, v0  }
0x128: {  	[tilespmem:$0x14880] =	vst v2  }
0x129: {  	v2 =	vld [tilespmem:s5+$0x14410];
	_ =	sdelay $0x4  }
0x12a: {  	v2 =	vsub.s32 v2, v0  }
0x12b: {  	[tilespmem:$0x14890] =	vst v2  }
0x12c: {  	v2 =	vld [tilespmem:s5+$0x14418];
	_ =	sdelay $0x1  }
0x12d: {  	s23 =	smul.u32 $0x28, s4;
	_ =	sdelay $0x1  }
0x12e: {  	s4 =	sadd.s32 s15, s23  }
0x12f: {  	s4 =	sshll.u32 s4, $0x7;
	v2 =	vsub.s32 v2, v0  }
0x130: {  	s4 =	sadd.s32 s16, s4;
	[tilespmem:$0x14898] =	vst v2  }
0x131: {  	[tilespmem:s24], [sflag:$0x3] =	stream.indirect.gather [hbm4b:s6+s30], $0x80, s10, s30, $0xb8;
	[tilespmem:$0x1E900] =	vst v63  }
0x132: {  	s13 =	simm.s32 $0x18500;
	s4 =	sshrl.u32 s4, $0x3;
	s5 =	sadd.s32 $0x14600, s5  }
0x133: {  	[tilespmem:s13], [sflag:$0x5] =	stream.indirect.gather [hbm4b:s8+s30], $0x80, s5, s30, $0xb8;
	[tilespmem:$0x1E900] =	vst v63  }
0x134: {  	s22 =	simm.s32 $0x0;
	s23 =	simm.s32 $0x1AD00;
	s4 =	sadd.s32 s9, s4  }
0x135: {  	[tilespmem:s23], [sflag:$0x7] =	stream.linear.gather [hbm4b:s4+s22], $0x1400, $0x38;
	[tilespmem:$0x1E900] =	vst v63  }
0x136: {  	_ =	swait.ge [sflag:s14], $0x1400  }
0x137: {  	[sflag:s14] =	ssyncset.done $0x0  }
0x138: {  	[sflag:s14] =	ssyncadd.s32 $0xFFFFEC00  }
0x139: {  	_ =	swait.ge [sflag:s19], $0x1400  }
0x13a: {  	[sflag:s19] =	ssyncset.done $0x0  }
0x13b: {  	[sflag:s19] =	ssyncadd.s32 $0xFFFFEC00  }
0x13c: {  	_ =	swait.ge [sflag:s20], $0x1400  }
0x13d: {  	[sflag:s20] =	ssyncset.done $0x0  }
0x13e: {  	s4 =	simm.s32 $0x0;
	[sflag:s20] =	ssyncadd.s32 $0xFFFFEC00  }
0x13f: {  	v3 =	vld [tilespmem:s4+$0x14950]  }
0x140: {  	v2 =	vld [tilespmem:s4+$0x14940]  }
0x141: {  	v4 =	vld [tilespmem:s4+$0x19910]  }
0x142: {  	v5 =	vld [tilespmem:s4+$0x19920]  }
0x143: {  	v6 =	vld [tilespmem:s4+$0x14970]  }
0x144: {  	v7 =	vld [tilespmem:s4+$0x17130]  }
0x145: {  	v8 =	vld [tilespmem:s4+$0x17120]  }
0x146: {  	v9 =	vld [tilespmem:s4+$0x19900]  }
0x147: {  	v11 =	vld [tilespmem:s4+$0x17110]  }
0x148: {  	v10 =	vld [tilespmem:s4+$0x19930]  }
0x149: {  	v12 =	vld [tilespmem:s4+$0x17100]  }
0x14a: {  	v13 =	vld [tilespmem:s4+$0x14930];
	v14 =	vshll.u32 v8, $0x10  }
0x14b: {  	v18 =	vld [tilespmem:s4+$0x14920];
	v15 =	vand.u32 $0xFFFF0000, v4;
	v16 =	vand.u32 $0xFFFF0000, v7;
	v8 =	vand.u32 $0xFFFF0000, v8  }
0x14c: {  	v17 =	vld [tilespmem:s4+$0x14900];
	v21 =	vand.u32 $0xFFFF0000, v11;
	v11 =	vshll.u32 v11, $0x10;
	v2 =	vadd.f32 v14, v2  }
0x14d: {  	v19 =	vld [tilespmem:s4+$0x14910];
	v4 =	vshll.u32 v4, $0x10;
	v6 =	vadd.f32 v16, v6;
	v16 =	vshll.u32 v5, $0x10  }
0x14e: {  	v14 =	vand.u32 $0xFFFF0000, v10;
	v3 =	vadd.f32 v8, v3;
	v16 =	vadd.f32 v16, v2  }
0x14f: {  	v13 =	vadd.f32 v21, v13;
	v5 =	vand.u32 $0xFFFF0000, v5;
	v6 =	vadd.f32 v14, v6  }
0x150: {  	v8 =	vshll.u32 v12, $0x10;
	v11 =	vadd.f32 v11, v18;
	v3 =	vadd.f32 v5, v3;
	[tilespmem:s4+$0x14940] =	vst v16  }
0x151: {  	v12 =	vand.u32 $0xFFFF0000, v12;
	v8 =	vadd.f32 v8, v17;
	v13 =	vadd.f32 v15, v13;
	[tilespmem:s4+$0x14970] =	vst v6  }
0x152: {  	v20 =	vshll.u32 v9, $0x10;
	v12 =	vadd.f32 v12, v19;
	v4 =	vadd.f32 v4, v11;
	[tilespmem:s4+$0x14950] =	vst v3  }
0x153: {  	v9 =	vand.u32 $0xFFFF0000, v9;
	v8 =	vadd.f32 v20, v8;
	[tilespmem:s4+$0x14930] =	vst v13;
	v3 =	vsub.f32 $0.0e+00, v3  }
0x154: {  	v9 =	vadd.f32 v9, v12;
	[tilespmem:s4+$0x14920] =	vst v4;
	v11 =	vsub.f32 $0.0e+00, v13  }
0x155: {  	v5 =	vld [tilespmem:s4+$0x14960];
	[tilespmem:s4+$0x14900] =	vst v8;
	v3 =	vmul.f32 $1.442695020e+00, v3  }
0x156: {  	s10 =	simm.s32 $0x80;
	v12 =	vld [tilespmem:s4+$0x17150];
	v4 =	vsub.f32 $0.0e+00, v4;
	[tilespmem:s4+$0x14910] =	vst v9;
	v11 =	vmul.f32 $1.442695020e+00, v11  }
0x157: {  	v13 =	vld [tilespmem:s10+$0x14950];
	(erf) = vpow2.f32 v3  }
0x158: {  	v14 =	vld [tilespmem:s10+$0x14930];
	v3 =	vmul.f32 $1.442695020e+00, v4;
	(erf) = vpow2.f32 v11  }
0x159: {  	v6 =	vsub.f32 $0.0e+00, v6;
	v15 =	vld [tilespmem:s10+$0x14970];
	v4 =	vshll.u32 v7, $0x10  }
0x15a: {  	v8 =	vsub.f32 $0.0e+00, v8;
	v7 =	vld [tilespmem:s10+$0x19910];
	v4 =	vadd.f32 v4, v5;
	(erf) = vpow2.f32 v3  }
0x15b: {  	v6 =	vmul.f32 $1.442695020e+00, v6;
	v11 =	vld [tilespmem:s10+$0x14940];
	v3 =	vshll.u32 v10, $0x10  }
0x15c: {  	v8 =	vmul.f32 $1.442695020e+00, v8;
	v5 =	vld [tilespmem:s10+$0x19920];
	v3 =	vadd.f32 v3, v4  }
0x15d: {  	v10 =	vsub.f32 $0.0e+00, v16;
	v16 =	vld [tilespmem:s10+$0x17130];
	(erf) = vpow2.f32 v6  }
0x15e: {  	v17 =	vshll.u32 v12, $0x10;
	v4 =	vsub.f32 $0.0e+00, v9;
	v9 =	vld [tilespmem:s10+$0x19900];
	[tilespmem:s4+$0x14960] =	vst v3  }
0x15f: {  	v18 =	vand.u32 $0xFFFF0000, v12;
	v10 =	vmul.f32 $1.442695020e+00, v10;
	v3 =	vsub.f32 $0.0e+00, v3;
	v6 =	vld [tilespmem:s10+$0x19930]  }
0x160: {  	(erf) = vpow2.f32 v8;
	v4 =	vmul.f32 $1.442695020e+00, v4;
	v19 =	vand.u32 $0xFFFF0000, v7;
	v12 =	vld [tilespmem:s10+$0x17120];
	v8 =	vpop (erf)  }
0x161: {  	v57 =	vld [tilespmem:s10+$0x14910];
	v58 =	vshll.u32 v5, $0x10;
	v5 =	vand.u32 $0xFFFF0000, v5;
	v3 =	vmul.f32 $1.442695020e+00, v3;
	v20 =	vpop (erf)  }
0x162: {  	v23 =	vld [tilespmem:s10+$0x14900];
	v22 =	vand.u32 $0xFFFF0000, v16;
	(erf) = vpow2.f32 v4;
	v4 =	vadd.f32 $1.000000000e+00, v20  }
0x163: {  	v15 =	vadd.f32 v22, v15;
	v24 =	vshll.u32 v9, $0x10;
	(erf) = vpow2.f32 v10;
	v10 =	vld [tilespmem:s10+$0x17100];
	v56 =	vpop (erf)  }
0x164: {  	v8 =	vadd.f32 $1.000000000e+00, v8;
	v20 =	vld [tilespmem:s10+$0x17110];
	v21 =	vadd.f32 $1.000000000e+00, v56;
	(erf) = vrcp.f32 v4  }
0x165: {  	v4 =	vshll.u32 v6, $0x10;
	v6 =	vand.u32 $0xFFFF0000, v6;
	(erf) = vpow2.f32 v3  }
0x166: {  	v60 =	vpop (erf);
	v3 =	vshll.u32 v12, $0x10;
	v12 =	vand.u32 $0xFFFF0000, v12;
	v61 =	vadd.f32 v6, v15  }
0x167: {  	v15 =	vadd.f32 $1.000000000e+00, v60;
	v11 =	vadd.f32 v3, v11;
	(erf) = vrcp.f32 v21  }
0x168: {  	v12 =	vadd.f32 v12, v13;
	v13 =	vand.u32 $0xFFFF0000, v10;
	v10 =	vshll.u32 v10, $0x10  }
0x169: {  	v25 =	vld [tilespmem:s10+$0x14920];
	v59 =	vand.u32 $0xFFFF0000, v20;
	v13 =	vadd.f32 v13, v57;
	v10 =	vadd.f32 v10, v23  }
0x16a: {  	v9 =	vand.u32 $0xFFFF0000, v9;
	v6 =	vpop (erf);
	v14 =	vadd.f32 v59, v14;
	v5 =	vadd.f32 v5, v12  }
0x16b: {  	(erf) = vrcp.f32 v8;
	v11 =	vadd.f32 v58, v11;
	v8 =	vpop (erf);
	v9 =	vadd.f32 v9, v13  }
0x16c: {  	v2 =	vld [tilespmem:s4+$0x17160];
	v14 =	vadd.f32 v19, v14;
	v19 =	vshll.u32 v20, $0x10;
	v20 =	vpop (erf);
	[tilespmem:s10+$0x14950] =	vst v5;
	v5 =	vsub.f32 $0.0e+00, v5  }
0x16d: {  	[tilespmem:s10+$0x14970] =	vst v61;
	v12 =	vadd.f32 v24, v10;
	(erf) = vrcp.f32 v15;
	v13 =	vadd.f32 $1.000000000e+00, v20  }
0x16e: {  	[tilespmem:s10+$0x14940] =	vst v11;
	v15 =	vadd.f32 v19, v25;
	v20 =	vmul.f32 $1.442695020e+00, v5;
	v10 =	vpop (erf)  }
0x16f: {  	v7 =	vshll.u32 v7, $0x10;
	v62 =	vld [tilespmem:s10+$0x14960];
	[tilespmem:s10+$0x14900] =	vst v12;
	(erf) = vrcp.f32 v13;
	v10 =	vmul.f32 v18, v10  }
0x170: {  	v3 =	vld [tilespmem:s10+$0x17160];
	[tilespmem:s10+$0x14930] =	vst v14;
	v13 =	vadd.f32 v7, v15;
	v18 =	vsub.f32 $0.0e+00, v14  }
0x171: {  	v11 =	vsub.f32 $0.0e+00, v11;
	v19 =	vshll.u32 v16, $0x10;
	v7 =	vld [tilespmem:s4+$0x17170];
	v16 =	vpop (erf);
	(erf) = vpow2.f32 v20;
	[tilespmem:s4+$0x1C130] =	vst v10  }
0x172: {  	v14 =	vadd.f32 $1.000000000e+00, v16;
	v5 =	vpop (erf);
	v63 =	vsub.f32 $0.0e+00, v13;
	v16 =	vmul.f32 $1.442695020e+00, v18;
	[tilespmem:s10+$0x14920] =	vst v13  }
0x173: {  	v15 =	vsub.f32 $0.0e+00, v9;
	v10 =	vmul.f32 $1.442695020e+00, v11;
	v5 =	vmul.f32 v17, v5;
	[tilespmem:s10+$0x14910] =	vst v9  }
0x174: {  	s13 =	simm.s32 $0x400;
	v17 =	vsub.f32 $0.0e+00, v61;
	v13 =	vadd.f32 v19, v62;
	v18 =	vmul.f32 $1.442695020e+00, v63;
	v9 =	vpop (erf);
	v11 =	vld [tilespmem:s4+$0x17140]  }
.LBB2_15:
0x175: {  	s5 =	sshra.s32 s13, $0x2;
	p0 =	sne.s32 s13, $0x4E00;
	s13 =	sadd.s32 $0x200, s13;
	v19 =	vld [tilespmem:s10+$0x17150];
	v15 =	vmul.f32 $1.442695020e+00, v15;
	(erf) = vpow2.f32 v16;
	v6 =	vadd.f32 $1.000000000e+00, v6  }
0x176: {  	v23 =	vadd.f32 $1.000000000e+00, v8;
	v16 =	vld [tilespmem:s5+$0x14950];
	(erf) = vpow2.f32 v18;
	v18 =	vand.u32 $0xFFFF0000, v7;
	v20 =	vpop (erf)  }
0x177: {  	v12 =	vsub.f32 $0.0e+00, v12;
	v17 =	vmul.f32 $1.442695020e+00, v17;
	v21 =	vld [tilespmem:s5+$0x14930];
	(erf) = vrcp.f32 v6  }
0x178: {  	v6 =	vmul.f32 v18, v20;
	v22 =	vld [tilespmem:s5+$0x14940];
	(erf) = vrcp.f32 v23;
	v8 =	vpop (erf)  }
0x179: {  	v12 =	vmul.f32 $1.442695020e+00, v12;
	v18 =	vld [tilespmem:s5+$0x19910];
	(erf) = vrcp.f32 v14  }
0x17a: {  	v7 =	vshll.u32 v7, $0x10;
	v14 =	vld [tilespmem:s5+$0x19920];
	(erf) = vpow2.f32 v17;
	v17 =	vshll.u32 v2, $0x10;
	[tilespmem:s4+$0x1C170] =	vst v6  }
0x17b: {  	v24 =	vadd.f32 v4, v13;
	v6 =	vld [tilespmem:s5+$0x14970];
	(erf) = vpow2.f32 v12;
	v8 =	vmul.f32 v17, v8  }
0x17c: {  	v13 =	vshll.u32 v11, $0x10;
	v11 =	vand.u32 $0xFFFF0000, v11;
	v17 =	vand.u32 $0xFFFF0000, v2;
	v2 =	vmovc v3;
	v12 =	vld [tilespmem:s5+$0x17130]  }
0x17d: {  	v28 =	vsub.f32 $0.0e+00, v24;
	v23 =	vshll.u32 v19, $0x10;
	v19 =	vand.u32 $0xFFFF0000, v19;
	v20 =	vld [tilespmem:s5+$0x19900];
	[tilespmem:s10+$0x14960] =	vst v24;
	v4 =	vpop (erf)  }
0x17e: {  	v24 =	vand.u32 $0xFFFF0000, v18;
	v25 =	vld [tilespmem:s5+$0x19930];
	v26 =	vadd.f32 $1.000000000e+00, v4;
	(erf) = vpow2.f32 v15;
	v4 =	vpop (erf);
	[tilespmem:s4+$0x1C140] =	vst v8  }
0x17f: {  	v9 =	vmul.f32 v17, v9;
	v15 =	vshll.u32 v18, $0x10;
	v8 =	vld [tilespmem:s5+$0x17120];
	v29 =	vadd.f32 $1.000000000e+00, v4;
	v18 =	vpop (erf)  }
0x180: {  	v27 =	vmul.f32 $1.442695020e+00, v28;
	v17 =	vld [tilespmem:s5+$0x17110];
	v18 =	vadd.f32 $1.000000000e+00, v18;
	(erf) = vpow2.f32 v10;
	v3 =	vpop (erf)  }
0x181: {  	v10 =	vld [tilespmem:s5+$0x17100];
	v30 =	vand.u32 $0xFFFF0000, v12;
	(erf) = vrcp.f32 v29;
	v13 =	vmul.f32 v13, v3;
	[tilespmem:s4+$0x1C150] =	vst v9;
	v4 =	vpop (erf)  }
0x182: {  	v3 =	vld [tilespmem:s5+$0x17160];
	v9 =	vadd.f32 v30, v6;
	(erf) = vpow2.f32 v27;
	v11 =	vmul.f32 v11, v4;
	[tilespmem:s4+$0x1C120] =	vst v5;
	v5 =	vpop (erf)  }
0x183: {  	v27 =	vld [tilespmem:s5+$0x14910];
	v4 =	vshll.u32 v25, $0x10;
	v25 =	vand.u32 $0xFFFF0000, v25;
	v28 =	vpop (erf);
	[tilespmem:s4+$0x1C100] =	vst v13;
	v5 =	vmul.f32 v7, v5  }
0x184: {  	v29 =	vshll.u32 v20, $0x10;
	v7 =	vld [tilespmem:s5+$0x14900];
	v13 =	vand.u32 $0xFFFF0000, v8;
	v6 =	vpop (erf);
	(erf) = vrcp.f32 v18;
	[tilespmem:s4+$0x1C110] =	vst v11  }
0x185: {  	v11 =	vshll.u32 v14, $0x10;
	v13 =	vadd.f32 v13, v16;
	v16 =	vadd.f32 $1.000000000e+00, v28;
	[tilespmem:s4+$0x1C160] =	vst v5;
	s4 =	smov.u32 s10;
	s10 =	smov.u32 s5  }
0x186: {  	v30 =	vshll.u32 v8, $0x10;
	v18 =	vand.u32 $0xFFFF0000, v17;
	v5 =	vshll.u32 v10, $0x10  }
0x187: {  	v20 =	vand.u32 $0xFFFF0000, v20;
	v22 =	vadd.f32 v30, v22;
	v10 =	vand.u32 $0xFFFF0000, v10;
	v28 =	vld [tilespmem:s10+$0x14920];
	v8 =	vpop (erf)  }
0x188: {  	v17 =	vshll.u32 v17, $0x10;
	v18 =	vadd.f32 v18, v21;
	v27 =	vadd.f32 v10, v27  }
0x189: {  	v5 =	vadd.f32 v5, v7;
	v7 =	vadd.f32 v11, v22;
	v11 =	vpop (erf);
	(erf) = vrcp.f32 v26  }
0x18a: {  	v9 =	vadd.f32 v25, v9;
	v21 =	vand.u32 $0xFFFF0000, v14;
	v20 =	vadd.f32 v20, v27;
	v10 =	vpop (erf)  }
0x18b: {  	v13 =	vadd.f32 v21, v13;
	v11 =	vadd.f32 $1.000000000e+00, v11;
	[tilespmem:s10+$0x14940] =	vst v7;
	v14 =	vpop (erf);
	(erf) = vrcp.f32 v16  }
0x18c: {  	v22 =	vshll.u32 v12, $0x10;
	v21 =	vld [tilespmem:s10+$0x14960];
	v16 =	vadd.f32 v17, v28;
	v17 =	vadd.f32 v24, v18;
	[tilespmem:s10+$0x14970] =	vst v9  }
0x18d: {  	v12 =	vadd.f32 v29, v5;
	v5 =	vsub.f32 $0.0e+00, v13;
	[tilespmem:s10+$0x14950] =	vst v13;
	v18 =	vpop (erf);
	(erf) = vrcp.f32 v11  }
.Ltmp7:
0x18e: {  	v10 =	vmul.f32 v19, v10;
	v11 =	vadd.f32 v15, v16;
	v13 =	vsub.f32 $0.0e+00, v17;
	[tilespmem:s10+$0x14930] =	vst v17;
	(pc) =	sbr.rel @p0 .LBB2_15-.Ltmp7, $4  }
0x18f: {  	v14 =	vadd.f32 $1.000000000e+00, v14;
	v19 =	vmul.f32 $1.442695020e+00, v5;
	v17 =	vsub.f32 $0.0e+00, v7;
	[tilespmem:s10+$0x14900] =	vst v12;
	v7 =	vld [tilespmem:s4+$0x17170]  }
0x190: {  	v15 =	vsub.f32 $0.0e+00, v20;
	v24 =	vsub.f32 $0.0e+00, v11;
	v16 =	vmul.f32 $1.442695020e+00, v13;
	[tilespmem:s4+$0x1C130] =	vst v10  }
0x191: {  	v5 =	vmul.f32 v23, v18;
	v10 =	vmul.f32 $1.442695020e+00, v17;
	v13 =	vadd.f32 v22, v21;
	[tilespmem:s10+$0x14920] =	vst v11  }
0x192: {  	v17 =	vsub.f32 $0.0e+00, v9;
	v18 =	vmul.f32 $1.442695020e+00, v24;
	[tilespmem:s10+$0x14910] =	vst v20;
	(erf) = vpow2.f32 v19;
	v11 =	vld [tilespmem:s4+$0x17140];
	v9 =	vpop (erf)  }
0x193: {  	(erf) = vpow2.f32 v16;
	v6 =	vadd.f32 $1.000000000e+00, v6  }
0x194: {  	v8 =	vadd.f32 $1.000000000e+00, v8;
	(erf) = vpow2.f32 v18  }
0x195: {  	v12 =	vsub.f32 $0.0e+00, v12;
	(erf) = vrcp.f32 v6  }
0x196: {  	v22 =	vmul.f32 $1.442695020e+00, v17;
	(erf) = vrcp.f32 v8  }
0x197: {  	v23 =	vmul.f32 $1.442695020e+00, v12;
	(erf) = vrcp.f32 v14  }
0x198: {  	v24 =	vmul.f32 $1.442695020e+00, v15;
	(erf) = vpow2.f32 v22  }
0x199: {  	v25 =	vpop (erf);
	(erf) = vpow2.f32 v23  }
0x19a: {  	v26 =	vpop (erf);
	(erf) = vpow2.f32 v24  }
0x19b: {  	v4 =	vadd.f32 v4, v13;
	v27 =	vpop (erf);
	(erf) = vpow2.f32 v10  }
0x19c: {  	v28 =	vpop (erf)  }
0x19d: {  	v13 =	vsub.f32 $0.0e+00, v4;
	v29 =	vpop (erf)  }
0x19e: {  	v10 =	vadd.f32 $1.000000000e+00, v28;
	v30 =	vpop (erf)  }
0x19f: {  	v13 =	vmul.f32 $1.442695020e+00, v13;
	v32 =	vpop (erf)  }
0x1a0: {  	v31 =	vand.u32 $0xFFFF0000, v7;
	(erf) = vrcp.f32 v10;
	v33 =	vpop (erf)  }
0x1a1: {  	v6 =	vmul.f32 v31, v25;
	(erf) = vpow2.f32 v13;
	v36 =	vpop (erf)  }
0x1a2: {  	v35 =	vshll.u32 v2, $0x10;
	v2 =	vand.u32 $0xFFFF0000, v2;
	v39 =	vpop (erf)  }
0x1a3: {  	v34 =	vld [tilespmem:s10+$0x17150];
	v2 =	vmul.f32 v2, v9;
	[tilespmem:s4+$0x1C170] =	vst v6;
	v42 =	vpop (erf)  }
0x1a4: {  	[tilespmem:s10+$0x14960] =	vst v4;
	v38 =	vadd.f32 $1.000000000e+00, v29;
	v45 =	vpop (erf)  }
0x1a5: {  	[tilespmem:s4+$0x1C150] =	vst v2;
	v41 =	vadd.f32 $1.000000000e+00, v27;
	v2 =	vadd.f32 $1.000000000e+00, v45  }
0x1a6: {  	v37 =	vmul.f32 v35, v26;
	(erf) = vrcp.f32 v38;
	v44 =	vadd.f32 $1.000000000e+00, v36  }
0x1a7: {  	v47 =	vshll.u32 v7, $0x10;
	v40 =	vshll.u32 v11, $0x10;
	(erf) = vrcp.f32 v41  }
0x1a8: {  	v43 =	vand.u32 $0xFFFF0000, v11;
	[tilespmem:s4+$0x1C140] =	vst v37;
	v46 =	vmul.f32 v40, v30;
	(erf) = vrcp.f32 v44  }
0x1a9: {  	[tilespmem:s4+$0x1C120] =	vst v5;
	v4 =	vmul.f32 v47, v33;
	v49 =	vadd.f32 $1.000000000e+00, v39;
	(erf) = vrcp.f32 v2;
	v2 =	vpop (erf)  }
0x1aa: {  	v48 =	vmul.f32 v43, v32;
	[tilespmem:s4+$0x1C100] =	vst v46;
	v51 =	vadd.f32 $1.000000000e+00, v42;
	v50 =	vpop (erf)  }
0x1ab: {  	[tilespmem:s4+$0x1C160] =	vst v4;
	(erf) = vrcp.f32 v49;
	v4 =	vadd.f32 $1.000000000e+00, v50  }
0x1ac: {  	v52 =	vand.u32 $0xFFFF0000, v34;
	[tilespmem:s4+$0x1C110] =	vst v48;
	(erf) = vrcp.f32 v51  }
0x1ad: {  	v53 =	vld [tilespmem:s10+$0x17170];
	v2 =	vmul.f32 v52, v2;
	(erf) = vrcp.f32 v4;
	_ =	sdelay $0x1  }
0x1ae: {  	v54 =	vpop (erf);
	[tilespmem:s10+$0x1C130] =	vst v2;
	v2 =	vld [tilespmem:s10+$0x17140]  }
0x1af: {  	v59 =	vshll.u32 v3, $0x10;
	v3 =	vand.u32 $0xFFFF0000, v3;
	v55 =	vpop (erf)  }
0x1b0: {  	v60 =	vshll.u32 v34, $0x10;
	v3 =	vmul.f32 v3, v55  }
0x1b1: {  	v56 =	vand.u32 $0xFFFF0000, v53;
	v57 =	vpop (erf);
	v4 =	vmul.f32 v60, v54  }
0x1b2: {  	v6 =	vmul.f32 v56, v57;
	[tilespmem:s10+$0x1C150] =	vst v3;
	v58 =	vpop (erf)  }
0x1b3: {  	[tilespmem:s10+$0x1C120] =	vst v4;
	v7 =	vmul.f32 v59, v58;
	v61 =	vshll.u32 v2, $0x10;
	v62 =	vpop (erf)  }
0x1b4: {  	[tilespmem:s10+$0x1C170] =	vst v6;
	v2 =	vand.u32 $0xFFFF0000, v2;
	v5 =	vmul.f32 v61, v62;
	v3 =	vpop (erf)  }
0x1b5: {  	s12 =	sadd.s32 $0x1, s12;
	v63 =	vshll.u32 v53, $0x10;
	[tilespmem:s10+$0x1C140] =	vst v7;
	v2 =	vmul.f32 v2, v3;
	v3 =	vpop (erf)  }
0x1b6: {  	p0 =	sne.s32 s12, $0x7D;
	[tilespmem:s10+$0x1C100] =	vst v5;
	v3 =	vmul.f32 v63, v3  }
.Ltmp8:
0x1b7: {  	s0 =	sshll.u32 s0, $0x5;
	[tilespmem:s10+$0x1C110] =	vst v2;
	(pc) =	sbr.rel @p0 .LBB2_4-.Ltmp8, $4  }
0x1b8: {  	s0 =	sadd.s32 s0, s18;
	[tilespmem:s10+$0x1C160] =	vst v3  }
0x1b9: {  	[hbm4b:s0+s21] =	stream.strided.scatter [tilespmem:s31], [sflag:$0x8], $0x1400, s11, s21, $0x38;
	[tilespmem:$0x1E900] =	vst v63  }
0x1ba: {  	s22 =	simm.s32 $0x14800;
	s23 =	simm.s32 $0x1C100  }
0x1bb: {  	[spmem:s3] =	stream.indirect.scatter.add.f32 [tilespmem:s23], [sflag:$0xA], $0x80, s22, s30, $0xb8;
	[tilespmem:$0x1E900] =	vst v63  }
0x1bc: {  	s0 =	simm.s32 $0x3  }
0x1bd: {  	_ =	swait.ge [sflag:s0], $0x1400  }
0x1be: {  	[sflag:s0] =	ssyncset.done $0x0  }
0x1bf: {  	[sflag:s0] =	ssyncadd.s32 $0xFFFFEC00  }
0x1c0: {  	_ =	swait.ge [sflag:s26], $0x1400  }
0x1c1: {  	[sflag:s26] =	ssyncset.done $0x0  }
0x1c2: {  	[sflag:s26] =	ssyncadd.s32 $0xFFFFEC00  }
0x1c3: {  	_ =	swait.ge [sflag:s28], $0x1400  }
0x1c4: {  	[sflag:s28] =	ssyncset.done $0x0  }
0x1c5: {  	s0 =	simm.s32 $0x0;
	[sflag:s28] =	ssyncadd.s32 $0xFFFFEC00  }
0x1c6: {  	v3 =	vld [tilespmem:s0+$0x15D50]  }
0x1c7: {  	v2 =	vld [tilespmem:s0+$0x15D40]  }
0x1c8: {  	v4 =	vld [tilespmem:s0+$0x1AD10]  }
0x1c9: {  	v5 =	vld [tilespmem:s0+$0x1AD20]  }
0x1ca: {  	v6 =	vld [tilespmem:s0+$0x15D70]  }
0x1cb: {  	v7 =	vld [tilespmem:s0+$0x18530]  }
0x1cc: {  	v8 =	vld [tilespmem:s0+$0x18520]  }
0x1cd: {  	v9 =	vld [tilespmem:s0+$0x1AD00]  }
0x1ce: {  	v11 =	vld [tilespmem:s0+$0x18510]  }
0x1cf: {  	v10 =	vld [tilespmem:s0+$0x1AD30]  }
0x1d0: {  	v12 =	vld [tilespmem:s0+$0x18500]  }
0x1d1: {  	v13 =	vld [tilespmem:s0+$0x15D30];
	v14 =	vshll.u32 v8, $0x10  }
0x1d2: {  	v18 =	vld [tilespmem:s0+$0x15D20];
	v15 =	vand.u32 $0xFFFF0000, v4;
	v16 =	vand.u32 $0xFFFF0000, v7;
	v8 =	vand.u32 $0xFFFF0000, v8  }
0x1d3: {  	v17 =	vld [tilespmem:s0+$0x15D00];
	v21 =	vand.u32 $0xFFFF0000, v11;
	v11 =	vshll.u32 v11, $0x10;
	v2 =	vadd.f32 v14, v2  }
0x1d4: {  	v19 =	vld [tilespmem:s0+$0x15D10];
	v4 =	vshll.u32 v4, $0x10;
	v6 =	vadd.f32 v16, v6;
	v16 =	vshll.u32 v5, $0x10  }
0x1d5: {  	v14 =	vand.u32 $0xFFFF0000, v10;
	v3 =	vadd.f32 v8, v3;
	v16 =	vadd.f32 v16, v2  }
0x1d6: {  	v13 =	vadd.f32 v21, v13;
	v5 =	vand.u32 $0xFFFF0000, v5;
	v6 =	vadd.f32 v14, v6  }
0x1d7: {  	v8 =	vshll.u32 v12, $0x10;
	v11 =	vadd.f32 v11, v18;
	v3 =	vadd.f32 v5, v3;
	[tilespmem:s0+$0x15D40] =	vst v16  }
0x1d8: {  	v12 =	vand.u32 $0xFFFF0000, v12;
	v8 =	vadd.f32 v8, v17;
	v13 =	vadd.f32 v15, v13;
	[tilespmem:s0+$0x15D70] =	vst v6  }
0x1d9: {  	v20 =	vshll.u32 v9, $0x10;
	v12 =	vadd.f32 v12, v19;
	v4 =	vadd.f32 v4, v11;
	[tilespmem:s0+$0x15D50] =	vst v3  }
0x1da: {  	v9 =	vand.u32 $0xFFFF0000, v9;
	v8 =	vadd.f32 v20, v8;
	[tilespmem:s0+$0x15D30] =	vst v13;
	v3 =	vsub.f32 $0.0e+00, v3  }
0x1db: {  	v9 =	vadd.f32 v9, v12;
	[tilespmem:s0+$0x15D20] =	vst v4;
	v11 =	vsub.f32 $0.0e+00, v13  }
0x1dc: {  	v5 =	vld [tilespmem:s0+$0x15D60];
	[tilespmem:s0+$0x15D00] =	vst v8;
	v3 =	vmul.f32 $1.442695020e+00, v3  }
0x1dd: {  	s4 =	simm.s32 $0x80;
	v12 =	vld [tilespmem:s0+$0x18550];
	v4 =	vsub.f32 $0.0e+00, v4;
	[tilespmem:s0+$0x15D10] =	vst v9;
	v11 =	vmul.f32 $1.442695020e+00, v11  }
0x1de: {  	v13 =	vld [tilespmem:s4+$0x15D50];
	(erf) = vpow2.f32 v3  }
0x1df: {  	v14 =	vld [tilespmem:s4+$0x15D30];
	v3 =	vmul.f32 $1.442695020e+00, v4;
	(erf) = vpow2.f32 v11  }
0x1e0: {  	v6 =	vsub.f32 $0.0e+00, v6;
	v15 =	vld [tilespmem:s4+$0x15D70];
	v4 =	vshll.u32 v7, $0x10  }
0x1e1: {  	v8 =	vsub.f32 $0.0e+00, v8;
	v7 =	vld [tilespmem:s4+$0x1AD10];
	v4 =	vadd.f32 v4, v5;
	(erf) = vpow2.f32 v3  }
0x1e2: {  	v6 =	vmul.f32 $1.442695020e+00, v6;
	v11 =	vld [tilespmem:s4+$0x15D40];
	v3 =	vshll.u32 v10, $0x10  }
0x1e3: {  	v8 =	vmul.f32 $1.442695020e+00, v8;
	v5 =	vld [tilespmem:s4+$0x1AD20];
	v3 =	vadd.f32 v3, v4  }
0x1e4: {  	v10 =	vsub.f32 $0.0e+00, v16;
	v16 =	vld [tilespmem:s4+$0x18530];
	(erf) = vpow2.f32 v6  }
0x1e5: {  	v17 =	vshll.u32 v12, $0x10;
	v4 =	vsub.f32 $0.0e+00, v9;
	v9 =	vld [tilespmem:s4+$0x1AD00];
	[tilespmem:s0+$0x15D60] =	vst v3  }
0x1e6: {  	v18 =	vand.u32 $0xFFFF0000, v12;
	v10 =	vmul.f32 $1.442695020e+00, v10;
	v3 =	vsub.f32 $0.0e+00, v3;
	v6 =	vld [tilespmem:s4+$0x1AD30]  }
0x1e7: {  	(erf) = vpow2.f32 v8;
	v4 =	vmul.f32 $1.442695020e+00, v4;
	v19 =	vand.u32 $0xFFFF0000, v7;
	v12 =	vld [tilespmem:s4+$0x18520];
	v8 =	vpop (erf)  }
0x1e8: {  	v57 =	vld [tilespmem:s4+$0x15D10];
	v58 =	vshll.u32 v5, $0x10;
	v5 =	vand.u32 $0xFFFF0000, v5;
	v3 =	vmul.f32 $1.442695020e+00, v3;
	v20 =	vpop (erf)  }
0x1e9: {  	v23 =	vld [tilespmem:s4+$0x15D00];
	v22 =	vand.u32 $0xFFFF0000, v16;
	(erf) = vpow2.f32 v4;
	v4 =	vadd.f32 $1.000000000e+00, v20  }
0x1ea: {  	v15 =	vadd.f32 v22, v15;
	v24 =	vshll.u32 v9, $0x10;
	(erf) = vpow2.f32 v10;
	v10 =	vld [tilespmem:s4+$0x18500];
	v56 =	vpop (erf)  }
0x1eb: {  	v8 =	vadd.f32 $1.000000000e+00, v8;
	v20 =	vld [tilespmem:s4+$0x18510];
	v21 =	vadd.f32 $1.000000000e+00, v56;
	(erf) = vrcp.f32 v4  }
0x1ec: {  	v4 =	vshll.u32 v6, $0x10;
	v6 =	vand.u32 $0xFFFF0000, v6;
	(erf) = vpow2.f32 v3  }
0x1ed: {  	v60 =	vpop (erf);
	v3 =	vshll.u32 v12, $0x10;
	v12 =	vand.u32 $0xFFFF0000, v12;
	v61 =	vadd.f32 v6, v15  }
0x1ee: {  	v15 =	vadd.f32 $1.000000000e+00, v60;
	v11 =	vadd.f32 v3, v11;
	(erf) = vrcp.f32 v21  }
0x1ef: {  	v12 =	vadd.f32 v12, v13;
	v13 =	vand.u32 $0xFFFF0000, v10;
	v10 =	vshll.u32 v10, $0x10  }
0x1f0: {  	v25 =	vld [tilespmem:s4+$0x15D20];
	v59 =	vand.u32 $0xFFFF0000, v20;
	v13 =	vadd.f32 v13, v57;
	v10 =	vadd.f32 v10, v23  }
0x1f1: {  	v9 =	vand.u32 $0xFFFF0000, v9;
	v6 =	vpop (erf);
	v14 =	vadd.f32 v59, v14;
	v5 =	vadd.f32 v5, v12  }
0x1f2: {  	(erf) = vrcp.f32 v8;
	v11 =	vadd.f32 v58, v11;
	v8 =	vpop (erf);
	v9 =	vadd.f32 v9, v13  }
0x1f3: {  	v2 =	vld [tilespmem:s0+$0x18560];
	v14 =	vadd.f32 v19, v14;
	v19 =	vshll.u32 v20, $0x10;
	v20 =	vpop (erf);
	[tilespmem:s4+$0x15D50] =	vst v5;
	v5 =	vsub.f32 $0.0e+00, v5  }
0x1f4: {  	[tilespmem:s4+$0x15D70] =	vst v61;
	v12 =	vadd.f32 v24, v10;
	(erf) = vrcp.f32 v15;
	v13 =	vadd.f32 $1.000000000e+00, v20  }
0x1f5: {  	[tilespmem:s4+$0x15D40] =	vst v11;
	v15 =	vadd.f32 v19, v25;
	v20 =	vmul.f32 $1.442695020e+00, v5;
	v10 =	vpop (erf)  }
0x1f6: {  	v7 =	vshll.u32 v7, $0x10;
	v62 =	vld [tilespmem:s4+$0x15D60];
	[tilespmem:s4+$0x15D00] =	vst v12;
	(erf) = vrcp.f32 v13;
	v10 =	vmul.f32 v18, v10  }
0x1f7: {  	v3 =	vld [tilespmem:s4+$0x18560];
	[tilespmem:s4+$0x15D30] =	vst v14;
	v13 =	vadd.f32 v7, v15;
	v18 =	vsub.f32 $0.0e+00, v14  }
0x1f8: {  	v11 =	vsub.f32 $0.0e+00, v11;
	v19 =	vshll.u32 v16, $0x10;
	v7 =	vld [tilespmem:s0+$0x18570];
	v16 =	vpop (erf);
	(erf) = vpow2.f32 v20;
	[tilespmem:s0+$0x1D530] =	vst v10  }
0x1f9: {  	v14 =	vadd.f32 $1.000000000e+00, v16;
	v5 =	vpop (erf);
	v63 =	vsub.f32 $0.0e+00, v13;
	v16 =	vmul.f32 $1.442695020e+00, v18;
	[tilespmem:s4+$0x15D20] =	vst v13  }
0x1fa: {  	v15 =	vsub.f32 $0.0e+00, v9;
	v10 =	vmul.f32 $1.442695020e+00, v11;
	v5 =	vmul.f32 v17, v5;
	[tilespmem:s4+$0x15D10] =	vst v9  }
0x1fb: {  	s10 =	simm.s32 $0x400;
	s22 =	rddreg [dreg:$0x6];
	v17 =	vsub.f32 $0.0e+00, v61;
	v13 =	vadd.f32 v19, v62;
	v18 =	vmul.f32 $1.442695020e+00, v63;
	v9 =	vpop (erf);
	v11 =	vld [tilespmem:s0+$0x18540]  }
.LBB2_18:
0x1fc: {  	s5 =	sshra.s32 s10, $0x2;
	p0 =	sne.s32 s10, $0x4E00;
	s10 =	sadd.s32 $0x200, s10;
	v19 =	vld [tilespmem:s4+$0x18550];
	v15 =	vmul.f32 $1.442695020e+00, v15;
	(erf) = vpow2.f32 v16;
	v6 =	vadd.f32 $1.000000000e+00, v6  }
0x1fd: {  	v23 =	vadd.f32 $1.000000000e+00, v8;
	v16 =	vld [tilespmem:s5+$0x15D50];
	(erf) = vpow2.f32 v18;
	v18 =	vand.u32 $0xFFFF0000, v7;
	v20 =	vpop (erf)  }
0x1fe: {  	v12 =	vsub.f32 $0.0e+00, v12;
	v17 =	vmul.f32 $1.442695020e+00, v17;
	v21 =	vld [tilespmem:s5+$0x15D30];
	(erf) = vrcp.f32 v6  }
0x1ff: {  	v6 =	vmul.f32 v18, v20;
	v22 =	vld [tilespmem:s5+$0x15D40];
	(erf) = vrcp.f32 v23;
	v8 =	vpop (erf)  }
0x200: {  	v12 =	vmul.f32 $1.442695020e+00, v12;
	v18 =	vld [tilespmem:s5+$0x1AD10];
	(erf) = vrcp.f32 v14  }
0x201: {  	v7 =	vshll.u32 v7, $0x10;
	v14 =	vld [tilespmem:s5+$0x1AD20];
	(erf) = vpow2.f32 v17;
	v17 =	vshll.u32 v2, $0x10;
	[tilespmem:s0+$0x1D570] =	vst v6  }
0x202: {  	v24 =	vadd.f32 v4, v13;
	v6 =	vld [tilespmem:s5+$0x15D70];
	(erf) = vpow2.f32 v12;
	v8 =	vmul.f32 v17, v8  }
0x203: {  	v13 =	vshll.u32 v11, $0x10;
	v11 =	vand.u32 $0xFFFF0000, v11;
	v17 =	vand.u32 $0xFFFF0000, v2;
	v2 =	vmovc v3;
	v12 =	vld [tilespmem:s5+$0x18530]  }
0x204: {  	v28 =	vsub.f32 $0.0e+00, v24;
	v23 =	vshll.u32 v19, $0x10;
	v19 =	vand.u32 $0xFFFF0000, v19;
	v20 =	vld [tilespmem:s5+$0x1AD00];
	[tilespmem:s4+$0x15D60] =	vst v24;
	v4 =	vpop (erf)  }
0x205: {  	v24 =	vand.u32 $0xFFFF0000, v18;
	v25 =	vld [tilespmem:s5+$0x1AD30];
	v26 =	vadd.f32 $1.000000000e+00, v4;
	(erf) = vpow2.f32 v15;
	v4 =	vpop (erf);
	[tilespmem:s0+$0x1D540] =	vst v8  }
0x206: {  	v9 =	vmul.f32 v17, v9;
	v15 =	vshll.u32 v18, $0x10;
	v8 =	vld [tilespmem:s5+$0x18520];
	v29 =	vadd.f32 $1.000000000e+00, v4;
	v18 =	vpop (erf)  }
0x207: {  	v27 =	vmul.f32 $1.442695020e+00, v28;
	v17 =	vld [tilespmem:s5+$0x18510];
	v18 =	vadd.f32 $1.000000000e+00, v18;
	(erf) = vpow2.f32 v10;
	v3 =	vpop (erf)  }
0x208: {  	v10 =	vld [tilespmem:s5+$0x18500];
	v30 =	vand.u32 $0xFFFF0000, v12;
	(erf) = vrcp.f32 v29;
	v13 =	vmul.f32 v13, v3;
	[tilespmem:s0+$0x1D550] =	vst v9;
	v4 =	vpop (erf)  }
0x209: {  	v3 =	vld [tilespmem:s5+$0x18560];
	v9 =	vadd.f32 v30, v6;
	(erf) = vpow2.f32 v27;
	v11 =	vmul.f32 v11, v4;
	[tilespmem:s0+$0x1D520] =	vst v5;
	v5 =	vpop (erf)  }
0x20a: {  	v27 =	vld [tilespmem:s5+$0x15D10];
	v4 =	vshll.u32 v25, $0x10;
	v25 =	vand.u32 $0xFFFF0000, v25;
	v28 =	vpop (erf);
	[tilespmem:s0+$0x1D500] =	vst v13;
	v5 =	vmul.f32 v7, v5  }
0x20b: {  	v29 =	vshll.u32 v20, $0x10;
	v7 =	vld [tilespmem:s5+$0x15D00];
	v13 =	vand.u32 $0xFFFF0000, v8;
	v6 =	vpop (erf);
	(erf) = vrcp.f32 v18;
	[tilespmem:s0+$0x1D510] =	vst v11  }
0x20c: {  	v11 =	vshll.u32 v14, $0x10;
	v13 =	vadd.f32 v13, v16;
	v16 =	vadd.f32 $1.000000000e+00, v28;
	[tilespmem:s0+$0x1D560] =	vst v5;
	s0 =	smov.u32 s4;
	s4 =	smov.u32 s5  }
0x20d: {  	v30 =	vshll.u32 v8, $0x10;
	v18 =	vand.u32 $0xFFFF0000, v17;
	v5 =	vshll.u32 v10, $0x10  }
0x20e: {  	v20 =	vand.u32 $0xFFFF0000, v20;
	v22 =	vadd.f32 v30, v22;
	v10 =	vand.u32 $0xFFFF0000, v10;
	v28 =	vld [tilespmem:s4+$0x15D20];
	v8 =	vpop (erf)  }
0x20f: {  	v17 =	vshll.u32 v17, $0x10;
	v18 =	vadd.f32 v18, v21;
	v27 =	vadd.f32 v10, v27  }
0x210: {  	v5 =	vadd.f32 v5, v7;
	v7 =	vadd.f32 v11, v22;
	v11 =	vpop (erf);
	(erf) = vrcp.f32 v26  }
0x211: {  	v9 =	vadd.f32 v25, v9;
	v21 =	vand.u32 $0xFFFF0000, v14;
	v20 =	vadd.f32 v20, v27;
	v10 =	vpop (erf)  }
0x212: {  	v13 =	vadd.f32 v21, v13;
	v11 =	vadd.f32 $1.000000000e+00, v11;
	[tilespmem:s4+$0x15D40] =	vst v7;
	v14 =	vpop (erf);
	(erf) = vrcp.f32 v16  }
0x213: {  	v22 =	vshll.u32 v12, $0x10;
	v21 =	vld [tilespmem:s4+$0x15D60];
	v16 =	vadd.f32 v17, v28;
	v17 =	vadd.f32 v24, v18;
	[tilespmem:s4+$0x15D70] =	vst v9  }
0x214: {  	v12 =	vadd.f32 v29, v5;
	v5 =	vsub.f32 $0.0e+00, v13;
	[tilespmem:s4+$0x15D50] =	vst v13;
	v18 =	vpop (erf);
	(erf) = vrcp.f32 v11  }
.Ltmp9:
0x215: {  	v10 =	vmul.f32 v19, v10;
	v11 =	vadd.f32 v15, v16;
	v13 =	vsub.f32 $0.0e+00, v17;
	[tilespmem:s4+$0x15D30] =	vst v17;
	(pc) =	sbr.rel @p0 .LBB2_18-.Ltmp9, $4  }
0x216: {  	v14 =	vadd.f32 $1.000000000e+00, v14;
	v19 =	vmul.f32 $1.442695020e+00, v5;
	v17 =	vsub.f32 $0.0e+00, v7;
	[tilespmem:s4+$0x15D00] =	vst v12;
	v7 =	vld [tilespmem:s0+$0x18570]  }
0x217: {  	v15 =	vsub.f32 $0.0e+00, v20;
	v24 =	vsub.f32 $0.0e+00, v11;
	v16 =	vmul.f32 $1.442695020e+00, v13;
	[tilespmem:s0+$0x1D530] =	vst v10  }
0x218: {  	v5 =	vmul.f32 v23, v18;
	v10 =	vmul.f32 $1.442695020e+00, v17;
	v13 =	vadd.f32 v22, v21;
	[tilespmem:s4+$0x15D20] =	vst v11  }
0x219: {  	v17 =	vsub.f32 $0.0e+00, v9;
	v18 =	vmul.f32 $1.442695020e+00, v24;
	[tilespmem:s4+$0x15D10] =	vst v20;
	(erf) = vpow2.f32 v19;
	v11 =	vld [tilespmem:s0+$0x18540];
	v9 =	vpop (erf)  }
0x21a: {  	(erf) = vpow2.f32 v16;
	v6 =	vadd.f32 $1.000000000e+00, v6  }
0x21b: {  	v8 =	vadd.f32 $1.000000000e+00, v8;
	(erf) = vpow2.f32 v18  }
0x21c: {  	v12 =	vsub.f32 $0.0e+00, v12;
	(erf) = vrcp.f32 v6  }
0x21d: {  	v22 =	vmul.f32 $1.442695020e+00, v17;
	(erf) = vrcp.f32 v8  }
0x21e: {  	v23 =	vmul.f32 $1.442695020e+00, v12;
	(erf) = vrcp.f32 v14  }
0x21f: {  	v24 =	vmul.f32 $1.442695020e+00, v15;
	(erf) = vpow2.f32 v22  }
0x220: {  	v25 =	vpop (erf);
	(erf) = vpow2.f32 v23  }
0x221: {  	v26 =	vpop (erf);
	(erf) = vpow2.f32 v24  }
0x222: {  	v4 =	vadd.f32 v4, v13;
	v27 =	vpop (erf);
	(erf) = vpow2.f32 v10  }
0x223: {  	v28 =	vpop (erf)  }
0x224: {  	v13 =	vsub.f32 $0.0e+00, v4;
	v29 =	vpop (erf)  }
0x225: {  	v10 =	vadd.f32 $1.000000000e+00, v28;
	v30 =	vpop (erf)  }
0x226: {  	v13 =	vmul.f32 $1.442695020e+00, v13;
	v32 =	vpop (erf)  }
0x227: {  	v31 =	vand.u32 $0xFFFF0000, v7;
	(erf) = vrcp.f32 v10;
	v33 =	vpop (erf)  }
0x228: {  	v6 =	vmul.f32 v31, v25;
	(erf) = vpow2.f32 v13;
	v36 =	vpop (erf)  }
0x229: {  	v35 =	vshll.u32 v2, $0x10;
	v2 =	vand.u32 $0xFFFF0000, v2;
	v39 =	vpop (erf)  }
0x22a: {  	v34 =	vld [tilespmem:s4+$0x18550];
	v2 =	vmul.f32 v2, v9;
	[tilespmem:s0+$0x1D570] =	vst v6;
	v42 =	vpop (erf)  }
0x22b: {  	[tilespmem:s4+$0x15D60] =	vst v4;
	v38 =	vadd.f32 $1.000000000e+00, v29;
	v45 =	vpop (erf)  }
0x22c: {  	[tilespmem:s0+$0x1D550] =	vst v2;
	v41 =	vadd.f32 $1.000000000e+00, v27;
	v2 =	vadd.f32 $1.000000000e+00, v45  }
0x22d: {  	v37 =	vmul.f32 v35, v26;
	(erf) = vrcp.f32 v38;
	v44 =	vadd.f32 $1.000000000e+00, v36  }
0x22e: {  	v47 =	vshll.u32 v7, $0x10;
	v40 =	vshll.u32 v11, $0x10;
	(erf) = vrcp.f32 v41  }
0x22f: {  	v43 =	vand.u32 $0xFFFF0000, v11;
	[tilespmem:s0+$0x1D540] =	vst v37;
	v46 =	vmul.f32 v40, v30;
	(erf) = vrcp.f32 v44  }
0x230: {  	[tilespmem:s0+$0x1D520] =	vst v5;
	v4 =	vmul.f32 v47, v33;
	v49 =	vadd.f32 $1.000000000e+00, v39;
	(erf) = vrcp.f32 v2;
	v2 =	vpop (erf)  }
0x231: {  	v48 =	vmul.f32 v43, v32;
	[tilespmem:s0+$0x1D500] =	vst v46;
	v51 =	vadd.f32 $1.000000000e+00, v42;
	v50 =	vpop (erf)  }
0x232: {  	[tilespmem:s0+$0x1D560] =	vst v4;
	(erf) = vrcp.f32 v49;
	v4 =	vadd.f32 $1.000000000e+00, v50  }
0x233: {  	v52 =	vand.u32 $0xFFFF0000, v34;
	[tilespmem:s0+$0x1D510] =	vst v48;
	(erf) = vrcp.f32 v51  }
0x234: {  	v53 =	vld [tilespmem:s4+$0x18570];
	v2 =	vmul.f32 v52, v2;
	(erf) = vrcp.f32 v4;
	_ =	sdelay $0x1  }
0x235: {  	v54 =	vpop (erf);
	[tilespmem:s4+$0x1D530] =	vst v2;
	v2 =	vld [tilespmem:s4+$0x18540]  }
0x236: {  	v59 =	vshll.u32 v3, $0x10;
	v3 =	vand.u32 $0xFFFF0000, v3;
	v55 =	vpop (erf)  }
0x237: {  	v60 =	vshll.u32 v34, $0x10;
	v3 =	vmul.f32 v3, v55  }
0x238: {  	v56 =	vand.u32 $0xFFFF0000, v53;
	v57 =	vpop (erf);
	v4 =	vmul.f32 v60, v54  }
0x239: {  	v6 =	vmul.f32 v56, v57;
	[tilespmem:s4+$0x1D550] =	vst v3;
	v58 =	vpop (erf)  }
0x23a: {  	[tilespmem:s4+$0x1D520] =	vst v4;
	v7 =	vmul.f32 v59, v58;
	v61 =	vshll.u32 v2, $0x10;
	v62 =	vpop (erf)  }
0x23b: {  	[tilespmem:s4+$0x1D570] =	vst v6;
	v2 =	vand.u32 $0xFFFF0000, v2;
	v5 =	vmul.f32 v61, v62;
	v3 =	vpop (erf)  }
0x23c: {  	v63 =	vshll.u32 v53, $0x10;
	[tilespmem:s4+$0x1D540] =	vst v7;
	v2 =	vmul.f32 v2, v3;
	v3 =	vpop (erf)  }
0x23d: {  	[tilespmem:s4+$0x1D500] =	vst v5;
	v3 =	vmul.f32 v63, v3  }
0x23e: {  	[tilespmem:s4+$0x1D510] =	vst v2  }
0x23f: {  	s5 =	rddreg [dreg:$0xa];
	[tilespmem:s4+$0x1D560] =	vst v3  }
0x240: {  	[hbm4b:s5+s21] =	stream.strided.scatter [tilespmem:s24], [sflag:$0x9], $0x1400, s11, s21, $0x38;
	[tilespmem:$0x1E900] =	vst v63  }
0x241: {  	s10 =	simm.s32 $0x14880;
	s12 =	simm.s32 $0x1D500;
	s5 =	simm.s32 $0x8  }
0x242: {  	[spmem:s3] =	stream.indirect.scatter.add.f32 [tilespmem:s12], [sflag:$0xB], $0x80, s10, s30, $0xb8;
	[tilespmem:$0x1E900] =	vst v63  }
0x243: {  	_ =	swait.ge [sflag:s5], $0x1400  }
0x244: {  	[sflag:s5] =	ssyncset.done $0x0  }
0x245: {  	s13 =	simm.s32 $0xA;
	[sflag:s5] =	ssyncadd.s32 $0xFFFFEC00  }
0x246: {  	_ =	swait.ge [sflag:s13], $0x1400  }
0x247: {  	[sflag:s13] =	ssyncset.done $0x0  }
0x248: {  	[sflag:s13] =	ssyncadd.s32 $0xFFFFEC00  }
0x249: {  	_ =	swait.ge [sflag:s1], $0x1400  }
0x24a: {  	[sflag:s1] =	ssyncset.done $0x0  }
0x24b: {  	[sflag:s1] =	ssyncadd.s32 $0xFFFFEC00  }
0x24c: {  	_ =	swait.ge [sflag:s2], $0x1400  }
0x24d: {  	[sflag:s2] =	ssyncset.done $0x0  }
0x24e: {  	[sflag:s2] =	ssyncadd.s32 $0xFFFFEC00  }
0x24f: {  	[bflag:$0x0] =	sbarrier.arrive $0xFFFF  }
0x250: {  	s23 =	rddreg [dreg:$0xb]  }
0x251: {  	s10 =	simm.s32 $0x100;
	s12 =	simm.s32 $0x80;
	s4 =	rddreg [dreg:$0xd]  }
0x252: {  	[hbm:s23@s10], [sflag:s22] =	dma.strided [spmem:s4@s12], $0x2800, s5, $0x10   }
0x253: {  	s5 =	simm.s32 $0xC  }
0x254: {  	_ =	swait.ge [sflag:s5], $0x2800  }
0x255: {  	s13 =	rddreg [dreg:$0xe]  }
0x256: {  	s23 =	rddreg [dreg:$0xc];
	s10 =	sadd.s32 $0x1, s13  }
0x257: {  	p0 =	sne.s32 s10, s23  }
.Ltmp10:
0x258: {  	_ = 	snop;
	(pc) =	sbr.rel @p0 .LBB2_1-.Ltmp10, $3  }
0x259: {  	_ =	sdelay $0x1  }
0x25a: {  	[sflag:s5] =	ssyncset.done $0x0  }
0x25b: {  	[sflag:s5] =	ssyncadd.s32 $0xFFFFD800  }
0x25c: {  	_ =	sfence.sel $0x180000  }
0x25d: {  	[bflag:$0x0] =	sbarrier.arrive $0xFFFF  }
0x25e: {  	_ =	strace $0x90000047  }
0x25f: {  	s0 =	stileid.u32;
	[bflag:$0x2] =	sbarrier.arrive $0xFFFF  }
0x260: {  	p0 =	sne.s32 s0, $0x0;
	s0 =	rddreg [dreg:$0x4]  }
0x261: {  	s0 =	sadd.s32 @!p0 $0x100000, s0  }
0x262: {  	[sflag:s0] =	ssyncadd.tile.s32 @!p0 $0x1;
	_ =	shalt  }
.Lfunc_end2:
_tile_overlayer_lowered:
.L_overlay_start_2:
0x263: {  	(tag) =	ssettag $0x2  }
0x264: {  	s0 =	rddreg [dreg:$0x0];
	s2 =	stileid.u32  }
0x265: {  	s1 =	rddreg [dreg:$0x1];
	p0 =	sne.s32 s2, $0x0  }
0x266: {  	s3 =	rddreg [dreg:$0x2];
	[bflag:$0x3] =	sbarrier.arrive $0xFFFF;
	s2 =	simm.s32 @!p0 $0x1C0C  }
0x267: {  	[timem:s3], [sflag:s2] =	dma.local @!p0 [hbm:s0], s1  }
0x268: {  	s0 =	simm.s32 @!p0 $0xC  }
0x269: {  	_ =	swait.ge @!p0 [sflag:s0], s1  }
0x26a: {  	s1 =	ssub.s32 @!p0 $0x0, s1;
	[sflag:s0] =	ssyncset.done @!p0 $0x0  }
0x26b: {  	[sflag:s0] =	ssyncadd.s32 @!p0 s1  }
0x26c: {  	[bflag:$0x3] =	sbarrier.arrive $0xFFFF  }
0x26d: {  	_ =	shalt  }

</sc_bundles>
